<compile_context>
chip_gen: v7x
topology: tpu7x:2x2x1
jax: 0.10.2.dev20260603
libtpu: 0.0.44.dev20260713+nightly
codegen_flags: <defaults>
</compile_context>

<pallas_src>
import functools

import jax
import jax.numpy as jnp
from jax import lax
from jax.experimental import pallas as pl
from jax.experimental.pallas import tpu as pltpu
from jax.experimental.pallas import tpu_sc as plsc

SPARSE_NUM = 1000000
CHAR_DIM = 32
HIDDEN_DIM = 64
BATCH = 16384
N_FIELDS = 26

NC, NS = 2, 16
P_TOTAL = BATCH * N_FIELDS
P_PER_TILE = P_TOTAL // NS
IDX_CHUNKS = P_PER_TILE // 128
PLANES_PER_CORE = CHAR_DIM // NC
FIRE = 13
P_HALF = P_PER_TILE // 2
HALF_CHUNKS = P_HALF // 128
CHUNK_GROUPS = HALF_CHUNKS // FIRE


def _sc_gather(idx_hbm, table_hbm, out_hbm, idx_v, dst_a, dst_b,
               plane_s, sem, sem_a, sem_b):
  c = lax.axis_index("c")
  s = lax.axis_index("s")
  pltpu.sync_copy(idx_hbm.at[s], idx_v)
  pbase = s * P_PER_TILE

  def plane_body(p, carry):
    plane = c * PLANES_PER_CORE + p

    @pl.when(s == 0)
    def _load():
      pltpu.sync_copy(table_hbm.at[plane], plane_s)

    plsc.subcore_barrier()

    for half, dstv, semv in ((0, dst_a, sem_a), (1, dst_b, sem_b)):
      @pl.when(p >= 1)
      def _absorb():
        pltpu.make_async_copy(
            dstv, out_hbm.at[0, pl.ds(pbase, P_HALF)], semv).wait()

      def fire(kg):
        for j in range(FIRE):
          k = half * HALF_CHUNKS + kg * FIRE + j
          pltpu.async_copy(
              plane_s.at[idx_v.at[k]],
              dstv.at[pl.ds((kg * FIRE + j) * 128, 128)],
              sem,
          )

      def drain():
        for j in range(FIRE):
          pltpu.make_async_copy(
              plane_s.at[idx_v.at[0]], dstv.at[pl.ds(0, 128)], sem).wait()

      fire(0)

      def group(kg, carry2):
        fire(kg)
        drain()
        return carry2

      lax.fori_loop(1, CHUNK_GROUPS, group, 0)
      drain()

      pltpu.async_copy(
          dstv, out_hbm.at[plane, pl.ds(pbase + half * P_HALF, P_HALF)],
          semv)

    plsc.subcore_barrier()
    return carry

  lax.fori_loop(0, PLANES_PER_CORE, plane_body, 0)

  for dstv, semv in ((dst_a, sem_a), (dst_b, sem_b)):
    pltpu.make_async_copy(
        dstv, out_hbm.at[0, pl.ds(pbase, P_HALF)], semv).wait()


@functools.cache
def _sc_gather_call():
  return pl.kernel(
      _sc_gather,
      out_type=jax.ShapeDtypeStruct((CHAR_DIM, P_TOTAL), jnp.float32),
      mesh=plsc.VectorSubcoreMesh(core_axis_name="c", subcore_axis_name="s"),
      scratch_types=[
          pltpu.VMEM((IDX_CHUNKS, 128), jnp.int32),
          pltpu.VMEM((P_HALF,), jnp.float32),
          pltpu.VMEM((P_HALF,), jnp.float32),
          pltpu.VMEM_SHARED((SPARSE_NUM,), jnp.float32),
          pltpu.SemaphoreType.DMA,
          pltpu.SemaphoreType.DMA,
          pltpu.SemaphoreType.DMA,
      ],
  )


_TC_N = 16384
_TC_GRID = P_TOTAL // _TC_N
_BLK_PER_F = BATCH // _TC_N


def _tc_project(s_ref, w_ref, b_ref, y_ref):
  y = lax.dot_general(w_ref[...], s_ref[...], (((0,), (0,)), ((), ())),
                      preferred_element_type=jnp.float32)
  y_ref[...] = (y + b_ref[...][:, 0:1])[None]


def _project(s_planes, W_T, b_cols):
  return pl.pallas_call(
      _tc_project,
      grid=(_TC_GRID,),
      in_specs=[
          pl.BlockSpec((CHAR_DIM, _TC_N), lambda i: (0, i)),
          pl.BlockSpec((CHAR_DIM, HIDDEN_DIM), lambda i: (0, 0)),
          pl.BlockSpec((HIDDEN_DIM, 128), lambda i: (0, 0)),
      ],
      out_specs=pl.BlockSpec((1, HIDDEN_DIM, _TC_N),
                             lambda i: (i // _BLK_PER_F, 0, i % _BLK_PER_F)),
      out_shape=jax.ShapeDtypeStruct((N_FIELDS, HIDDEN_DIM, BATCH),
                                     jnp.float32),
  )(s_planes, W_T, b_cols)


def kernel(user_sparse_idx, emb_table, W, b):
  emb_t = emb_table.T
  idx_f = user_sparse_idx.T.reshape(NS, IDX_CHUNKS, 128)

  s_planes = _sc_gather_call()(idx_f, emb_t)

  W_T = W.T
  b_cols = jnp.broadcast_to(b.reshape(HIDDEN_DIM, 1), (HIDDEN_DIM, 128))

  y = _project(s_planes, W_T, b_cols)
  return jnp.transpose(y, (2, 0, 1))

# --- scband reference (transcript-rebuilt; emitter-appended) ---
"""Pipeline reference for scband-sparse-embedding-62723702390914 (READ-ONLY COPY).

The authoritative reference and input builder live on the scoring server;
editing this copy changes nothing except your own understanding.
"""

import jax, jax.numpy as jnp
import numpy as np

SPARSE_NUM = 1000000
CHAR_DIM = 32
HIDDEN_DIM = 64
BATCH = 16384
N_FIELDS = 26


def setup_inputs(seed: int = 0) -> dict:
    key = jax.random.key(seed)
    k_idx, k_emb, k_w, k_b = jax.random.split(key, 4)
    user_sparse_idx = jax.random.randint(k_idx, (BATCH, N_FIELDS), 0, SPARSE_NUM, dtype=jnp.int64 if jax.config.jax_enable_x64 else jnp.int32).astype(jnp.int32)
    # embedding table initialized like random_embedding: uniform(-scale, scale), scale = sqrt(3/char_dim)
    scale = np.sqrt(3.0 / CHAR_DIM)
    emb_table = jax.random.uniform(k_emb, (SPARSE_NUM, CHAR_DIM), minval=-scale, maxval=scale, dtype=jnp.float32)
    # Linear(char_dim -> hidden_dim): weight [hidden_dim, char_dim], bias [hidden_dim]
    bound = 1.0 / np.sqrt(CHAR_DIM)
    W = jax.random.uniform(k_w, (HIDDEN_DIM, CHAR_DIM), minval=-bound, maxval=bound, dtype=jnp.float32)
    b = jax.random.uniform(k_b, (HIDDEN_DIM,), minval=-bound, maxval=bound, dtype=jnp.float32)
    return {"user_sparse_idx": user_sparse_idx, "emb_table": emb_table, "W": W, "b": b}


def reference(user_sparse_idx, emb_table, W, b):
    # outputs = self.char_embedding_layer(user_sparse_idx)
    outputs = jnp.take(emb_table, user_sparse_idx, axis=0)  # [B, F, char_dim]
    # outputs = self.dense(outputs)  -> x @ W.T + b
    outputs = jnp.einsum('bfc,hc->bfh', outputs, W) + b  # [B, F, hidden_dim]
    return outputs

if __name__ == "__main__":
    import jax
    _d = setup_inputs()
    print(jax.jit(kernel)(*tuple(_d.values())))

</pallas_src>

<mosaic_0001>
#map = affine_map<(d0, d1) -> (0, 0, 0)>
#map1 = affine_map<(d0, d1) -> (0, 0)>
module attributes {stable_mosaic.version = 14 : i64} {
  func.func @_sc_gather(%arg0: i32, %arg1: i32, %arg2: memref<16x208x128xi32, #tpu.memory_space<hbm>>, %arg3: memref<32x1000000xf32, #tpu.memory_space<hbm>>, %arg4: memref<32x425984xf32, #tpu.memory_space<hbm>>, %arg5: memref<208x128xi32, #tpu.memory_space<vmem>>, %arg6: memref<13312xf32, #tpu.memory_space<vmem>>, %arg7: memref<13312xf32, #tpu.memory_space<vmem>>, %arg8: memref<1000000xf32, #tpu.memory_space<vmem_shared>>, %arg9: memref<!tpu.dma_semaphore, #tpu.memory_space<semaphore_mem>>, %arg10: memref<!tpu.dma_semaphore, #tpu.memory_space<semaphore_mem>>, %arg11: memref<!tpu.dma_semaphore, #tpu.memory_space<semaphore_mem>>) attributes {dimension_semantics = [#tpu.dimension_semantics<core_parallel>, #tpu.dimension_semantics<subcore_parallel>], iteration_bounds = array<i64: 2, 16>, scalar_prefetch = 0 : i64, scratch_operands = 7 : i64, tpu.core_type = #tpu.core_type<sc_vector_subcore>, window_params = [{transform_indices = #map}, {transform_indices = #map1}, {transform_indices = #map1}]} {
    "tpu.region"() ({
      %run_scoped3A = tpu.sem_alloc : memref<!tpu.dma_semaphore, #tpu.memory_space<semaphore_mem>>
      %dma_start3A = arith.constant 0 : i32
      %dma_start3A_15 = arith.constant 0 : i32
      %dma_start3A_16 = tpu.memref_slice %arg2[%arg1, %dma_start3A, %dma_start3A_15] : memref<16x208x128xi32, #tpu.memory_space<hbm>> -> memref<1x208x128xi32, #tpu.memory_space<hbm>>
      %dma_start3A_17 = tpu.memref_squeeze %dma_start3A_16 : memref<1x208x128xi32, #tpu.memory_space<hbm>> -> memref<208x128xi32, #tpu.memory_space<hbm>>
      %dma_start3A_18 = arith.constant 0 : i32
      %dma_start3A_19 = arith.constant 0 : i32
      %dma_start3A_20 = tpu.memref_slice %arg2[%arg1, %dma_start3A_18, %dma_start3A_19] : memref<16x208x128xi32, #tpu.memory_space<hbm>> -> memref<1x208x128xi32, #tpu.memory_space<hbm>>
      %dma_start3A_21 = tpu.memref_squeeze %dma_start3A_20 : memref<1x208x128xi32, #tpu.memory_space<hbm>> -> memref<208x128xi32, #tpu.memory_space<hbm>>
      tpu.enqueue_dma source(%dma_start3A_21 : memref<208x128xi32, #tpu.memory_space<hbm>>) target(%arg5 : memref<208x128xi32, #tpu.memory_space<vmem>>) target_semaphore(%run_scoped3A : memref<!tpu.dma_semaphore, #tpu.memory_space<semaphore_mem>>)
      %dma_wait3A_22 = arith.constant 0 : i32
      %dma_wait3A_23 = arith.constant 0 : i32
      %dma_wait3A_24 = tpu.memref_slice %arg2[%arg1, %dma_wait3A_22, %dma_wait3A_23] : memref<16x208x128xi32, #tpu.memory_space<hbm>> -> memref<1x208x128xi32, #tpu.memory_space<hbm>>
      %dma_wait3A_25 = tpu.memref_squeeze %dma_wait3A_24 : memref<1x208x128xi32, #tpu.memory_space<hbm>> -> memref<208x128xi32, #tpu.memory_space<hbm>>
      %dma_wait3A_26 = arith.constant 0 : i32
      %dma_wait3A_27 = arith.constant 0 : i32
      %dma_wait3A_28 = tpu.memref_slice %arg2[%arg1, %dma_wait3A_26, %dma_wait3A_27] : memref<16x208x128xi32, #tpu.memory_space<hbm>> -> memref<1x208x128xi32, #tpu.memory_space<hbm>>
      %dma_wait3A_29 = tpu.memref_squeeze %dma_wait3A_28 : memref<1x208x128xi32, #tpu.memory_space<hbm>> -> memref<208x128xi32, #tpu.memory_space<hbm>>
      tpu.wait_dma2 semaphore(%run_scoped3A : memref<!tpu.dma_semaphore, #tpu.memory_space<semaphore_mem>>) src(%dma_wait3A_29 : memref<208x128xi32, #tpu.memory_space<hbm>>) dst(%arg5 : memref<208x128xi32, #tpu.memory_space<vmem>>)
      tpu.yield
    }) : () -> ()
    %mul3A = arith.constant 26624 : i32
    %mul3A_0 = arith.muli %arg1, %mul3A : i32
    %scan3A = arith.constant 0 : i32
    %scan3A_1 = arith.constant 0 : i32
    %scan3A_2 = arith.constant 16 : i32
    %scan3A_3 = arith.addi %scan3A_1, %scan3A_2 : i32
    %scan3A_4 = arith.constant 1 : i32
    scf.for %scan3A_15 = %scan3A_1 to %scan3A_3 step %scan3A_4  : i32 {
      %mul3A_16 = arith.constant 16 : i32
      %mul3A_17 = arith.muli %arg0, %mul3A_16 : i32
      %add3A = arith.addi %mul3A_17, %scan3A_15 : i32
      %eq3A = arith.constant 0 : i32
      %eq3A_18 = arith.cmpi eq, %arg1, %eq3A : i32
      %convert_element_type3A = arith.extui %eq3A_18 : i1 to i32
      %cond3A = arith.constant 0 : i32
      %cond3A_19 = arith.cmpi ne, %convert_element_type3A, %cond3A : i32
      scf.if %cond3A_19 {
        "tpu.region"() ({
          %run_scoped3A = tpu.sem_alloc : memref<!tpu.dma_semaphore, #tpu.memory_space<semaphore_mem>>
          %dma_start3A_469 = arith.constant 0 : i32
          %dma_start3A_470 = tpu.memref_slice %arg3[%add3A, %dma_start3A_469] : memref<32x1000000xf32, #tpu.memory_space<hbm>> -> memref<1x1000000xf32, #tpu.memory_space<hbm>>
          %dma_start3A_471 = tpu.memref_squeeze %dma_start3A_470 : memref<1x1000000xf32, #tpu.memory_space<hbm>> -> memref<1000000xf32, #tpu.memory_space<hbm>>
          tpu.enqueue_dma source(%dma_start3A_471 : memref<1000000xf32, #tpu.memory_space<hbm>>) target(%arg8 : memref<1000000xf32, #tpu.memory_space<vmem_shared>>) target_semaphore(%run_scoped3A : memref<!tpu.dma_semaphore, #tpu.memory_space<semaphore_mem>>)
          %dma_wait3A_472 = arith.constant 0 : i32
          %dma_wait3A_473 = tpu.memref_slice %arg3[%add3A, %dma_wait3A_472] : memref<32x1000000xf32, #tpu.memory_space<hbm>> -> memref<1x1000000xf32, #tpu.memory_space<hbm>>
          %dma_wait3A_474 = tpu.memref_squeeze %dma_wait3A_473 : memref<1x1000000xf32, #tpu.memory_space<hbm>> -> memref<1000000xf32, #tpu.memory_space<hbm>>
          tpu.wait_dma2 semaphore(%run_scoped3A : memref<!tpu.dma_semaphore, #tpu.memory_space<semaphore_mem>>) src(%dma_wait3A_474 : memref<1000000xf32, #tpu.memory_space<hbm>>) dst(%arg8 : memref<1000000xf32, #tpu.memory_space<vmem_shared>>)
          tpu.yield
        }) : () -> ()
      } else {
      }
      %barrier3A = arith.constant 0 : index
      tpu.barrier barrier_id(%barrier3A)
      %ge3A = arith.constant 1 : i32
      %ge3A_20 = arith.cmpi sge, %scan3A_15, %ge3A : i32
      %convert_element_type3A_21 = arith.extui %ge3A_20 : i1 to i32
      %cond3A_22 = arith.constant 0 : i32
      %cond3A_23 = arith.cmpi ne, %convert_element_type3A_21, %cond3A_22 : i32
      scf.if %cond3A_23 {
        %dma_wait3A_469 = arith.constant 0 : i32
        %dma_wait3A_470 = tpu.memref_slice %arg4[%dma_wait3A_469, %mul3A_0] : memref<32x425984xf32, #tpu.memory_space<hbm>> -> memref<1x13312xf32, #tpu.memory_space<hbm>>
        %dma_wait3A_471 = tpu.memref_squeeze %dma_wait3A_470 : memref<1x13312xf32, #tpu.memory_space<hbm>> -> memref<13312xf32, #tpu.memory_space<hbm>>
        %dma_wait3A_472 = tpu.memref_slice %arg4[%dma_wait3A_469, %mul3A_0] : memref<32x425984xf32, #tpu.memory_space<hbm>> -> memref<1x13312xf32, #tpu.memory_space<hbm>>
        %dma_wait3A_473 = tpu.memref_squeeze %dma_wait3A_472 : memref<1x13312xf32, #tpu.memory_space<hbm>> -> memref<13312xf32, #tpu.memory_space<hbm>>
        tpu.wait_dma2 semaphore(%arg10 : memref<!tpu.dma_semaphore, #tpu.memory_space<semaphore_mem>>) src(%arg6 : memref<13312xf32, #tpu.memory_space<vmem>>) dst(%dma_wait3A_473 : memref<13312xf32, #tpu.memory_space<hbm>>)
      } else {
      }
      %dma_start3A = arith.constant 0 : i32
      %dma_start3A_24 = arith.constant 0 : i32
      %dma_start3A_25 = tpu.memref_slice %arg6[%dma_start3A_24] : memref<13312xf32, #tpu.memory_space<vmem>> -> memref<128xf32, #tpu.memory_space<vmem>>
      %dma_start3A_26 = arith.constant 0 : i32
      %dma_start3A_27 = tpu.memref_slice %arg5[%dma_start3A, %dma_start3A_26] : memref<208x128xi32, #tpu.memory_space<vmem>> -> memref<1x128xi32, #tpu.memory_space<vmem>>
      %dma_start3A_28 = tpu.memref_squeeze %dma_start3A_27 : memref<1x128xi32, #tpu.memory_space<vmem>> -> memref<128xi32, #tpu.memory_space<vmem>>
      %dma_start3A_29 = arith.constant 0 : i32
      %dma_start3A_30 = tpu.memref_slice %arg8[%dma_start3A_29] : memref<1000000xf32, #tpu.memory_space<vmem_shared>> -> memref<1000000xf32, #tpu.memory_space<vmem_shared>>
      tpu.enqueue_indirect_dma source(%dma_start3A_30 : memref<1000000xf32, #tpu.memory_space<vmem_shared>>) target(%dma_start3A_25 : memref<128xf32, #tpu.memory_space<vmem>>) offsets(%dma_start3A_28 : memref<128xi32, #tpu.memory_space<vmem>>) semaphore(%arg9 : memref<!tpu.dma_semaphore, #tpu.memory_space<semaphore_mem>>)
      %dma_start3A_31 = arith.constant 1 : i32
      %dma_start3A_32 = arith.constant 128 : i32
      %dma_start3A_33 = tpu.memref_slice %arg6[%dma_start3A_32] : memref<13312xf32, #tpu.memory_space<vmem>> -> memref<128xf32, #tpu.memory_space<vmem>>
      %dma_start3A_34 = arith.constant 0 : i32
      %dma_start3A_35 = tpu.memref_slice %arg5[%dma_start3A_31, %dma_start3A_34] : memref<208x128xi32, #tpu.memory_space<vmem>> -> memref<1x128xi32, #tpu.memory_space<vmem>>
      %dma_start3A_36 = tpu.memref_squeeze %dma_start3A_35 : memref<1x128xi32, #tpu.memory_space<vmem>> -> memref<128xi32, #tpu.memory_space<vmem>>
      %dma_start3A_37 = arith.constant 0 : i32
      %dma_start3A_38 = tpu.memref_slice %arg8[%dma_start3A_37] : memref<1000000xf32, #tpu.memory_space<vmem_shared>> -> memref<1000000xf32, #tpu.memory_space<vmem_shared>>
      tpu.enqueue_indirect_dma source(%dma_start3A_38 : memref<1000000xf32, #tpu.memory_space<vmem_shared>>) target(%dma_start3A_33 : memref<128xf32, #tpu.memory_space<vmem>>) offsets(%dma_start3A_36 : memref<128xi32, #tpu.memory_space<vmem>>) semaphore(%arg9 : memref<!tpu.dma_semaphore, #tpu.memory_space<semaphore_mem>>)
      %dma_start3A_39 = arith.constant 2 : i32
      %dma_start3A_40 = arith.constant 256 : i32
      %dma_start3A_41 = tpu.memref_slice %arg6[%dma_start3A_40] : memref<13312xf32, #tpu.memory_space<vmem>> -> memref<128xf32, #tpu.memory_space<vmem>>
      %dma_start3A_42 = arith.constant 0 : i32
      %dma_start3A_43 = tpu.memref_slice %arg5[%dma_start3A_39, %dma_start3A_42] : memref<208x128xi32, #tpu.memory_space<vmem>> -> memref<1x128xi32, #tpu.memory_space<vmem>>
      %dma_start3A_44 = tpu.memref_squeeze %dma_start3A_43 : memref<1x128xi32, #tpu.memory_space<vmem>> -> memref<128xi32, #tpu.memory_space<vmem>>
      %dma_start3A_45 = arith.constant 0 : i32
      %dma_start3A_46 = tpu.memref_slice %arg8[%dma_start3A_45] : memref<1000000xf32, #tpu.memory_space<vmem_shared>> -> memref<1000000xf32, #tpu.memory_space<vmem_shared>>
      tpu.enqueue_indirect_dma source(%dma_start3A_46 : memref<1000000xf32, #tpu.memory_space<vmem_shared>>) target(%dma_start3A_41 : memref<128xf32, #tpu.memory_space<vmem>>) offsets(%dma_start3A_44 : memref<128xi32, #tpu.memory_space<vmem>>) semaphore(%arg9 : memref<!tpu.dma_semaphore, #tpu.memory_space<semaphore_mem>>)
      %dma_start3A_47 = arith.constant 3 : i32
      %dma_start3A_48 = arith.constant 384 : i32
      %dma_start3A_49 = tpu.memref_slice %arg6[%dma_start3A_48] : memref<13312xf32, #tpu.memory_space<vmem>> -> memref<128xf32, #tpu.memory_space<vmem>>
      %dma_start3A_50 = arith.constant 0 : i32
      %dma_start3A_51 = tpu.memref_slice %arg5[%dma_start3A_47, %dma_start3A_50] : memref<208x128xi32, #tpu.memory_space<vmem>> -> memref<1x128xi32, #tpu.memory_space<vmem>>
      %dma_start3A_52 = tpu.memref_squeeze %dma_start3A_51 : memref<1x128xi32, #tpu.memory_space<vmem>> -> memref<128xi32, #tpu.memory_space<vmem>>
      %dma_start3A_53 = arith.constant 0 : i32
      %dma_start3A_54 = tpu.memref_slice %arg8[%dma_start3A_53] : memref<1000000xf32, #tpu.memory_space<vmem_shared>> -> memref<1000000xf32, #tpu.memory_space<vmem_shared>>
      tpu.enqueue_indirect_dma source(%dma_start3A_54 : memref<1000000xf32, #tpu.memory_space<vmem_shared>>) target(%dma_start3A_49 : memref<128xf32, #tpu.memory_space<vmem>>) offsets(%dma_start3A_52 : memref<128xi32, #tpu.memory_space<vmem>>) semaphore(%arg9 : memref<!tpu.dma_semaphore, #tpu.memory_space<semaphore_mem>>)
      %dma_start3A_55 = arith.constant 4 : i32
      %dma_start3A_56 = arith.constant 512 : i32
      %dma_start3A_57 = tpu.memref_slice %arg6[%dma_start3A_56] : memref<13312xf32, #tpu.memory_space<vmem>> -> memref<128xf32, #tpu.memory_space<vmem>>
      %dma_start3A_58 = arith.constant 0 : i32
      %dma_start3A_59 = tpu.memref_slice %arg5[%dma_start3A_55, %dma_start3A_58] : memref<208x128xi32, #tpu.memory_space<vmem>> -> memref<1x128xi32, #tpu.memory_space<vmem>>
      %dma_start3A_60 = tpu.memref_squeeze %dma_start3A_59 : memref<1x128xi32, #tpu.memory_space<vmem>> -> memref<128xi32, #tpu.memory_space<vmem>>
      %dma_start3A_61 = arith.constant 0 : i32
      %dma_start3A_62 = tpu.memref_slice %arg8[%dma_start3A_61] : memref<1000000xf32, #tpu.memory_space<vmem_shared>> -> memref<1000000xf32, #tpu.memory_space<vmem_shared>>
      tpu.enqueue_indirect_dma source(%dma_start3A_62 : memref<1000000xf32, #tpu.memory_space<vmem_shared>>) target(%dma_start3A_57 : memref<128xf32, #tpu.memory_space<vmem>>) offsets(%dma_start3A_60 : memref<128xi32, #tpu.memory_space<vmem>>) semaphore(%arg9 : memref<!tpu.dma_semaphore, #tpu.memory_space<semaphore_mem>>)
      %dma_start3A_63 = arith.constant 5 : i32
      %dma_start3A_64 = arith.constant 640 : i32
      %dma_start3A_65 = tpu.memref_slice %arg6[%dma_start3A_64] : memref<13312xf32, #tpu.memory_space<vmem>> -> memref<128xf32, #tpu.memory_space<vmem>>
      %dma_start3A_66 = arith.constant 0 : i32
      %dma_start3A_67 = tpu.memref_slice %arg5[%dma_start3A_63, %dma_start3A_66] : memref<208x128xi32, #tpu.memory_space<vmem>> -> memref<1x128xi32, #tpu.memory_space<vmem>>
      %dma_start3A_68 = tpu.memref_squeeze %dma_start3A_67 : memref<1x128xi32, #tpu.memory_space<vmem>> -> memref<128xi32, #tpu.memory_space<vmem>>
      %dma_start3A_69 = arith.constant 0 : i32
      %dma_start3A_70 = tpu.memref_slice %arg8[%dma_start3A_69] : memref<1000000xf32, #tpu.memory_space<vmem_shared>> -> memref<1000000xf32, #tpu.memory_space<vmem_shared>>
      tpu.enqueue_indirect_dma source(%dma_start3A_70 : memref<1000000xf32, #tpu.memory_space<vmem_shared>>) target(%dma_start3A_65 : memref<128xf32, #tpu.memory_space<vmem>>) offsets(%dma_start3A_68 : memref<128xi32, #tpu.memory_space<vmem>>) semaphore(%arg9 : memref<!tpu.dma_semaphore, #tpu.memory_space<semaphore_mem>>)
      %dma_start3A_71 = arith.constant 6 : i32
      %dma_start3A_72 = arith.constant 768 : i32
      %dma_start3A_73 = tpu.memref_slice %arg6[%dma_start3A_72] : memref<13312xf32, #tpu.memory_space<vmem>> -> memref<128xf32, #tpu.memory_space<vmem>>
      %dma_start3A_74 = arith.constant 0 : i32
      %dma_start3A_75 = tpu.memref_slice %arg5[%dma_start3A_71, %dma_start3A_74] : memref<208x128xi32, #tpu.memory_space<vmem>> -> memref<1x128xi32, #tpu.memory_space<vmem>>
      %dma_start3A_76 = tpu.memref_squeeze %dma_start3A_75 : memref<1x128xi32, #tpu.memory_space<vmem>> -> memref<128xi32, #tpu.memory_space<vmem>>
      %dma_start3A_77 = arith.constant 0 : i32
      %dma_start3A_78 = tpu.memref_slice %arg8[%dma_start3A_77] : memref<1000000xf32, #tpu.memory_space<vmem_shared>> -> memref<1000000xf32, #tpu.memory_space<vmem_shared>>
      tpu.enqueue_indirect_dma source(%dma_start3A_78 : memref<1000000xf32, #tpu.memory_space<vmem_shared>>) target(%dma_start3A_73 : memref<128xf32, #tpu.memory_space<vmem>>) offsets(%dma_start3A_76 : memref<128xi32, #tpu.memory_space<vmem>>) semaphore(%arg9 : memref<!tpu.dma_semaphore, #tpu.memory_space<semaphore_mem>>)
      %dma_start3A_79 = arith.constant 7 : i32
      %dma_start3A_80 = arith.constant 896 : i32
      %dma_start3A_81 = tpu.memref_slice %arg6[%dma_start3A_80] : memref<13312xf32, #tpu.memory_space<vmem>> -> memref<128xf32, #tpu.memory_space<vmem>>
      %dma_start3A_82 = arith.constant 0 : i32
      %dma_start3A_83 = tpu.memref_slice %arg5[%dma_start3A_79, %dma_start3A_82] : memref<208x128xi32, #tpu.memory_space<vmem>> -> memref<1x128xi32, #tpu.memory_space<vmem>>
      %dma_start3A_84 = tpu.memref_squeeze %dma_start3A_83 : memref<1x128xi32, #tpu.memory_space<vmem>> -> memref<128xi32, #tpu.memory_space<vmem>>
      %dma_start3A_85 = arith.constant 0 : i32
      %dma_start3A_86 = tpu.memref_slice %arg8[%dma_start3A_85] : memref<1000000xf32, #tpu.memory_space<vmem_shared>> -> memref<1000000xf32, #tpu.memory_space<vmem_shared>>
      tpu.enqueue_indirect_dma source(%dma_start3A_86 : memref<1000000xf32, #tpu.memory_space<vmem_shared>>) target(%dma_start3A_81 : memref<128xf32, #tpu.memory_space<vmem>>) offsets(%dma_start3A_84 : memref<128xi32, #tpu.memory_space<vmem>>) semaphore(%arg9 : memref<!tpu.dma_semaphore, #tpu.memory_space<semaphore_mem>>)
      %dma_start3A_87 = arith.constant 8 : i32
      %dma_start3A_88 = arith.constant 1024 : i32
      %dma_start3A_89 = tpu.memref_slice %arg6[%dma_start3A_88] : memref<13312xf32, #tpu.memory_space<vmem>> -> memref<128xf32, #tpu.memory_space<vmem>>
      %dma_start3A_90 = arith.constant 0 : i32
      %dma_start3A_91 = tpu.memref_slice %arg5[%dma_start3A_87, %dma_start3A_90] : memref<208x128xi32, #tpu.memory_space<vmem>> -> memref<1x128xi32, #tpu.memory_space<vmem>>
      %dma_start3A_92 = tpu.memref_squeeze %dma_start3A_91 : memref<1x128xi32, #tpu.memory_space<vmem>> -> memref<128xi32, #tpu.memory_space<vmem>>
      %dma_start3A_93 = arith.constant 0 : i32
      %dma_start3A_94 = tpu.memref_slice %arg8[%dma_start3A_93] : memref<1000000xf32, #tpu.memory_space<vmem_shared>> -> memref<1000000xf32, #tpu.memory_space<vmem_shared>>
      tpu.enqueue_indirect_dma source(%dma_start3A_94 : memref<1000000xf32, #tpu.memory_space<vmem_shared>>) target(%dma_start3A_89 : memref<128xf32, #tpu.memory_space<vmem>>) offsets(%dma_start3A_92 : memref<128xi32, #tpu.memory_space<vmem>>) semaphore(%arg9 : memref<!tpu.dma_semaphore, #tpu.memory_space<semaphore_mem>>)
      %dma_start3A_95 = arith.constant 9 : i32
      %dma_start3A_96 = arith.constant 1152 : i32
      %dma_start3A_97 = tpu.memref_slice %arg6[%dma_start3A_96] : memref<13312xf32, #tpu.memory_space<vmem>> -> memref<128xf32, #tpu.memory_space<vmem>>
      %dma_start3A_98 = arith.constant 0 : i32
      %dma_start3A_99 = tpu.memref_slice %arg5[%dma_start3A_95, %dma_start3A_98] : memref<208x128xi32, #tpu.memory_space<vmem>> -> memref<1x128xi32, #tpu.memory_space<vmem>>
      %dma_start3A_100 = tpu.memref_squeeze %dma_start3A_99 : memref<1x128xi32, #tpu.memory_space<vmem>> -> memref<128xi32, #tpu.memory_space<vmem>>
      %dma_start3A_101 = arith.constant 0 : i32
      %dma_start3A_102 = tpu.memref_slice %arg8[%dma_start3A_101] : memref<1000000xf32, #tpu.memory_space<vmem_shared>> -> memref<1000000xf32, #tpu.memory_space<vmem_shared>>
      tpu.enqueue_indirect_dma source(%dma_start3A_102 : memref<1000000xf32, #tpu.memory_space<vmem_shared>>) target(%dma_start3A_97 : memref<128xf32, #tpu.memory_space<vmem>>) offsets(%dma_start3A_100 : memref<128xi32, #tpu.memory_space<vmem>>) semaphore(%arg9 : memref<!tpu.dma_semaphore, #tpu.memory_space<semaphore_mem>>)
      %dma_start3A_103 = arith.constant 10 : i32
      %dma_start3A_104 = arith.constant 1280 : i32
      %dma_start3A_105 = tpu.memref_slice %arg6[%dma_start3A_104] : memref<13312xf32, #tpu.memory_space<vmem>> -> memref<128xf32, #tpu.memory_space<vmem>>
      %dma_start3A_106 = arith.constant 0 : i32
      %dma_start3A_107 = tpu.memref_slice %arg5[%dma_start3A_103, %dma_start3A_106] : memref<208x128xi32, #tpu.memory_space<vmem>> -> memref<1x128xi32, #tpu.memory_space<vmem>>
      %dma_start3A_108 = tpu.memref_squeeze %dma_start3A_107 : memref<1x128xi32, #tpu.memory_space<vmem>> -> memref<128xi32, #tpu.memory_space<vmem>>
      %dma_start3A_109 = arith.constant 0 : i32
      %dma_start3A_110 = tpu.memref_slice %arg8[%dma_start3A_109] : memref<1000000xf32, #tpu.memory_space<vmem_shared>> -> memref<1000000xf32, #tpu.memory_space<vmem_shared>>
      tpu.enqueue_indirect_dma source(%dma_start3A_110 : memref<1000000xf32, #tpu.memory_space<vmem_shared>>) target(%dma_start3A_105 : memref<128xf32, #tpu.memory_space<vmem>>) offsets(%dma_start3A_108 : memref<128xi32, #tpu.memory_space<vmem>>) semaphore(%arg9 : memref<!tpu.dma_semaphore, #tpu.memory_space<semaphore_mem>>)
      %dma_start3A_111 = arith.constant 11 : i32
      %dma_start3A_112 = arith.constant 1408 : i32
      %dma_start3A_113 = tpu.memref_slice %arg6[%dma_start3A_112] : memref<13312xf32, #tpu.memory_space<vmem>> -> memref<128xf32, #tpu.memory_space<vmem>>
      %dma_start3A_114 = arith.constant 0 : i32
      %dma_start3A_115 = tpu.memref_slice %arg5[%dma_start3A_111, %dma_start3A_114] : memref<208x128xi32, #tpu.memory_space<vmem>> -> memref<1x128xi32, #tpu.memory_space<vmem>>
      %dma_start3A_116 = tpu.memref_squeeze %dma_start3A_115 : memref<1x128xi32, #tpu.memory_space<vmem>> -> memref<128xi32, #tpu.memory_space<vmem>>
      %dma_start3A_117 = arith.constant 0 : i32
      %dma_start3A_118 = tpu.memref_slice %arg8[%dma_start3A_117] : memref<1000000xf32, #tpu.memory_space<vmem_shared>> -> memref<1000000xf32, #tpu.memory_space<vmem_shared>>
      tpu.enqueue_indirect_dma source(%dma_start3A_118 : memref<1000000xf32, #tpu.memory_space<vmem_shared>>) target(%dma_start3A_113 : memref<128xf32, #tpu.memory_space<vmem>>) offsets(%dma_start3A_116 : memref<128xi32, #tpu.memory_space<vmem>>) semaphore(%arg9 : memref<!tpu.dma_semaphore, #tpu.memory_space<semaphore_mem>>)
      %dma_start3A_119 = arith.constant 12 : i32
      %dma_start3A_120 = arith.constant 1536 : i32
      %dma_start3A_121 = tpu.memref_slice %arg6[%dma_start3A_120] : memref<13312xf32, #tpu.memory_space<vmem>> -> memref<128xf32, #tpu.memory_space<vmem>>
      %dma_start3A_122 = arith.constant 0 : i32
      %dma_start3A_123 = tpu.memref_slice %arg5[%dma_start3A_119, %dma_start3A_122] : memref<208x128xi32, #tpu.memory_space<vmem>> -> memref<1x128xi32, #tpu.memory_space<vmem>>
      %dma_start3A_124 = tpu.memref_squeeze %dma_start3A_123 : memref<1x128xi32, #tpu.memory_space<vmem>> -> memref<128xi32, #tpu.memory_space<vmem>>
      %dma_start3A_125 = arith.constant 0 : i32
      %dma_start3A_126 = tpu.memref_slice %arg8[%dma_start3A_125] : memref<1000000xf32, #tpu.memory_space<vmem_shared>> -> memref<1000000xf32, #tpu.memory_space<vmem_shared>>
      tpu.enqueue_indirect_dma source(%dma_start3A_126 : memref<1000000xf32, #tpu.memory_space<vmem_shared>>) target(%dma_start3A_121 : memref<128xf32, #tpu.memory_space<vmem>>) offsets(%dma_start3A_124 : memref<128xi32, #tpu.memory_space<vmem>>) semaphore(%arg9 : memref<!tpu.dma_semaphore, #tpu.memory_space<semaphore_mem>>)
      %scan3A_127 = arith.constant 0 : i32
      %scan3A_128 = arith.constant 1 : i32
      %scan3A_129 = arith.constant 7 : i32
      %scan3A_130 = arith.addi %scan3A_128, %scan3A_129 : i32
      %scan3A_131 = arith.constant 1 : i32
      scf.for %scan3A_469 = %scan3A_128 to %scan3A_130 step %scan3A_131  : i32 {
        %mul3A_470 = arith.constant 13 : i32
        %mul3A_471 = arith.muli %scan3A_469, %mul3A_470 : i32
        %add3A_472 = arith.constant 0 : i32
        %add3A_473 = arith.addi %add3A_472, %mul3A_471 : i32
        %add3A_474 = arith.constant 0 : i32
        %add3A_475 = arith.addi %add3A_473, %add3A_474 : i32
        %mul3A_476 = arith.constant 13 : i32
        %mul3A_477 = arith.muli %scan3A_469, %mul3A_476 : i32
        %add3A_478 = arith.constant 0 : i32
        %add3A_479 = arith.addi %mul3A_477, %add3A_478 : i32
        %mul3A_480 = arith.constant 128 : i32
        %mul3A_481 = arith.muli %add3A_479, %mul3A_480 : i32
        %dma_start3A_482 = tpu.memref_slice %arg6[%mul3A_481] : memref<13312xf32, #tpu.memory_space<vmem>> -> memref<128xf32, #tpu.memory_space<vmem>>
        %dma_start3A_483 = arith.constant 0 : i32
        %dma_start3A_484 = tpu.memref_slice %arg5[%add3A_475, %dma_start3A_483] : memref<208x128xi32, #tpu.memory_space<vmem>> -> memref<1x128xi32, #tpu.memory_space<vmem>>
        %dma_start3A_485 = tpu.memref_squeeze %dma_start3A_484 : memref<1x128xi32, #tpu.memory_space<vmem>> -> memref<128xi32, #tpu.memory_space<vmem>>
        %dma_start3A_486 = arith.constant 0 : i32
        %dma_start3A_487 = tpu.memref_slice %arg8[%dma_start3A_486] : memref<1000000xf32, #tpu.memory_space<vmem_shared>> -> memref<1000000xf32, #tpu.memory_space<vmem_shared>>
        tpu.enqueue_indirect_dma source(%dma_start3A_487 : memref<1000000xf32, #tpu.memory_space<vmem_shared>>) target(%dma_start3A_482 : memref<128xf32, #tpu.memory_space<vmem>>) offsets(%dma_start3A_485 : memref<128xi32, #tpu.memory_space<vmem>>) semaphore(%arg9 : memref<!tpu.dma_semaphore, #tpu.memory_space<semaphore_mem>>)
        %mul3A_488 = arith.constant 13 : i32
        %mul3A_489 = arith.muli %scan3A_469, %mul3A_488 : i32
        %add3A_490 = arith.constant 0 : i32
        %add3A_491 = arith.addi %add3A_490, %mul3A_489 : i32
        %add3A_492 = arith.constant 1 : i32
        %add3A_493 = arith.addi %add3A_491, %add3A_492 : i32
        %mul3A_494 = arith.constant 13 : i32
        %mul3A_495 = arith.muli %scan3A_469, %mul3A_494 : i32
        %add3A_496 = arith.constant 1 : i32
        %add3A_497 = arith.addi %mul3A_495, %add3A_496 : i32
        %mul3A_498 = arith.constant 128 : i32
        %mul3A_499 = arith.muli %add3A_497, %mul3A_498 : i32
        %dma_start3A_500 = tpu.memref_slice %arg6[%mul3A_499] : memref<13312xf32, #tpu.memory_space<vmem>> -> memref<128xf32, #tpu.memory_space<vmem>>
        %dma_start3A_501 = arith.constant 0 : i32
        %dma_start3A_502 = tpu.memref_slice %arg5[%add3A_493, %dma_start3A_501] : memref<208x128xi32, #tpu.memory_space<vmem>> -> memref<1x128xi32, #tpu.memory_space<vmem>>
        %dma_start3A_503 = tpu.memref_squeeze %dma_start3A_502 : memref<1x128xi32, #tpu.memory_space<vmem>> -> memref<128xi32, #tpu.memory_space<vmem>>
        %dma_start3A_504 = arith.constant 0 : i32
        %dma_start3A_505 = tpu.memref_slice %arg8[%dma_start3A_504] : memref<1000000xf32, #tpu.memory_space<vmem_shared>> -> memref<1000000xf32, #tpu.memory_space<vmem_shared>>
        tpu.enqueue_indirect_dma source(%dma_start3A_505 : memref<1000000xf32, #tpu.memory_space<vmem_shared>>) target(%dma_start3A_500 : memref<128xf32, #tpu.memory_space<vmem>>) offsets(%dma_start3A_503 : memref<128xi32, #tpu.memory_space<vmem>>) semaphore(%arg9 : memref<!tpu.dma_semaphore, #tpu.memory_space<semaphore_mem>>)
        %mul3A_506 = arith.constant 13 : i32
        %mul3A_507 = arith.muli %scan3A_469, %mul3A_506 : i32
        %add3A_508 = arith.constant 0 : i32
        %add3A_509 = arith.addi %add3A_508, %mul3A_507 : i32
        %add3A_510 = arith.constant 2 : i32
        %add3A_511 = arith.addi %add3A_509, %add3A_510 : i32
        %mul3A_512 = arith.constant 13 : i32
        %mul3A_513 = arith.muli %scan3A_469, %mul3A_512 : i32
        %add3A_514 = arith.constant 2 : i32
        %add3A_515 = arith.addi %mul3A_513, %add3A_514 : i32
        %mul3A_516 = arith.constant 128 : i32
        %mul3A_517 = arith.muli %add3A_515, %mul3A_516 : i32
        %dma_start3A_518 = tpu.memref_slice %arg6[%mul3A_517] : memref<13312xf32, #tpu.memory_space<vmem>> -> memref<128xf32, #tpu.memory_space<vmem>>
        %dma_start3A_519 = arith.constant 0 : i32
        %dma_start3A_520 = tpu.memref_slice %arg5[%add3A_511, %dma_start3A_519] : memref<208x128xi32, #tpu.memory_space<vmem>> -> memref<1x128xi32, #tpu.memory_space<vmem>>
        %dma_start3A_521 = tpu.memref_squeeze %dma_start3A_520 : memref<1x128xi32, #tpu.memory_space<vmem>> -> memref<128xi32, #tpu.memory_space<vmem>>
        %dma_start3A_522 = arith.constant 0 : i32
        %dma_start3A_523 = tpu.memref_slice %arg8[%dma_start3A_522] : memref<1000000xf32, #tpu.memory_space<vmem_shared>> -> memref<1000000xf32, #tpu.memory_space<vmem_shared>>
        tpu.enqueue_indirect_dma source(%dma_start3A_523 : memref<1000000xf32, #tpu.memory_space<vmem_shared>>) target(%dma_start3A_518 : memref<128xf32, #tpu.memory_space<vmem>>) offsets(%dma_start3A_521 : memref<128xi32, #tpu.memory_space<vmem>>) semaphore(%arg9 : memref<!tpu.dma_semaphore, #tpu.memory_space<semaphore_mem>>)
        %mul3A_524 = arith.constant 13 : i32
        %mul3A_525 = arith.muli %scan3A_469, %mul3A_524 : i32
        %add3A_526 = arith.constant 0 : i32
        %add3A_527 = arith.addi %add3A_526, %mul3A_525 : i32
        %add3A_528 = arith.constant 3 : i32
        %add3A_529 = arith.addi %add3A_527, %add3A_528 : i32
        %mul3A_530 = arith.constant 13 : i32
        %mul3A_531 = arith.muli %scan3A_469, %mul3A_530 : i32
        %add3A_532 = arith.constant 3 : i32
        %add3A_533 = arith.addi %mul3A_531, %add3A_532 : i32
        %mul3A_534 = arith.constant 128 : i32
        %mul3A_535 = arith.muli %add3A_533, %mul3A_534 : i32
        %dma_start3A_536 = tpu.memref_slice %arg6[%mul3A_535] : memref<13312xf32, #tpu.memory_space<vmem>> -> memref<128xf32, #tpu.memory_space<vmem>>
        %dma_start3A_537 = arith.constant 0 : i32
        %dma_start3A_538 = tpu.memref_slice %arg5[%add3A_529, %dma_start3A_537] : memref<208x128xi32, #tpu.memory_space<vmem>> -> memref<1x128xi32, #tpu.memory_space<vmem>>
        %dma_start3A_539 = tpu.memref_squeeze %dma_start3A_538 : memref<1x128xi32, #tpu.memory_space<vmem>> -> memref<128xi32, #tpu.memory_space<vmem>>
        %dma_start3A_540 = arith.constant 0 : i32
        %dma_start3A_541 = tpu.memref_slice %arg8[%dma_start3A_540] : memref<1000000xf32, #tpu.memory_space<vmem_shared>> -> memref<1000000xf32, #tpu.memory_space<vmem_shared>>
        tpu.enqueue_indirect_dma source(%dma_start3A_541 : memref<1000000xf32, #tpu.memory_space<vmem_shared>>) target(%dma_start3A_536 : memref<128xf32, #tpu.memory_space<vmem>>) offsets(%dma_start3A_539 : memref<128xi32, #tpu.memory_space<vmem>>) semaphore(%arg9 : memref<!tpu.dma_semaphore, #tpu.memory_space<semaphore_mem>>)
        %mul3A_542 = arith.constant 13 : i32
        %mul3A_543 = arith.muli %scan3A_469, %mul3A_542 : i32
        %add3A_544 = arith.constant 0 : i32
        %add3A_545 = arith.addi %add3A_544, %mul3A_543 : i32
        %add3A_546 = arith.constant 4 : i32
        %add3A_547 = arith.addi %add3A_545, %add3A_546 : i32
        %mul3A_548 = arith.constant 13 : i32
        %mul3A_549 = arith.muli %scan3A_469, %mul3A_548 : i32
        %add3A_550 = arith.constant 4 : i32
        %add3A_551 = arith.addi %mul3A_549, %add3A_550 : i32
        %mul3A_552 = arith.constant 128 : i32
        %mul3A_553 = arith.muli %add3A_551, %mul3A_552 : i32
        %dma_start3A_554 = tpu.memref_slice %arg6[%mul3A_553] : memref<13312xf32, #tpu.memory_space<vmem>> -> memref<128xf32, #tpu.memory_space<vmem>>
        %dma_start3A_555 = arith.constant 0 : i32
        %dma_start3A_556 = tpu.memref_slice %arg5[%add3A_547, %dma_start3A_555] : memref<208x128xi32, #tpu.memory_space<vmem>> -> memref<1x128xi32, #tpu.memory_space<vmem>>
        %dma_start3A_557 = tpu.memref_squeeze %dma_start3A_556 : memref<1x128xi32, #tpu.memory_space<vmem>> -> memref<128xi32, #tpu.memory_space<vmem>>
        %dma_start3A_558 = arith.constant 0 : i32
        %dma_start3A_559 = tpu.memref_slice %arg8[%dma_start3A_558] : memref<1000000xf32, #tpu.memory_space<vmem_shared>> -> memref<1000000xf32, #tpu.memory_space<vmem_shared>>
        tpu.enqueue_indirect_dma source(%dma_start3A_559 : memref<1000000xf32, #tpu.memory_space<vmem_shared>>) target(%dma_start3A_554 : memref<128xf32, #tpu.memory_space<vmem>>) offsets(%dma_start3A_557 : memref<128xi32, #tpu.memory_space<vmem>>) semaphore(%arg9 : memref<!tpu.dma_semaphore, #tpu.memory_space<semaphore_mem>>)
        %mul3A_560 = arith.constant 13 : i32
        %mul3A_561 = arith.muli %scan3A_469, %mul3A_560 : i32
        %add3A_562 = arith.constant 0 : i32
        %add3A_563 = arith.addi %add3A_562, %mul3A_561 : i32
        %add3A_564 = arith.constant 5 : i32
        %add3A_565 = arith.addi %add3A_563, %add3A_564 : i32
        %mul3A_566 = arith.constant 13 : i32
        %mul3A_567 = arith.muli %scan3A_469, %mul3A_566 : i32
        %add3A_568 = arith.constant 5 : i32
        %add3A_569 = arith.addi %mul3A_567, %add3A_568 : i32
        %mul3A_570 = arith.constant 128 : i32
        %mul3A_571 = arith.muli %add3A_569, %mul3A_570 : i32
        %dma_start3A_572 = tpu.memref_slice %arg6[%mul3A_571] : memref<13312xf32, #tpu.memory_space<vmem>> -> memref<128xf32, #tpu.memory_space<vmem>>
        %dma_start3A_573 = arith.constant 0 : i32
        %dma_start3A_574 = tpu.memref_slice %arg5[%add3A_565, %dma_start3A_573] : memref<208x128xi32, #tpu.memory_space<vmem>> -> memref<1x128xi32, #tpu.memory_space<vmem>>
        %dma_start3A_575 = tpu.memref_squeeze %dma_start3A_574 : memref<1x128xi32, #tpu.memory_space<vmem>> -> memref<128xi32, #tpu.memory_space<vmem>>
        %dma_start3A_576 = arith.constant 0 : i32
        %dma_start3A_577 = tpu.memref_slice %arg8[%dma_start3A_576] : memref<1000000xf32, #tpu.memory_space<vmem_shared>> -> memref<1000000xf32, #tpu.memory_space<vmem_shared>>
        tpu.enqueue_indirect_dma source(%dma_start3A_577 : memref<1000000xf32, #tpu.memory_space<vmem_shared>>) target(%dma_start3A_572 : memref<128xf32, #tpu.memory_space<vmem>>) offsets(%dma_start3A_575 : memref<128xi32, #tpu.memory_space<vmem>>) semaphore(%arg9 : memref<!tpu.dma_semaphore, #tpu.memory_space<semaphore_mem>>)
        %mul3A_578 = arith.constant 13 : i32
        %mul3A_579 = arith.muli %scan3A_469, %mul3A_578 : i32
        %add3A_580 = arith.constant 0 : i32
        %add3A_581 = arith.addi %add3A_580, %mul3A_579 : i32
        %add3A_582 = arith.constant 6 : i32
        %add3A_583 = arith.addi %add3A_581, %add3A_582 : i32
        %mul3A_584 = arith.constant 13 : i32
        %mul3A_585 = arith.muli %scan3A_469, %mul3A_584 : i32
        %add3A_586 = arith.constant 6 : i32
        %add3A_587 = arith.addi %mul3A_585, %add3A_586 : i32
        %mul3A_588 = arith.constant 128 : i32
        %mul3A_589 = arith.muli %add3A_587, %mul3A_588 : i32
        %dma_start3A_590 = tpu.memref_slice %arg6[%mul3A_589] : memref<13312xf32, #tpu.memory_space<vmem>> -> memref<128xf32, #tpu.memory_space<vmem>>
        %dma_start3A_591 = arith.constant 0 : i32
        %dma_start3A_592 = tpu.memref_slice %arg5[%add3A_583, %dma_start3A_591] : memref<208x128xi32, #tpu.memory_space<vmem>> -> memref<1x128xi32, #tpu.memory_space<vmem>>
        %dma_start3A_593 = tpu.memref_squeeze %dma_start3A_592 : memref<1x128xi32, #tpu.memory_space<vmem>> -> memref<128xi32, #tpu.memory_space<vmem>>
        %dma_start3A_594 = arith.constant 0 : i32
        %dma_start3A_595 = tpu.memref_slice %arg8[%dma_start3A_594] : memref<1000000xf32, #tpu.memory_space<vmem_shared>> -> memref<1000000xf32, #tpu.memory_space<vmem_shared>>
        tpu.enqueue_indirect_dma source(%dma_start3A_595 : memref<1000000xf32, #tpu.memory_space<vmem_shared>>) target(%dma_start3A_590 : memref<128xf32, #tpu.memory_space<vmem>>) offsets(%dma_start3A_593 : memref<128xi32, #tpu.memory_space<vmem>>) semaphore(%arg9 : memref<!tpu.dma_semaphore, #tpu.memory_space<semaphore_mem>>)
        %mul3A_596 = arith.constant 13 : i32
        %mul3A_597 = arith.muli %scan3A_469, %mul3A_596 : i32
        %add3A_598 = arith.constant 0 : i32
        %add3A_599 = arith.addi %add3A_598, %mul3A_597 : i32
        %add3A_600 = arith.constant 7 : i32
        %add3A_601 = arith.addi %add3A_599, %add3A_600 : i32
        %mul3A_602 = arith.constant 13 : i32
        %mul3A_603 = arith.muli %scan3A_469, %mul3A_602 : i32
        %add3A_604 = arith.constant 7 : i32
        %add3A_605 = arith.addi %mul3A_603, %add3A_604 : i32
        %mul3A_606 = arith.constant 128 : i32
        %mul3A_607 = arith.muli %add3A_605, %mul3A_606 : i32
        %dma_start3A_608 = tpu.memref_slice %arg6[%mul3A_607] : memref<13312xf32, #tpu.memory_space<vmem>> -> memref<128xf32, #tpu.memory_space<vmem>>
        %dma_start3A_609 = arith.constant 0 : i32
        %dma_start3A_610 = tpu.memref_slice %arg5[%add3A_601, %dma_start3A_609] : memref<208x128xi32, #tpu.memory_space<vmem>> -> memref<1x128xi32, #tpu.memory_space<vmem>>
        %dma_start3A_611 = tpu.memref_squeeze %dma_start3A_610 : memref<1x128xi32, #tpu.memory_space<vmem>> -> memref<128xi32, #tpu.memory_space<vmem>>
        %dma_start3A_612 = arith.constant 0 : i32
        %dma_start3A_613 = tpu.memref_slice %arg8[%dma_start3A_612] : memref<1000000xf32, #tpu.memory_space<vmem_shared>> -> memref<1000000xf32, #tpu.memory_space<vmem_shared>>
        tpu.enqueue_indirect_dma source(%dma_start3A_613 : memref<1000000xf32, #tpu.memory_space<vmem_shared>>) target(%dma_start3A_608 : memref<128xf32, #tpu.memory_space<vmem>>) offsets(%dma_start3A_611 : memref<128xi32, #tpu.memory_space<vmem>>) semaphore(%arg9 : memref<!tpu.dma_semaphore, #tpu.memory_space<semaphore_mem>>)
        %mul3A_614 = arith.constant 13 : i32
        %mul3A_615 = arith.muli %scan3A_469, %mul3A_614 : i32
        %add3A_616 = arith.constant 0 : i32
        %add3A_617 = arith.addi %add3A_616, %mul3A_615 : i32
        %add3A_618 = arith.constant 8 : i32
        %add3A_619 = arith.addi %add3A_617, %add3A_618 : i32
        %mul3A_620 = arith.constant 13 : i32
        %mul3A_621 = arith.muli %scan3A_469, %mul3A_620 : i32
        %add3A_622 = arith.constant 8 : i32
        %add3A_623 = arith.addi %mul3A_621, %add3A_622 : i32
        %mul3A_624 = arith.constant 128 : i32
        %mul3A_625 = arith.muli %add3A_623, %mul3A_624 : i32
        %dma_start3A_626 = tpu.memref_slice %arg6[%mul3A_625] : memref<13312xf32, #tpu.memory_space<vmem>> -> memref<128xf32, #tpu.memory_space<vmem>>
        %dma_start3A_627 = arith.constant 0 : i32
        %dma_start3A_628 = tpu.memref_slice %arg5[%add3A_619, %dma_start3A_627] : memref<208x128xi32, #tpu.memory_space<vmem>> -> memref<1x128xi32, #tpu.memory_space<vmem>>
        %dma_start3A_629 = tpu.memref_squeeze %dma_start3A_628 : memref<1x128xi32, #tpu.memory_space<vmem>> -> memref<128xi32, #tpu.memory_space<vmem>>
        %dma_start3A_630 = arith.constant 0 : i32
        %dma_start3A_631 = tpu.memref_slice %arg8[%dma_start3A_630] : memref<1000000xf32, #tpu.memory_space<vmem_shared>> -> memref<1000000xf32, #tpu.memory_space<vmem_shared>>
        tpu.enqueue_indirect_dma source(%dma_start3A_631 : memref<1000000xf32, #tpu.memory_space<vmem_shared>>) target(%dma_start3A_626 : memref<128xf32, #tpu.memory_space<vmem>>) offsets(%dma_start3A_629 : memref<128xi32, #tpu.memory_space<vmem>>) semaphore(%arg9 : memref<!tpu.dma_semaphore, #tpu.memory_space<semaphore_mem>>)
        %mul3A_632 = arith.constant 13 : i32
        %mul3A_633 = arith.muli %scan3A_469, %mul3A_632 : i32
        %add3A_634 = arith.constant 0 : i32
        %add3A_635 = arith.addi %add3A_634, %mul3A_633 : i32
        %add3A_636 = arith.constant 9 : i32
        %add3A_637 = arith.addi %add3A_635, %add3A_636 : i32
        %mul3A_638 = arith.constant 13 : i32
        %mul3A_639 = arith.muli %scan3A_469, %mul3A_638 : i32
        %add3A_640 = arith.constant 9 : i32
        %add3A_641 = arith.addi %mul3A_639, %add3A_640 : i32
        %mul3A_642 = arith.constant 128 : i32
        %mul3A_643 = arith.muli %add3A_641, %mul3A_642 : i32
        %dma_start3A_644 = tpu.memref_slice %arg6[%mul3A_643] : memref<13312xf32, #tpu.memory_space<vmem>> -> memref<128xf32, #tpu.memory_space<vmem>>
        %dma_start3A_645 = arith.constant 0 : i32
        %dma_start3A_646 = tpu.memref_slice %arg5[%add3A_637, %dma_start3A_645] : memref<208x128xi32, #tpu.memory_space<vmem>> -> memref<1x128xi32, #tpu.memory_space<vmem>>
        %dma_start3A_647 = tpu.memref_squeeze %dma_start3A_646 : memref<1x128xi32, #tpu.memory_space<vmem>> -> memref<128xi32, #tpu.memory_space<vmem>>
        %dma_start3A_648 = arith.constant 0 : i32
        %dma_start3A_649 = tpu.memref_slice %arg8[%dma_start3A_648] : memref<1000000xf32, #tpu.memory_space<vmem_shared>> -> memref<1000000xf32, #tpu.memory_space<vmem_shared>>
        tpu.enqueue_indirect_dma source(%dma_start3A_649 : memref<1000000xf32, #tpu.memory_space<vmem_shared>>) target(%dma_start3A_644 : memref<128xf32, #tpu.memory_space<vmem>>) offsets(%dma_start3A_647 : memref<128xi32, #tpu.memory_space<vmem>>) semaphore(%arg9 : memref<!tpu.dma_semaphore, #tpu.memory_space<semaphore_mem>>)
        %mul3A_650 = arith.constant 13 : i32
        %mul3A_651 = arith.muli %scan3A_469, %mul3A_650 : i32
        %add3A_652 = arith.constant 0 : i32
        %add3A_653 = arith.addi %add3A_652, %mul3A_651 : i32
        %add3A_654 = arith.constant 10 : i32
        %add3A_655 = arith.addi %add3A_653, %add3A_654 : i32
        %mul3A_656 = arith.constant 13 : i32
        %mul3A_657 = arith.muli %scan3A_469, %mul3A_656 : i32
        %add3A_658 = arith.constant 10 : i32
        %add3A_659 = arith.addi %mul3A_657, %add3A_658 : i32
        %mul3A_660 = arith.constant 128 : i32
        %mul3A_661 = arith.muli %add3A_659, %mul3A_660 : i32
        %dma_start3A_662 = tpu.memref_slice %arg6[%mul3A_661] : memref<13312xf32, #tpu.memory_space<vmem>> -> memref<128xf32, #tpu.memory_space<vmem>>
        %dma_start3A_663 = arith.constant 0 : i32
        %dma_start3A_664 = tpu.memref_slice %arg5[%add3A_655, %dma_start3A_663] : memref<208x128xi32, #tpu.memory_space<vmem>> -> memref<1x128xi32, #tpu.memory_space<vmem>>
        %dma_start3A_665 = tpu.memref_squeeze %dma_start3A_664 : memref<1x128xi32, #tpu.memory_space<vmem>> -> memref<128xi32, #tpu.memory_space<vmem>>
        %dma_start3A_666 = arith.constant 0 : i32
        %dma_start3A_667 = tpu.memref_slice %arg8[%dma_start3A_666] : memref<1000000xf32, #tpu.memory_space<vmem_shared>> -> memref<1000000xf32, #tpu.memory_space<vmem_shared>>
        tpu.enqueue_indirect_dma source(%dma_start3A_667 : memref<1000000xf32, #tpu.memory_space<vmem_shared>>) target(%dma_start3A_662 : memref<128xf32, #tpu.memory_space<vmem>>) offsets(%dma_start3A_665 : memref<128xi32, #tpu.memory_space<vmem>>) semaphore(%arg9 : memref<!tpu.dma_semaphore, #tpu.memory_space<semaphore_mem>>)
        %mul3A_668 = arith.constant 13 : i32
        %mul3A_669 = arith.muli %scan3A_469, %mul3A_668 : i32
        %add3A_670 = arith.constant 0 : i32
        %add3A_671 = arith.addi %add3A_670, %mul3A_669 : i32
        %add3A_672 = arith.constant 11 : i32
        %add3A_673 = arith.addi %add3A_671, %add3A_672 : i32
        %mul3A_674 = arith.constant 13 : i32
        %mul3A_675 = arith.muli %scan3A_469, %mul3A_674 : i32
        %add3A_676 = arith.constant 11 : i32
        %add3A_677 = arith.addi %mul3A_675, %add3A_676 : i32
        %mul3A_678 = arith.constant 128 : i32
        %mul3A_679 = arith.muli %add3A_677, %mul3A_678 : i32
        %dma_start3A_680 = tpu.memref_slice %arg6[%mul3A_679] : memref<13312xf32, #tpu.memory_space<vmem>> -> memref<128xf32, #tpu.memory_space<vmem>>
        %dma_start3A_681 = arith.constant 0 : i32
        %dma_start3A_682 = tpu.memref_slice %arg5[%add3A_673, %dma_start3A_681] : memref<208x128xi32, #tpu.memory_space<vmem>> -> memref<1x128xi32, #tpu.memory_space<vmem>>
        %dma_start3A_683 = tpu.memref_squeeze %dma_start3A_682 : memref<1x128xi32, #tpu.memory_space<vmem>> -> memref<128xi32, #tpu.memory_space<vmem>>
        %dma_start3A_684 = arith.constant 0 : i32
        %dma_start3A_685 = tpu.memref_slice %arg8[%dma_start3A_684] : memref<1000000xf32, #tpu.memory_space<vmem_shared>> -> memref<1000000xf32, #tpu.memory_space<vmem_shared>>
        tpu.enqueue_indirect_dma source(%dma_start3A_685 : memref<1000000xf32, #tpu.memory_space<vmem_shared>>) target(%dma_start3A_680 : memref<128xf32, #tpu.memory_space<vmem>>) offsets(%dma_start3A_683 : memref<128xi32, #tpu.memory_space<vmem>>) semaphore(%arg9 : memref<!tpu.dma_semaphore, #tpu.memory_space<semaphore_mem>>)
        %mul3A_686 = arith.constant 13 : i32
        %mul3A_687 = arith.muli %scan3A_469, %mul3A_686 : i32
        %add3A_688 = arith.constant 0 : i32
        %add3A_689 = arith.addi %add3A_688, %mul3A_687 : i32
        %add3A_690 = arith.constant 12 : i32
        %add3A_691 = arith.addi %add3A_689, %add3A_690 : i32
        %mul3A_692 = arith.constant 13 : i32
        %mul3A_693 = arith.muli %scan3A_469, %mul3A_692 : i32
        %add3A_694 = arith.constant 12 : i32
        %add3A_695 = arith.addi %mul3A_693, %add3A_694 : i32
        %mul3A_696 = arith.constant 128 : i32
        %mul3A_697 = arith.muli %add3A_695, %mul3A_696 : i32
        %dma_start3A_698 = tpu.memref_slice %arg6[%mul3A_697] : memref<13312xf32, #tpu.memory_space<vmem>> -> memref<128xf32, #tpu.memory_space<vmem>>
        %dma_start3A_699 = arith.constant 0 : i32
        %dma_start3A_700 = tpu.memref_slice %arg5[%add3A_691, %dma_start3A_699] : memref<208x128xi32, #tpu.memory_space<vmem>> -> memref<1x128xi32, #tpu.memory_space<vmem>>
        %dma_start3A_701 = tpu.memref_squeeze %dma_start3A_700 : memref<1x128xi32, #tpu.memory_space<vmem>> -> memref<128xi32, #tpu.memory_space<vmem>>
        %dma_start3A_702 = arith.constant 0 : i32
        %dma_start3A_703 = tpu.memref_slice %arg8[%dma_start3A_702] : memref<1000000xf32, #tpu.memory_space<vmem_shared>> -> memref<1000000xf32, #tpu.memory_space<vmem_shared>>
        tpu.enqueue_indirect_dma source(%dma_start3A_703 : memref<1000000xf32, #tpu.memory_space<vmem_shared>>) target(%dma_start3A_698 : memref<128xf32, #tpu.memory_space<vmem>>) offsets(%dma_start3A_701 : memref<128xi32, #tpu.memory_space<vmem>>) semaphore(%arg9 : memref<!tpu.dma_semaphore, #tpu.memory_space<semaphore_mem>>)
        %dma_wait3A_704 = arith.constant 0 : i32
        %dma_wait3A_705 = arith.constant 0 : i32
        %dma_wait3A_706 = tpu.memref_slice %arg6[%dma_wait3A_705] : memref<13312xf32, #tpu.memory_space<vmem>> -> memref<128xf32, #tpu.memory_space<vmem>>
        %dma_wait3A_707 = arith.constant 0 : i32
        %dma_wait3A_708 = tpu.memref_slice %arg5[%dma_wait3A_704, %dma_wait3A_707] : memref<208x128xi32, #tpu.memory_space<vmem>> -> memref<1x128xi32, #tpu.memory_space<vmem>>
        %dma_wait3A_709 = tpu.memref_squeeze %dma_wait3A_708 : memref<1x128xi32, #tpu.memory_space<vmem>> -> memref<128xi32, #tpu.memory_space<vmem>>
        %dma_wait3A_710 = arith.constant 0 : i32
        %dma_wait3A_711 = tpu.memref_slice %arg8[%dma_wait3A_710] : memref<1000000xf32, #tpu.memory_space<vmem_shared>> -> memref<1000000xf32, #tpu.memory_space<vmem_shared>>
        tpu.wait_indirect_dma semaphore(%arg9 : memref<!tpu.dma_semaphore, #tpu.memory_space<semaphore_mem>>) src(%dma_wait3A_711 : memref<1000000xf32, #tpu.memory_space<vmem_shared>>) dst(%dma_wait3A_706 : memref<128xf32, #tpu.memory_space<vmem>>)
        %dma_wait3A_712 = arith.constant 0 : i32
        %dma_wait3A_713 = arith.constant 0 : i32
        %dma_wait3A_714 = tpu.memref_slice %arg6[%dma_wait3A_713] : memref<13312xf32, #tpu.memory_space<vmem>> -> memref<128xf32, #tpu.memory_space<vmem>>
        %dma_wait3A_715 = arith.constant 0 : i32
        %dma_wait3A_716 = tpu.memref_slice %arg5[%dma_wait3A_712, %dma_wait3A_715] : memref<208x128xi32, #tpu.memory_space<vmem>> -> memref<1x128xi32, #tpu.memory_space<vmem>>
        %dma_wait3A_717 = tpu.memref_squeeze %dma_wait3A_716 : memref<1x128xi32, #tpu.memory_space<vmem>> -> memref<128xi32, #tpu.memory_space<vmem>>
        %dma_wait3A_718 = arith.constant 0 : i32
        %dma_wait3A_719 = tpu.memref_slice %arg8[%dma_wait3A_718] : memref<1000000xf32, #tpu.memory_space<vmem_shared>> -> memref<1000000xf32, #tpu.memory_space<vmem_shared>>
        tpu.wait_indirect_dma semaphore(%arg9 : memref<!tpu.dma_semaphore, #tpu.memory_space<semaphore_mem>>) src(%dma_wait3A_719 : memref<1000000xf32, #tpu.memory_space<vmem_shared>>) dst(%dma_wait3A_714 : memref<128xf32, #tpu.memory_space<vmem>>)
        %dma_wait3A_720 = arith.constant 0 : i32
        %dma_wait3A_721 = arith.constant 0 : i32
        %dma_wait3A_722 = tpu.memref_slice %arg6[%dma_wait3A_721] : memref<13312xf32, #tpu.memory_space<vmem>> -> memref<128xf32, #tpu.memory_space<vmem>>
        %dma_wait3A_723 = arith.constant 0 : i32
        %dma_wait3A_724 = tpu.memref_slice %arg5[%dma_wait3A_720, %dma_wait3A_723] : memref<208x128xi32, #tpu.memory_space<vmem>> -> memref<1x128xi32, #tpu.memory_space<vmem>>
        %dma_wait3A_725 = tpu.memref_squeeze %dma_wait3A_724 : memref<1x128xi32, #tpu.memory_space<vmem>> -> memref<128xi32, #tpu.memory_space<vmem>>
        %dma_wait3A_726 = arith.constant 0 : i32
        %dma_wait3A_727 = tpu.memref_slice %arg8[%dma_wait3A_726] : memref<1000000xf32, #tpu.memory_space<vmem_shared>> -> memref<1000000xf32, #tpu.memory_space<vmem_shared>>
        tpu.wait_indirect_dma semaphore(%arg9 : memref<!tpu.dma_semaphore, #tpu.memory_space<semaphore_mem>>) src(%dma_wait3A_727 : memref<1000000xf32, #tpu.memory_space<vmem_shared>>) dst(%dma_wait3A_722 : memref<128xf32, #tpu.memory_space<vmem>>)
        %dma_wait3A_728 = arith.constant 0 : i32
        %dma_wait3A_729 = arith.constant 0 : i32
        %dma_wait3A_730 = tpu.memref_slice %arg6[%dma_wait3A_729] : memref<13312xf32, #tpu.memory_space<vmem>> -> memref<128xf32, #tpu.memory_space<vmem>>
        %dma_wait3A_731 = arith.constant 0 : i32
        %dma_wait3A_732 = tpu.memref_slice %arg5[%dma_wait3A_728, %dma_wait3A_731] : memref<208x128xi32, #tpu.memory_space<vmem>> -> memref<1x128xi32, #tpu.memory_space<vmem>>
        %dma_wait3A_733 = tpu.memref_squeeze %dma_wait3A_732 : memref<1x128xi32, #tpu.memory_space<vmem>> -> memref<128xi32, #tpu.memory_space<vmem>>
        %dma_wait3A_734 = arith.constant 0 : i32
        %dma_wait3A_735 = tpu.memref_slice %arg8[%dma_wait3A_734] : memref<1000000xf32, #tpu.memory_space<vmem_shared>> -> memref<1000000xf32, #tpu.memory_space<vmem_shared>>
        tpu.wait_indirect_dma semaphore(%arg9 : memref<!tpu.dma_semaphore, #tpu.memory_space<semaphore_mem>>) src(%dma_wait3A_735 : memref<1000000xf32, #tpu.memory_space<vmem_shared>>) dst(%dma_wait3A_730 : memref<128xf32, #tpu.memory_space<vmem>>)
        %dma_wait3A_736 = arith.constant 0 : i32
        %dma_wait3A_737 = arith.constant 0 : i32
        %dma_wait3A_738 = tpu.memref_slice %arg6[%dma_wait3A_737] : memref<13312xf32, #tpu.memory_space<vmem>> -> memref<128xf32, #tpu.memory_space<vmem>>
        %dma_wait3A_739 = arith.constant 0 : i32
        %dma_wait3A_740 = tpu.memref_slice %arg5[%dma_wait3A_736, %dma_wait3A_739] : memref<208x128xi32, #tpu.memory_space<vmem>> -> memref<1x128xi32, #tpu.memory_space<vmem>>
        %dma_wait3A_741 = tpu.memref_squeeze %dma_wait3A_740 : memref<1x128xi32, #tpu.memory_space<vmem>> -> memref<128xi32, #tpu.memory_space<vmem>>
        %dma_wait3A_742 = arith.constant 0 : i32
        %dma_wait3A_743 = tpu.memref_slice %arg8[%dma_wait3A_742] : memref<1000000xf32, #tpu.memory_space<vmem_shared>> -> memref<1000000xf32, #tpu.memory_space<vmem_shared>>
        tpu.wait_indirect_dma semaphore(%arg9 : memref<!tpu.dma_semaphore, #tpu.memory_space<semaphore_mem>>) src(%dma_wait3A_743 : memref<1000000xf32, #tpu.memory_space<vmem_shared>>) dst(%dma_wait3A_738 : memref<128xf32, #tpu.memory_space<vmem>>)
        %dma_wait3A_744 = arith.constant 0 : i32
        %dma_wait3A_745 = arith.constant 0 : i32
        %dma_wait3A_746 = tpu.memref_slice %arg6[%dma_wait3A_745] : memref<13312xf32, #tpu.memory_space<vmem>> -> memref<128xf32, #tpu.memory_space<vmem>>
        %dma_wait3A_747 = arith.constant 0 : i32
        %dma_wait3A_748 = tpu.memref_slice %arg5[%dma_wait3A_744, %dma_wait3A_747] : memref<208x128xi32, #tpu.memory_space<vmem>> -> memref<1x128xi32, #tpu.memory_space<vmem>>
        %dma_wait3A_749 = tpu.memref_squeeze %dma_wait3A_748 : memref<1x128xi32, #tpu.memory_space<vmem>> -> memref<128xi32, #tpu.memory_space<vmem>>
        %dma_wait3A_750 = arith.constant 0 : i32
        %dma_wait3A_751 = tpu.memref_slice %arg8[%dma_wait3A_750] : memref<1000000xf32, #tpu.memory_space<vmem_shared>> -> memref<1000000xf32, #tpu.memory_space<vmem_shared>>
        tpu.wait_indirect_dma semaphore(%arg9 : memref<!tpu.dma_semaphore, #tpu.memory_space<semaphore_mem>>) src(%dma_wait3A_751 : memref<1000000xf32, #tpu.memory_space<vmem_shared>>) dst(%dma_wait3A_746 : memref<128xf32, #tpu.memory_space<vmem>>)
        %dma_wait3A_752 = arith.constant 0 : i32
        %dma_wait3A_753 = arith.constant 0 : i32
        %dma_wait3A_754 = tpu.memref_slice %arg6[%dma_wait3A_753] : memref<13312xf32, #tpu.memory_space<vmem>> -> memref<128xf32, #tpu.memory_space<vmem>>
        %dma_wait3A_755 = arith.constant 0 : i32
        %dma_wait3A_756 = tpu.memref_slice %arg5[%dma_wait3A_752, %dma_wait3A_755] : memref<208x128xi32, #tpu.memory_space<vmem>> -> memref<1x128xi32, #tpu.memory_space<vmem>>
        %dma_wait3A_757 = tpu.memref_squeeze %dma_wait3A_756 : memref<1x128xi32, #tpu.memory_space<vmem>> -> memref<128xi32, #tpu.memory_space<vmem>>
        %dma_wait3A_758 = arith.constant 0 : i32
        %dma_wait3A_759 = tpu.memref_slice %arg8[%dma_wait3A_758] : memref<1000000xf32, #tpu.memory_space<vmem_shared>> -> memref<1000000xf32, #tpu.memory_space<vmem_shared>>
        tpu.wait_indirect_dma semaphore(%arg9 : memref<!tpu.dma_semaphore, #tpu.memory_space<semaphore_mem>>) src(%dma_wait3A_759 : memref<1000000xf32, #tpu.memory_space<vmem_shared>>) dst(%dma_wait3A_754 : memref<128xf32, #tpu.memory_space<vmem>>)
        %dma_wait3A_760 = arith.constant 0 : i32
        %dma_wait3A_761 = arith.constant 0 : i32
        %dma_wait3A_762 = tpu.memref_slice %arg6[%dma_wait3A_761] : memref<13312xf32, #tpu.memory_space<vmem>> -> memref<128xf32, #tpu.memory_space<vmem>>
        %dma_wait3A_763 = arith.constant 0 : i32
        %dma_wait3A_764 = tpu.memref_slice %arg5[%dma_wait3A_760, %dma_wait3A_763] : memref<208x128xi32, #tpu.memory_space<vmem>> -> memref<1x128xi32, #tpu.memory_space<vmem>>
        %dma_wait3A_765 = tpu.memref_squeeze %dma_wait3A_764 : memref<1x128xi32, #tpu.memory_space<vmem>> -> memref<128xi32, #tpu.memory_space<vmem>>
        %dma_wait3A_766 = arith.constant 0 : i32
        %dma_wait3A_767 = tpu.memref_slice %arg8[%dma_wait3A_766] : memref<1000000xf32, #tpu.memory_space<vmem_shared>> -> memref<1000000xf32, #tpu.memory_space<vmem_shared>>
        tpu.wait_indirect_dma semaphore(%arg9 : memref<!tpu.dma_semaphore, #tpu.memory_space<semaphore_mem>>) src(%dma_wait3A_767 : memref<1000000xf32, #tpu.memory_space<vmem_shared>>) dst(%dma_wait3A_762 : memref<128xf32, #tpu.memory_space<vmem>>)
        %dma_wait3A_768 = arith.constant 0 : i32
        %dma_wait3A_769 = arith.constant 0 : i32
        %dma_wait3A_770 = tpu.memref_slice %arg6[%dma_wait3A_769] : memref<13312xf32, #tpu.memory_space<vmem>> -> memref<128xf32, #tpu.memory_space<vmem>>
        %dma_wait3A_771 = arith.constant 0 : i32
        %dma_wait3A_772 = tpu.memref_slice %arg5[%dma_wait3A_768, %dma_wait3A_771] : memref<208x128xi32, #tpu.memory_space<vmem>> -> memref<1x128xi32, #tpu.memory_space<vmem>>
        %dma_wait3A_773 = tpu.memref_squeeze %dma_wait3A_772 : memref<1x128xi32, #tpu.memory_space<vmem>> -> memref<128xi32, #tpu.memory_space<vmem>>
        %dma_wait3A_774 = arith.constant 0 : i32
        %dma_wait3A_775 = tpu.memref_slice %arg8[%dma_wait3A_774] : memref<1000000xf32, #tpu.memory_space<vmem_shared>> -> memref<1000000xf32, #tpu.memory_space<vmem_shared>>
        tpu.wait_indirect_dma semaphore(%arg9 : memref<!tpu.dma_semaphore, #tpu.memory_space<semaphore_mem>>) src(%dma_wait3A_775 : memref<1000000xf32, #tpu.memory_space<vmem_shared>>) dst(%dma_wait3A_770 : memref<128xf32, #tpu.memory_space<vmem>>)
        %dma_wait3A_776 = arith.constant 0 : i32
        %dma_wait3A_777 = arith.constant 0 : i32
        %dma_wait3A_778 = tpu.memref_slice %arg6[%dma_wait3A_777] : memref<13312xf32, #tpu.memory_space<vmem>> -> memref<128xf32, #tpu.memory_space<vmem>>
        %dma_wait3A_779 = arith.constant 0 : i32
        %dma_wait3A_780 = tpu.memref_slice %arg5[%dma_wait3A_776, %dma_wait3A_779] : memref<208x128xi32, #tpu.memory_space<vmem>> -> memref<1x128xi32, #tpu.memory_space<vmem>>
        %dma_wait3A_781 = tpu.memref_squeeze %dma_wait3A_780 : memref<1x128xi32, #tpu.memory_space<vmem>> -> memref<128xi32, #tpu.memory_space<vmem>>
        %dma_wait3A_782 = arith.constant 0 : i32
        %dma_wait3A_783 = tpu.memref_slice %arg8[%dma_wait3A_782] : memref<1000000xf32, #tpu.memory_space<vmem_shared>> -> memref<1000000xf32, #tpu.memory_space<vmem_shared>>
        tpu.wait_indirect_dma semaphore(%arg9 : memref<!tpu.dma_semaphore, #tpu.memory_space<semaphore_mem>>) src(%dma_wait3A_783 : memref<1000000xf32, #tpu.memory_space<vmem_shared>>) dst(%dma_wait3A_778 : memref<128xf32, #tpu.memory_space<vmem>>)
        %dma_wait3A_784 = arith.constant 0 : i32
        %dma_wait3A_785 = arith.constant 0 : i32
        %dma_wait3A_786 = tpu.memref_slice %arg6[%dma_wait3A_785] : memref<13312xf32, #tpu.memory_space<vmem>> -> memref<128xf32, #tpu.memory_space<vmem>>
        %dma_wait3A_787 = arith.constant 0 : i32
        %dma_wait3A_788 = tpu.memref_slice %arg5[%dma_wait3A_784, %dma_wait3A_787] : memref<208x128xi32, #tpu.memory_space<vmem>> -> memref<1x128xi32, #tpu.memory_space<vmem>>
        %dma_wait3A_789 = tpu.memref_squeeze %dma_wait3A_788 : memref<1x128xi32, #tpu.memory_space<vmem>> -> memref<128xi32, #tpu.memory_space<vmem>>
        %dma_wait3A_790 = arith.constant 0 : i32
        %dma_wait3A_791 = tpu.memref_slice %arg8[%dma_wait3A_790] : memref<1000000xf32, #tpu.memory_space<vmem_shared>> -> memref<1000000xf32, #tpu.memory_space<vmem_shared>>
        tpu.wait_indirect_dma semaphore(%arg9 : memref<!tpu.dma_semaphore, #tpu.memory_space<semaphore_mem>>) src(%dma_wait3A_791 : memref<1000000xf32, #tpu.memory_space<vmem_shared>>) dst(%dma_wait3A_786 : memref<128xf32, #tpu.memory_space<vmem>>)
        %dma_wait3A_792 = arith.constant 0 : i32
        %dma_wait3A_793 = arith.constant 0 : i32
        %dma_wait3A_794 = tpu.memref_slice %arg6[%dma_wait3A_793] : memref<13312xf32, #tpu.memory_space<vmem>> -> memref<128xf32, #tpu.memory_space<vmem>>
        %dma_wait3A_795 = arith.constant 0 : i32
        %dma_wait3A_796 = tpu.memref_slice %arg5[%dma_wait3A_792, %dma_wait3A_795] : memref<208x128xi32, #tpu.memory_space<vmem>> -> memref<1x128xi32, #tpu.memory_space<vmem>>
        %dma_wait3A_797 = tpu.memref_squeeze %dma_wait3A_796 : memref<1x128xi32, #tpu.memory_space<vmem>> -> memref<128xi32, #tpu.memory_space<vmem>>
        %dma_wait3A_798 = arith.constant 0 : i32
        %dma_wait3A_799 = tpu.memref_slice %arg8[%dma_wait3A_798] : memref<1000000xf32, #tpu.memory_space<vmem_shared>> -> memref<1000000xf32, #tpu.memory_space<vmem_shared>>
        tpu.wait_indirect_dma semaphore(%arg9 : memref<!tpu.dma_semaphore, #tpu.memory_space<semaphore_mem>>) src(%dma_wait3A_799 : memref<1000000xf32, #tpu.memory_space<vmem_shared>>) dst(%dma_wait3A_794 : memref<128xf32, #tpu.memory_space<vmem>>)
        %dma_wait3A_800 = arith.constant 0 : i32
        %dma_wait3A_801 = arith.constant 0 : i32
        %dma_wait3A_802 = tpu.memref_slice %arg6[%dma_wait3A_801] : memref<13312xf32, #tpu.memory_space<vmem>> -> memref<128xf32, #tpu.memory_space<vmem>>
        %dma_wait3A_803 = arith.constant 0 : i32
        %dma_wait3A_804 = tpu.memref_slice %arg5[%dma_wait3A_800, %dma_wait3A_803] : memref<208x128xi32, #tpu.memory_space<vmem>> -> memref<1x128xi32, #tpu.memory_space<vmem>>
        %dma_wait3A_805 = tpu.memref_squeeze %dma_wait3A_804 : memref<1x128xi32, #tpu.memory_space<vmem>> -> memref<128xi32, #tpu.memory_space<vmem>>
        %dma_wait3A_806 = arith.constant 0 : i32
        %dma_wait3A_807 = tpu.memref_slice %arg8[%dma_wait3A_806] : memref<1000000xf32, #tpu.memory_space<vmem_shared>> -> memref<1000000xf32, #tpu.memory_space<vmem_shared>>
        tpu.wait_indirect_dma semaphore(%arg9 : memref<!tpu.dma_semaphore, #tpu.memory_space<semaphore_mem>>) src(%dma_wait3A_807 : memref<1000000xf32, #tpu.memory_space<vmem_shared>>) dst(%dma_wait3A_802 : memref<128xf32, #tpu.memory_space<vmem>>)
      }
      %scan3A_132 = arith.constant 7 : i32
      %dma_wait3A_133 = arith.constant 0 : i32
      %dma_wait3A_134 = arith.constant 0 : i32
      %dma_wait3A_135 = tpu.memref_slice %arg6[%dma_wait3A_134] : memref<13312xf32, #tpu.memory_space<vmem>> -> memref<128xf32, #tpu.memory_space<vmem>>
      %dma_wait3A_136 = arith.constant 0 : i32
      %dma_wait3A_137 = tpu.memref_slice %arg5[%dma_wait3A_133, %dma_wait3A_136] : memref<208x128xi32, #tpu.memory_space<vmem>> -> memref<1x128xi32, #tpu.memory_space<vmem>>
      %dma_wait3A_138 = tpu.memref_squeeze %dma_wait3A_137 : memref<1x128xi32, #tpu.memory_space<vmem>> -> memref<128xi32, #tpu.memory_space<vmem>>
      %dma_wait3A_139 = arith.constant 0 : i32
      %dma_wait3A_140 = tpu.memref_slice %arg8[%dma_wait3A_139] : memref<1000000xf32, #tpu.memory_space<vmem_shared>> -> memref<1000000xf32, #tpu.memory_space<vmem_shared>>
      tpu.wait_indirect_dma semaphore(%arg9 : memref<!tpu.dma_semaphore, #tpu.memory_space<semaphore_mem>>) src(%dma_wait3A_140 : memref<1000000xf32, #tpu.memory_space<vmem_shared>>) dst(%dma_wait3A_135 : memref<128xf32, #tpu.memory_space<vmem>>)
      %dma_wait3A_141 = arith.constant 0 : i32
      %dma_wait3A_142 = arith.constant 0 : i32
      %dma_wait3A_143 = tpu.memref_slice %arg6[%dma_wait3A_142] : memref<13312xf32, #tpu.memory_space<vmem>> -> memref<128xf32, #tpu.memory_space<vmem>>
      %dma_wait3A_144 = arith.constant 0 : i32
      %dma_wait3A_145 = tpu.memref_slice %arg5[%dma_wait3A_141, %dma_wait3A_144] : memref<208x128xi32, #tpu.memory_space<vmem>> -> memref<1x128xi32, #tpu.memory_space<vmem>>
      %dma_wait3A_146 = tpu.memref_squeeze %dma_wait3A_145 : memref<1x128xi32, #tpu.memory_space<vmem>> -> memref<128xi32, #tpu.memory_space<vmem>>
      %dma_wait3A_147 = arith.constant 0 : i32
      %dma_wait3A_148 = tpu.memref_slice %arg8[%dma_wait3A_147] : memref<1000000xf32, #tpu.memory_space<vmem_shared>> -> memref<1000000xf32, #tpu.memory_space<vmem_shared>>
      tpu.wait_indirect_dma semaphore(%arg9 : memref<!tpu.dma_semaphore, #tpu.memory_space<semaphore_mem>>) src(%dma_wait3A_148 : memref<1000000xf32, #tpu.memory_space<vmem_shared>>) dst(%dma_wait3A_143 : memref<128xf32, #tpu.memory_space<vmem>>)
      %dma_wait3A_149 = arith.constant 0 : i32
      %dma_wait3A_150 = arith.constant 0 : i32
      %dma_wait3A_151 = tpu.memref_slice %arg6[%dma_wait3A_150] : memref<13312xf32, #tpu.memory_space<vmem>> -> memref<128xf32, #tpu.memory_space<vmem>>
      %dma_wait3A_152 = arith.constant 0 : i32
      %dma_wait3A_153 = tpu.memref_slice %arg5[%dma_wait3A_149, %dma_wait3A_152] : memref<208x128xi32, #tpu.memory_space<vmem>> -> memref<1x128xi32, #tpu.memory_space<vmem>>
      %dma_wait3A_154 = tpu.memref_squeeze %dma_wait3A_153 : memref<1x128xi32, #tpu.memory_space<vmem>> -> memref<128xi32, #tpu.memory_space<vmem>>
      %dma_wait3A_155 = arith.constant 0 : i32
      %dma_wait3A_156 = tpu.memref_slice %arg8[%dma_wait3A_155] : memref<1000000xf32, #tpu.memory_space<vmem_shared>> -> memref<1000000xf32, #tpu.memory_space<vmem_shared>>
      tpu.wait_indirect_dma semaphore(%arg9 : memref<!tpu.dma_semaphore, #tpu.memory_space<semaphore_mem>>) src(%dma_wait3A_156 : memref<1000000xf32, #tpu.memory_space<vmem_shared>>) dst(%dma_wait3A_151 : memref<128xf32, #tpu.memory_space<vmem>>)
      %dma_wait3A_157 = arith.constant 0 : i32
      %dma_wait3A_158 = arith.constant 0 : i32
      %dma_wait3A_159 = tpu.memref_slice %arg6[%dma_wait3A_158] : memref<13312xf32, #tpu.memory_space<vmem>> -> memref<128xf32, #tpu.memory_space<vmem>>
      %dma_wait3A_160 = arith.constant 0 : i32
      %dma_wait3A_161 = tpu.memref_slice %arg5[%dma_wait3A_157, %dma_wait3A_160] : memref<208x128xi32, #tpu.memory_space<vmem>> -> memref<1x128xi32, #tpu.memory_space<vmem>>
      %dma_wait3A_162 = tpu.memref_squeeze %dma_wait3A_161 : memref<1x128xi32, #tpu.memory_space<vmem>> -> memref<128xi32, #tpu.memory_space<vmem>>
      %dma_wait3A_163 = arith.constant 0 : i32
      %dma_wait3A_164 = tpu.memref_slice %arg8[%dma_wait3A_163] : memref<1000000xf32, #tpu.memory_space<vmem_shared>> -> memref<1000000xf32, #tpu.memory_space<vmem_shared>>
      tpu.wait_indirect_dma semaphore(%arg9 : memref<!tpu.dma_semaphore, #tpu.memory_space<semaphore_mem>>) src(%dma_wait3A_164 : memref<1000000xf32, #tpu.memory_space<vmem_shared>>) dst(%dma_wait3A_159 : memref<128xf32, #tpu.memory_space<vmem>>)
      %dma_wait3A_165 = arith.constant 0 : i32
      %dma_wait3A_166 = arith.constant 0 : i32
      %dma_wait3A_167 = tpu.memref_slice %arg6[%dma_wait3A_166] : memref<13312xf32, #tpu.memory_space<vmem>> -> memref<128xf32, #tpu.memory_space<vmem>>
      %dma_wait3A_168 = arith.constant 0 : i32
      %dma_wait3A_169 = tpu.memref_slice %arg5[%dma_wait3A_165, %dma_wait3A_168] : memref<208x128xi32, #tpu.memory_space<vmem>> -> memref<1x128xi32, #tpu.memory_space<vmem>>
      %dma_wait3A_170 = tpu.memref_squeeze %dma_wait3A_169 : memref<1x128xi32, #tpu.memory_space<vmem>> -> memref<128xi32, #tpu.memory_space<vmem>>
      %dma_wait3A_171 = arith.constant 0 : i32
      %dma_wait3A_172 = tpu.memref_slice %arg8[%dma_wait3A_171] : memref<1000000xf32, #tpu.memory_space<vmem_shared>> -> memref<1000000xf32, #tpu.memory_space<vmem_shared>>
      tpu.wait_indirect_dma semaphore(%arg9 : memref<!tpu.dma_semaphore, #tpu.memory_space<semaphore_mem>>) src(%dma_wait3A_172 : memref<1000000xf32, #tpu.memory_space<vmem_shared>>) dst(%dma_wait3A_167 : memref<128xf32, #tpu.memory_space<vmem>>)
      %dma_wait3A_173 = arith.constant 0 : i32
      %dma_wait3A_174 = arith.constant 0 : i32
      %dma_wait3A_175 = tpu.memref_slice %arg6[%dma_wait3A_174] : memref<13312xf32, #tpu.memory_space<vmem>> -> memref<128xf32, #tpu.memory_space<vmem>>
      %dma_wait3A_176 = arith.constant 0 : i32
      %dma_wait3A_177 = tpu.memref_slice %arg5[%dma_wait3A_173, %dma_wait3A_176] : memref<208x128xi32, #tpu.memory_space<vmem>> -> memref<1x128xi32, #tpu.memory_space<vmem>>
      %dma_wait3A_178 = tpu.memref_squeeze %dma_wait3A_177 : memref<1x128xi32, #tpu.memory_space<vmem>> -> memref<128xi32, #tpu.memory_space<vmem>>
      %dma_wait3A_179 = arith.constant 0 : i32
      %dma_wait3A_180 = tpu.memref_slice %arg8[%dma_wait3A_179] : memref<1000000xf32, #tpu.memory_space<vmem_shared>> -> memref<1000000xf32, #tpu.memory_space<vmem_shared>>
      tpu.wait_indirect_dma semaphore(%arg9 : memref<!tpu.dma_semaphore, #tpu.memory_space<semaphore_mem>>) src(%dma_wait3A_180 : memref<1000000xf32, #tpu.memory_space<vmem_shared>>) dst(%dma_wait3A_175 : memref<128xf32, #tpu.memory_space<vmem>>)
      %dma_wait3A_181 = arith.constant 0 : i32
      %dma_wait3A_182 = arith.constant 0 : i32
      %dma_wait3A_183 = tpu.memref_slice %arg6[%dma_wait3A_182] : memref<13312xf32, #tpu.memory_space<vmem>> -> memref<128xf32, #tpu.memory_space<vmem>>
      %dma_wait3A_184 = arith.constant 0 : i32
      %dma_wait3A_185 = tpu.memref_slice %arg5[%dma_wait3A_181, %dma_wait3A_184] : memref<208x128xi32, #tpu.memory_space<vmem>> -> memref<1x128xi32, #tpu.memory_space<vmem>>
      %dma_wait3A_186 = tpu.memref_squeeze %dma_wait3A_185 : memref<1x128xi32, #tpu.memory_space<vmem>> -> memref<128xi32, #tpu.memory_space<vmem>>
      %dma_wait3A_187 = arith.constant 0 : i32
      %dma_wait3A_188 = tpu.memref_slice %arg8[%dma_wait3A_187] : memref<1000000xf32, #tpu.memory_space<vmem_shared>> -> memref<1000000xf32, #tpu.memory_space<vmem_shared>>
      tpu.wait_indirect_dma semaphore(%arg9 : memref<!tpu.dma_semaphore, #tpu.memory_space<semaphore_mem>>) src(%dma_wait3A_188 : memref<1000000xf32, #tpu.memory_space<vmem_shared>>) dst(%dma_wait3A_183 : memref<128xf32, #tpu.memory_space<vmem>>)
      %dma_wait3A_189 = arith.constant 0 : i32
      %dma_wait3A_190 = arith.constant 0 : i32
      %dma_wait3A_191 = tpu.memref_slice %arg6[%dma_wait3A_190] : memref<13312xf32, #tpu.memory_space<vmem>> -> memref<128xf32, #tpu.memory_space<vmem>>
      %dma_wait3A_192 = arith.constant 0 : i32
      %dma_wait3A_193 = tpu.memref_slice %arg5[%dma_wait3A_189, %dma_wait3A_192] : memref<208x128xi32, #tpu.memory_space<vmem>> -> memref<1x128xi32, #tpu.memory_space<vmem>>
      %dma_wait3A_194 = tpu.memref_squeeze %dma_wait3A_193 : memref<1x128xi32, #tpu.memory_space<vmem>> -> memref<128xi32, #tpu.memory_space<vmem>>
      %dma_wait3A_195 = arith.constant 0 : i32
      %dma_wait3A_196 = tpu.memref_slice %arg8[%dma_wait3A_195] : memref<1000000xf32, #tpu.memory_space<vmem_shared>> -> memref<1000000xf32, #tpu.memory_space<vmem_shared>>
      tpu.wait_indirect_dma semaphore(%arg9 : memref<!tpu.dma_semaphore, #tpu.memory_space<semaphore_mem>>) src(%dma_wait3A_196 : memref<1000000xf32, #tpu.memory_space<vmem_shared>>) dst(%dma_wait3A_191 : memref<128xf32, #tpu.memory_space<vmem>>)
      %dma_wait3A_197 = arith.constant 0 : i32
      %dma_wait3A_198 = arith.constant 0 : i32
      %dma_wait3A_199 = tpu.memref_slice %arg6[%dma_wait3A_198] : memref<13312xf32, #tpu.memory_space<vmem>> -> memref<128xf32, #tpu.memory_space<vmem>>
      %dma_wait3A_200 = arith.constant 0 : i32
      %dma_wait3A_201 = tpu.memref_slice %arg5[%dma_wait3A_197, %dma_wait3A_200] : memref<208x128xi32, #tpu.memory_space<vmem>> -> memref<1x128xi32, #tpu.memory_space<vmem>>
      %dma_wait3A_202 = tpu.memref_squeeze %dma_wait3A_201 : memref<1x128xi32, #tpu.memory_space<vmem>> -> memref<128xi32, #tpu.memory_space<vmem>>
      %dma_wait3A_203 = arith.constant 0 : i32
      %dma_wait3A_204 = tpu.memref_slice %arg8[%dma_wait3A_203] : memref<1000000xf32, #tpu.memory_space<vmem_shared>> -> memref<1000000xf32, #tpu.memory_space<vmem_shared>>
      tpu.wait_indirect_dma semaphore(%arg9 : memref<!tpu.dma_semaphore, #tpu.memory_space<semaphore_mem>>) src(%dma_wait3A_204 : memref<1000000xf32, #tpu.memory_space<vmem_shared>>) dst(%dma_wait3A_199 : memref<128xf32, #tpu.memory_space<vmem>>)
      %dma_wait3A_205 = arith.constant 0 : i32
      %dma_wait3A_206 = arith.constant 0 : i32
      %dma_wait3A_207 = tpu.memref_slice %arg6[%dma_wait3A_206] : memref<13312xf32, #tpu.memory_space<vmem>> -> memref<128xf32, #tpu.memory_space<vmem>>
      %dma_wait3A_208 = arith.constant 0 : i32
      %dma_wait3A_209 = tpu.memref_slice %arg5[%dma_wait3A_205, %dma_wait3A_208] : memref<208x128xi32, #tpu.memory_space<vmem>> -> memref<1x128xi32, #tpu.memory_space<vmem>>
      %dma_wait3A_210 = tpu.memref_squeeze %dma_wait3A_209 : memref<1x128xi32, #tpu.memory_space<vmem>> -> memref<128xi32, #tpu.memory_space<vmem>>
      %dma_wait3A_211 = arith.constant 0 : i32
      %dma_wait3A_212 = tpu.memref_slice %arg8[%dma_wait3A_211] : memref<1000000xf32, #tpu.memory_space<vmem_shared>> -> memref<1000000xf32, #tpu.memory_space<vmem_shared>>
      tpu.wait_indirect_dma semaphore(%arg9 : memref<!tpu.dma_semaphore, #tpu.memory_space<semaphore_mem>>) src(%dma_wait3A_212 : memref<1000000xf32, #tpu.memory_space<vmem_shared>>) dst(%dma_wait3A_207 : memref<128xf32, #tpu.memory_space<vmem>>)
      %dma_wait3A_213 = arith.constant 0 : i32
      %dma_wait3A_214 = arith.constant 0 : i32
      %dma_wait3A_215 = tpu.memref_slice %arg6[%dma_wait3A_214] : memref<13312xf32, #tpu.memory_space<vmem>> -> memref<128xf32, #tpu.memory_space<vmem>>
      %dma_wait3A_216 = arith.constant 0 : i32
      %dma_wait3A_217 = tpu.memref_slice %arg5[%dma_wait3A_213, %dma_wait3A_216] : memref<208x128xi32, #tpu.memory_space<vmem>> -> memref<1x128xi32, #tpu.memory_space<vmem>>
      %dma_wait3A_218 = tpu.memref_squeeze %dma_wait3A_217 : memref<1x128xi32, #tpu.memory_space<vmem>> -> memref<128xi32, #tpu.memory_space<vmem>>
      %dma_wait3A_219 = arith.constant 0 : i32
      %dma_wait3A_220 = tpu.memref_slice %arg8[%dma_wait3A_219] : memref<1000000xf32, #tpu.memory_space<vmem_shared>> -> memref<1000000xf32, #tpu.memory_space<vmem_shared>>
      tpu.wait_indirect_dma semaphore(%arg9 : memref<!tpu.dma_semaphore, #tpu.memory_space<semaphore_mem>>) src(%dma_wait3A_220 : memref<1000000xf32, #tpu.memory_space<vmem_shared>>) dst(%dma_wait3A_215 : memref<128xf32, #tpu.memory_space<vmem>>)
      %dma_wait3A_221 = arith.constant 0 : i32
      %dma_wait3A_222 = arith.constant 0 : i32
      %dma_wait3A_223 = tpu.memref_slice %arg6[%dma_wait3A_222] : memref<13312xf32, #tpu.memory_space<vmem>> -> memref<128xf32, #tpu.memory_space<vmem>>
      %dma_wait3A_224 = arith.constant 0 : i32
      %dma_wait3A_225 = tpu.memref_slice %arg5[%dma_wait3A_221, %dma_wait3A_224] : memref<208x128xi32, #tpu.memory_space<vmem>> -> memref<1x128xi32, #tpu.memory_space<vmem>>
      %dma_wait3A_226 = tpu.memref_squeeze %dma_wait3A_225 : memref<1x128xi32, #tpu.memory_space<vmem>> -> memref<128xi32, #tpu.memory_space<vmem>>
      %dma_wait3A_227 = arith.constant 0 : i32
      %dma_wait3A_228 = tpu.memref_slice %arg8[%dma_wait3A_227] : memref<1000000xf32, #tpu.memory_space<vmem_shared>> -> memref<1000000xf32, #tpu.memory_space<vmem_shared>>
      tpu.wait_indirect_dma semaphore(%arg9 : memref<!tpu.dma_semaphore, #tpu.memory_space<semaphore_mem>>) src(%dma_wait3A_228 : memref<1000000xf32, #tpu.memory_space<vmem_shared>>) dst(%dma_wait3A_223 : memref<128xf32, #tpu.memory_space<vmem>>)
      %dma_wait3A_229 = arith.constant 0 : i32
      %dma_wait3A_230 = arith.constant 0 : i32
      %dma_wait3A_231 = tpu.memref_slice %arg6[%dma_wait3A_230] : memref<13312xf32, #tpu.memory_space<vmem>> -> memref<128xf32, #tpu.memory_space<vmem>>
      %dma_wait3A_232 = arith.constant 0 : i32
      %dma_wait3A_233 = tpu.memref_slice %arg5[%dma_wait3A_229, %dma_wait3A_232] : memref<208x128xi32, #tpu.memory_space<vmem>> -> memref<1x128xi32, #tpu.memory_space<vmem>>
      %dma_wait3A_234 = tpu.memref_squeeze %dma_wait3A_233 : memref<1x128xi32, #tpu.memory_space<vmem>> -> memref<128xi32, #tpu.memory_space<vmem>>
      %dma_wait3A_235 = arith.constant 0 : i32
      %dma_wait3A_236 = tpu.memref_slice %arg8[%dma_wait3A_235] : memref<1000000xf32, #tpu.memory_space<vmem_shared>> -> memref<1000000xf32, #tpu.memory_space<vmem_shared>>
      tpu.wait_indirect_dma semaphore(%arg9 : memref<!tpu.dma_semaphore, #tpu.memory_space<semaphore_mem>>) src(%dma_wait3A_236 : memref<1000000xf32, #tpu.memory_space<vmem_shared>>) dst(%dma_wait3A_231 : memref<128xf32, #tpu.memory_space<vmem>>)
      %add3A_237 = arith.constant 0 : i32
      %add3A_238 = arith.addi %mul3A_0, %add3A_237 : i32
      %dma_start3A_239 = tpu.memref_slice %arg4[%add3A, %add3A_238] : memref<32x425984xf32, #tpu.memory_space<hbm>> -> memref<1x13312xf32, #tpu.memory_space<hbm>>
      %dma_start3A_240 = tpu.memref_squeeze %dma_start3A_239 : memref<1x13312xf32, #tpu.memory_space<hbm>> -> memref<13312xf32, #tpu.memory_space<hbm>>
      %dma_start3A_241 = tpu.memref_slice %arg4[%add3A, %add3A_238] : memref<32x425984xf32, #tpu.memory_space<hbm>> -> memref<1x13312xf32, #tpu.memory_space<hbm>>
      %dma_start3A_242 = tpu.memref_squeeze %dma_start3A_241 : memref<1x13312xf32, #tpu.memory_space<hbm>> -> memref<13312xf32, #tpu.memory_space<hbm>>
      tpu.enqueue_dma source(%arg6 : memref<13312xf32, #tpu.memory_space<vmem>>) target(%dma_start3A_242 : memref<13312xf32, #tpu.memory_space<hbm>>) target_semaphore(%arg10 : memref<!tpu.dma_semaphore, #tpu.memory_space<semaphore_mem>>)
      %ge3A_243 = arith.constant 1 : i32
      %ge3A_244 = arith.cmpi sge, %scan3A_15, %ge3A_243 : i32
      %convert_element_type3A_245 = arith.extui %ge3A_244 : i1 to i32
      %cond3A_246 = arith.constant 0 : i32
      %cond3A_247 = arith.cmpi ne, %convert_element_type3A_245, %cond3A_246 : i32
      scf.if %cond3A_247 {
        %dma_wait3A_469 = arith.constant 0 : i32
        %dma_wait3A_470 = tpu.memref_slice %arg4[%dma_wait3A_469, %mul3A_0] : memref<32x425984xf32, #tpu.memory_space<hbm>> -> memref<1x13312xf32, #tpu.memory_space<hbm>>
        %dma_wait3A_471 = tpu.memref_squeeze %dma_wait3A_470 : memref<1x13312xf32, #tpu.memory_space<hbm>> -> memref<13312xf32, #tpu.memory_space<hbm>>
        %dma_wait3A_472 = tpu.memref_slice %arg4[%dma_wait3A_469, %mul3A_0] : memref<32x425984xf32, #tpu.memory_space<hbm>> -> memref<1x13312xf32, #tpu.memory_space<hbm>>
        %dma_wait3A_473 = tpu.memref_squeeze %dma_wait3A_472 : memref<1x13312xf32, #tpu.memory_space<hbm>> -> memref<13312xf32, #tpu.memory_space<hbm>>
        tpu.wait_dma2 semaphore(%arg11 : memref<!tpu.dma_semaphore, #tpu.memory_space<semaphore_mem>>) src(%arg7 : memref<13312xf32, #tpu.memory_space<vmem>>) dst(%dma_wait3A_473 : memref<13312xf32, #tpu.memory_space<hbm>>)
      } else {
      }
      %dma_start3A_248 = arith.constant 104 : i32
      %dma_start3A_249 = arith.constant 0 : i32
      %dma_start3A_250 = tpu.memref_slice %arg7[%dma_start3A_249] : memref<13312xf32, #tpu.memory_space<vmem>> -> memref<128xf32, #tpu.memory_space<vmem>>
      %dma_start3A_251 = arith.constant 0 : i32
      %dma_start3A_252 = tpu.memref_slice %arg5[%dma_start3A_248, %dma_start3A_251] : memref<208x128xi32, #tpu.memory_space<vmem>> -> memref<1x128xi32, #tpu.memory_space<vmem>>
      %dma_start3A_253 = tpu.memref_squeeze %dma_start3A_252 : memref<1x128xi32, #tpu.memory_space<vmem>> -> memref<128xi32, #tpu.memory_space<vmem>>
      %dma_start3A_254 = arith.constant 0 : i32
      %dma_start3A_255 = tpu.memref_slice %arg8[%dma_start3A_254] : memref<1000000xf32, #tpu.memory_space<vmem_shared>> -> memref<1000000xf32, #tpu.memory_space<vmem_shared>>
      tpu.enqueue_indirect_dma source(%dma_start3A_255 : memref<1000000xf32, #tpu.memory_space<vmem_shared>>) target(%dma_start3A_250 : memref<128xf32, #tpu.memory_space<vmem>>) offsets(%dma_start3A_253 : memref<128xi32, #tpu.memory_space<vmem>>) semaphore(%arg9 : memref<!tpu.dma_semaphore, #tpu.memory_space<semaphore_mem>>)
      %dma_start3A_256 = arith.constant 105 : i32
      %dma_start3A_257 = arith.constant 128 : i32
      %dma_start3A_258 = tpu.memref_slice %arg7[%dma_start3A_257] : memref<13312xf32, #tpu.memory_space<vmem>> -> memref<128xf32, #tpu.memory_space<vmem>>
      %dma_start3A_259 = arith.constant 0 : i32
      %dma_start3A_260 = tpu.memref_slice %arg5[%dma_start3A_256, %dma_start3A_259] : memref<208x128xi32, #tpu.memory_space<vmem>> -> memref<1x128xi32, #tpu.memory_space<vmem>>
      %dma_start3A_261 = tpu.memref_squeeze %dma_start3A_260 : memref<1x128xi32, #tpu.memory_space<vmem>> -> memref<128xi32, #tpu.memory_space<vmem>>
      %dma_start3A_262 = arith.constant 0 : i32
      %dma_start3A_263 = tpu.memref_slice %arg8[%dma_start3A_262] : memref<1000000xf32, #tpu.memory_space<vmem_shared>> -> memref<1000000xf32, #tpu.memory_space<vmem_shared>>
      tpu.enqueue_indirect_dma source(%dma_start3A_263 : memref<1000000xf32, #tpu.memory_space<vmem_shared>>) target(%dma_start3A_258 : memref<128xf32, #tpu.memory_space<vmem>>) offsets(%dma_start3A_261 : memref<128xi32, #tpu.memory_space<vmem>>) semaphore(%arg9 : memref<!tpu.dma_semaphore, #tpu.memory_space<semaphore_mem>>)
      %dma_start3A_264 = arith.constant 106 : i32
      %dma_start3A_265 = arith.constant 256 : i32
      %dma_start3A_266 = tpu.memref_slice %arg7[%dma_start3A_265] : memref<13312xf32, #tpu.memory_space<vmem>> -> memref<128xf32, #tpu.memory_space<vmem>>
      %dma_start3A_267 = arith.constant 0 : i32
      %dma_start3A_268 = tpu.memref_slice %arg5[%dma_start3A_264, %dma_start3A_267] : memref<208x128xi32, #tpu.memory_space<vmem>> -> memref<1x128xi32, #tpu.memory_space<vmem>>
      %dma_start3A_269 = tpu.memref_squeeze %dma_start3A_268 : memref<1x128xi32, #tpu.memory_space<vmem>> -> memref<128xi32, #tpu.memory_space<vmem>>
      %dma_start3A_270 = arith.constant 0 : i32
      %dma_start3A_271 = tpu.memref_slice %arg8[%dma_start3A_270] : memref<1000000xf32, #tpu.memory_space<vmem_shared>> -> memref<1000000xf32, #tpu.memory_space<vmem_shared>>
      tpu.enqueue_indirect_dma source(%dma_start3A_271 : memref<1000000xf32, #tpu.memory_space<vmem_shared>>) target(%dma_start3A_266 : memref<128xf32, #tpu.memory_space<vmem>>) offsets(%dma_start3A_269 : memref<128xi32, #tpu.memory_space<vmem>>) semaphore(%arg9 : memref<!tpu.dma_semaphore, #tpu.memory_space<semaphore_mem>>)
      %dma_start3A_272 = arith.constant 107 : i32
      %dma_start3A_273 = arith.constant 384 : i32
      %dma_start3A_274 = tpu.memref_slice %arg7[%dma_start3A_273] : memref<13312xf32, #tpu.memory_space<vmem>> -> memref<128xf32, #tpu.memory_space<vmem>>
      %dma_start3A_275 = arith.constant 0 : i32
      %dma_start3A_276 = tpu.memref_slice %arg5[%dma_start3A_272, %dma_start3A_275] : memref<208x128xi32, #tpu.memory_space<vmem>> -> memref<1x128xi32, #tpu.memory_space<vmem>>
      %dma_start3A_277 = tpu.memref_squeeze %dma_start3A_276 : memref<1x128xi32, #tpu.memory_space<vmem>> -> memref<128xi32, #tpu.memory_space<vmem>>
      %dma_start3A_278 = arith.constant 0 : i32
      %dma_start3A_279 = tpu.memref_slice %arg8[%dma_start3A_278] : memref<1000000xf32, #tpu.memory_space<vmem_shared>> -> memref<1000000xf32, #tpu.memory_space<vmem_shared>>
      tpu.enqueue_indirect_dma source(%dma_start3A_279 : memref<1000000xf32, #tpu.memory_space<vmem_shared>>) target(%dma_start3A_274 : memref<128xf32, #tpu.memory_space<vmem>>) offsets(%dma_start3A_277 : memref<128xi32, #tpu.memory_space<vmem>>) semaphore(%arg9 : memref<!tpu.dma_semaphore, #tpu.memory_space<semaphore_mem>>)
      %dma_start3A_280 = arith.constant 108 : i32
      %dma_start3A_281 = arith.constant 512 : i32
      %dma_start3A_282 = tpu.memref_slice %arg7[%dma_start3A_281] : memref<13312xf32, #tpu.memory_space<vmem>> -> memref<128xf32, #tpu.memory_space<vmem>>
      %dma_start3A_283 = arith.constant 0 : i32
      %dma_start3A_284 = tpu.memref_slice %arg5[%dma_start3A_280, %dma_start3A_283] : memref<208x128xi32, #tpu.memory_space<vmem>> -> memref<1x128xi32, #tpu.memory_space<vmem>>
      %dma_start3A_285 = tpu.memref_squeeze %dma_start3A_284 : memref<1x128xi32, #tpu.memory_space<vmem>> -> memref<128xi32, #tpu.memory_space<vmem>>
      %dma_start3A_286 = arith.constant 0 : i32
      %dma_start3A_287 = tpu.memref_slice %arg8[%dma_start3A_286] : memref<1000000xf32, #tpu.memory_space<vmem_shared>> -> memref<1000000xf32, #tpu.memory_space<vmem_shared>>
      tpu.enqueue_indirect_dma source(%dma_start3A_287 : memref<1000000xf32, #tpu.memory_space<vmem_shared>>) target(%dma_start3A_282 : memref<128xf32, #tpu.memory_space<vmem>>) offsets(%dma_start3A_285 : memref<128xi32, #tpu.memory_space<vmem>>) semaphore(%arg9 : memref<!tpu.dma_semaphore, #tpu.memory_space<semaphore_mem>>)
      %dma_start3A_288 = arith.constant 109 : i32
      %dma_start3A_289 = arith.constant 640 : i32
      %dma_start3A_290 = tpu.memref_slice %arg7[%dma_start3A_289] : memref<13312xf32, #tpu.memory_space<vmem>> -> memref<128xf32, #tpu.memory_space<vmem>>
      %dma_start3A_291 = arith.constant 0 : i32
      %dma_start3A_292 = tpu.memref_slice %arg5[%dma_start3A_288, %dma_start3A_291] : memref<208x128xi32, #tpu.memory_space<vmem>> -> memref<1x128xi32, #tpu.memory_space<vmem>>
      %dma_start3A_293 = tpu.memref_squeeze %dma_start3A_292 : memref<1x128xi32, #tpu.memory_space<vmem>> -> memref<128xi32, #tpu.memory_space<vmem>>
      %dma_start3A_294 = arith.constant 0 : i32
      %dma_start3A_295 = tpu.memref_slice %arg8[%dma_start3A_294] : memref<1000000xf32, #tpu.memory_space<vmem_shared>> -> memref<1000000xf32, #tpu.memory_space<vmem_shared>>
      tpu.enqueue_indirect_dma source(%dma_start3A_295 : memref<1000000xf32, #tpu.memory_space<vmem_shared>>) target(%dma_start3A_290 : memref<128xf32, #tpu.memory_space<vmem>>) offsets(%dma_start3A_293 : memref<128xi32, #tpu.memory_space<vmem>>) semaphore(%arg9 : memref<!tpu.dma_semaphore, #tpu.memory_space<semaphore_mem>>)
      %dma_start3A_296 = arith.constant 110 : i32
      %dma_start3A_297 = arith.constant 768 : i32
      %dma_start3A_298 = tpu.memref_slice %arg7[%dma_start3A_297] : memref<13312xf32, #tpu.memory_space<vmem>> -> memref<128xf32, #tpu.memory_space<vmem>>
      %dma_start3A_299 = arith.constant 0 : i32
      %dma_start3A_300 = tpu.memref_slice %arg5[%dma_start3A_296, %dma_start3A_299] : memref<208x128xi32, #tpu.memory_space<vmem>> -> memref<1x128xi32, #tpu.memory_space<vmem>>
      %dma_start3A_301 = tpu.memref_squeeze %dma_start3A_300 : memref<1x128xi32, #tpu.memory_space<vmem>> -> memref<128xi32, #tpu.memory_space<vmem>>
      %dma_start3A_302 = arith.constant 0 : i32
      %dma_start3A_303 = tpu.memref_slice %arg8[%dma_start3A_302] : memref<1000000xf32, #tpu.memory_space<vmem_shared>> -> memref<1000000xf32, #tpu.memory_space<vmem_shared>>
      tpu.enqueue_indirect_dma source(%dma_start3A_303 : memref<1000000xf32, #tpu.memory_space<vmem_shared>>) target(%dma_start3A_298 : memref<128xf32, #tpu.memory_space<vmem>>) offsets(%dma_start3A_301 : memref<128xi32, #tpu.memory_space<vmem>>) semaphore(%arg9 : memref<!tpu.dma_semaphore, #tpu.memory_space<semaphore_mem>>)
      %dma_start3A_304 = arith.constant 111 : i32
      %dma_start3A_305 = arith.constant 896 : i32
      %dma_start3A_306 = tpu.memref_slice %arg7[%dma_start3A_305] : memref<13312xf32, #tpu.memory_space<vmem>> -> memref<128xf32, #tpu.memory_space<vmem>>
      %dma_start3A_307 = arith.constant 0 : i32
      %dma_start3A_308 = tpu.memref_slice %arg5[%dma_start3A_304, %dma_start3A_307] : memref<208x128xi32, #tpu.memory_space<vmem>> -> memref<1x128xi32, #tpu.memory_space<vmem>>
      %dma_start3A_309 = tpu.memref_squeeze %dma_start3A_308 : memref<1x128xi32, #tpu.memory_space<vmem>> -> memref<128xi32, #tpu.memory_space<vmem>>
      %dma_start3A_310 = arith.constant 0 : i32
      %dma_start3A_311 = tpu.memref_slice %arg8[%dma_start3A_310] : memref<1000000xf32, #tpu.memory_space<vmem_shared>> -> memref<1000000xf32, #tpu.memory_space<vmem_shared>>
      tpu.enqueue_indirect_dma source(%dma_start3A_311 : memref<1000000xf32, #tpu.memory_space<vmem_shared>>) target(%dma_start3A_306 : memref<128xf32, #tpu.memory_space<vmem>>) offsets(%dma_start3A_309 : memref<128xi32, #tpu.memory_space<vmem>>) semaphore(%arg9 : memref<!tpu.dma_semaphore, #tpu.memory_space<semaphore_mem>>)
      %dma_start3A_312 = arith.constant 112 : i32
      %dma_start3A_313 = arith.constant 1024 : i32
      %dma_start3A_314 = tpu.memref_slice %arg7[%dma_start3A_313] : memref<13312xf32, #tpu.memory_space<vmem>> -> memref<128xf32, #tpu.memory_space<vmem>>
      %dma_start3A_315 = arith.constant 0 : i32
      %dma_start3A_316 = tpu.memref_slice %arg5[%dma_start3A_312, %dma_start3A_315] : memref<208x128xi32, #tpu.memory_space<vmem>> -> memref<1x128xi32, #tpu.memory_space<vmem>>
      %dma_start3A_317 = tpu.memref_squeeze %dma_start3A_316 : memref<1x128xi32, #tpu.memory_space<vmem>> -> memref<128xi32, #tpu.memory_space<vmem>>
      %dma_start3A_318 = arith.constant 0 : i32
      %dma_start3A_319 = tpu.memref_slice %arg8[%dma_start3A_318] : memref<1000000xf32, #tpu.memory_space<vmem_shared>> -> memref<1000000xf32, #tpu.memory_space<vmem_shared>>
      tpu.enqueue_indirect_dma source(%dma_start3A_319 : memref<1000000xf32, #tpu.memory_space<vmem_shared>>) target(%dma_start3A_314 : memref<128xf32, #tpu.memory_space<vmem>>) offsets(%dma_start3A_317 : memref<128xi32, #tpu.memory_space<vmem>>) semaphore(%arg9 : memref<!tpu.dma_semaphore, #tpu.memory_space<semaphore_mem>>)
      %dma_start3A_320 = arith.constant 113 : i32
      %dma_start3A_321 = arith.constant 1152 : i32
      %dma_start3A_322 = tpu.memref_slice %arg7[%dma_start3A_321] : memref<13312xf32, #tpu.memory_space<vmem>> -> memref<128xf32, #tpu.memory_space<vmem>>
      %dma_start3A_323 = arith.constant 0 : i32
      %dma_start3A_324 = tpu.memref_slice %arg5[%dma_start3A_320, %dma_start3A_323] : memref<208x128xi32, #tpu.memory_space<vmem>> -> memref<1x128xi32, #tpu.memory_space<vmem>>
      %dma_start3A_325 = tpu.memref_squeeze %dma_start3A_324 : memref<1x128xi32, #tpu.memory_space<vmem>> -> memref<128xi32, #tpu.memory_space<vmem>>
      %dma_start3A_326 = arith.constant 0 : i32
      %dma_start3A_327 = tpu.memref_slice %arg8[%dma_start3A_326] : memref<1000000xf32, #tpu.memory_space<vmem_shared>> -> memref<1000000xf32, #tpu.memory_space<vmem_shared>>
      tpu.enqueue_indirect_dma source(%dma_start3A_327 : memref<1000000xf32, #tpu.memory_space<vmem_shared>>) target(%dma_start3A_322 : memref<128xf32, #tpu.memory_space<vmem>>) offsets(%dma_start3A_325 : memref<128xi32, #tpu.memory_space<vmem>>) semaphore(%arg9 : memref<!tpu.dma_semaphore, #tpu.memory_space<semaphore_mem>>)
      %dma_start3A_328 = arith.constant 114 : i32
      %dma_start3A_329 = arith.constant 1280 : i32
      %dma_start3A_330 = tpu.memref_slice %arg7[%dma_start3A_329] : memref<13312xf32, #tpu.memory_space<vmem>> -> memref<128xf32, #tpu.memory_space<vmem>>
      %dma_start3A_331 = arith.constant 0 : i32
      %dma_start3A_332 = tpu.memref_slice %arg5[%dma_start3A_328, %dma_start3A_331] : memref<208x128xi32, #tpu.memory_space<vmem>> -> memref<1x128xi32, #tpu.memory_space<vmem>>
      %dma_start3A_333 = tpu.memref_squeeze %dma_start3A_332 : memref<1x128xi32, #tpu.memory_space<vmem>> -> memref<128xi32, #tpu.memory_space<vmem>>
      %dma_start3A_334 = arith.constant 0 : i32
      %dma_start3A_335 = tpu.memref_slice %arg8[%dma_start3A_334] : memref<1000000xf32, #tpu.memory_space<vmem_shared>> -> memref<1000000xf32, #tpu.memory_space<vmem_shared>>
      tpu.enqueue_indirect_dma source(%dma_start3A_335 : memref<1000000xf32, #tpu.memory_space<vmem_shared>>) target(%dma_start3A_330 : memref<128xf32, #tpu.memory_space<vmem>>) offsets(%dma_start3A_333 : memref<128xi32, #tpu.memory_space<vmem>>) semaphore(%arg9 : memref<!tpu.dma_semaphore, #tpu.memory_space<semaphore_mem>>)
      %dma_start3A_336 = arith.constant 115 : i32
      %dma_start3A_337 = arith.constant 1408 : i32
      %dma_start3A_338 = tpu.memref_slice %arg7[%dma_start3A_337] : memref<13312xf32, #tpu.memory_space<vmem>> -> memref<128xf32, #tpu.memory_space<vmem>>
      %dma_start3A_339 = arith.constant 0 : i32
      %dma_start3A_340 = tpu.memref_slice %arg5[%dma_start3A_336, %dma_start3A_339] : memref<208x128xi32, #tpu.memory_space<vmem>> -> memref<1x128xi32, #tpu.memory_space<vmem>>
      %dma_start3A_341 = tpu.memref_squeeze %dma_start3A_340 : memref<1x128xi32, #tpu.memory_space<vmem>> -> memref<128xi32, #tpu.memory_space<vmem>>
      %dma_start3A_342 = arith.constant 0 : i32
      %dma_start3A_343 = tpu.memref_slice %arg8[%dma_start3A_342] : memref<1000000xf32, #tpu.memory_space<vmem_shared>> -> memref<1000000xf32, #tpu.memory_space<vmem_shared>>
      tpu.enqueue_indirect_dma source(%dma_start3A_343 : memref<1000000xf32, #tpu.memory_space<vmem_shared>>) target(%dma_start3A_338 : memref<128xf32, #tpu.memory_space<vmem>>) offsets(%dma_start3A_341 : memref<128xi32, #tpu.memory_space<vmem>>) semaphore(%arg9 : memref<!tpu.dma_semaphore, #tpu.memory_space<semaphore_mem>>)
      %dma_start3A_344 = arith.constant 116 : i32
      %dma_start3A_345 = arith.constant 1536 : i32
      %dma_start3A_346 = tpu.memref_slice %arg7[%dma_start3A_345] : memref<13312xf32, #tpu.memory_space<vmem>> -> memref<128xf32, #tpu.memory_space<vmem>>
      %dma_start3A_347 = arith.constant 0 : i32
      %dma_start3A_348 = tpu.memref_slice %arg5[%dma_start3A_344, %dma_start3A_347] : memref<208x128xi32, #tpu.memory_space<vmem>> -> memref<1x128xi32, #tpu.memory_space<vmem>>
      %dma_start3A_349 = tpu.memref_squeeze %dma_start3A_348 : memref<1x128xi32, #tpu.memory_space<vmem>> -> memref<128xi32, #tpu.memory_space<vmem>>
      %dma_start3A_350 = arith.constant 0 : i32
      %dma_start3A_351 = tpu.memref_slice %arg8[%dma_start3A_350] : memref<1000000xf32, #tpu.memory_space<vmem_shared>> -> memref<1000000xf32, #tpu.memory_space<vmem_shared>>
      tpu.enqueue_indirect_dma source(%dma_start3A_351 : memref<1000000xf32, #tpu.memory_space<vmem_shared>>) target(%dma_start3A_346 : memref<128xf32, #tpu.memory_space<vmem>>) offsets(%dma_start3A_349 : memref<128xi32, #tpu.memory_space<vmem>>) semaphore(%arg9 : memref<!tpu.dma_semaphore, #tpu.memory_space<semaphore_mem>>)
      %scan3A_352 = arith.constant 0 : i32
      %scan3A_353 = arith.constant 1 : i32
      %scan3A_354 = arith.constant 7 : i32
      %scan3A_355 = arith.addi %scan3A_353, %scan3A_354 : i32
      %scan3A_356 = arith.constant 1 : i32
      scf.for %scan3A_469 = %scan3A_353 to %scan3A_355 step %scan3A_356  : i32 {
        %mul3A_470 = arith.constant 13 : i32
        %mul3A_471 = arith.muli %scan3A_469, %mul3A_470 : i32
        %add3A_472 = arith.constant 104 : i32
        %add3A_473 = arith.addi %add3A_472, %mul3A_471 : i32
        %add3A_474 = arith.constant 0 : i32
        %add3A_475 = arith.addi %add3A_473, %add3A_474 : i32
        %mul3A_476 = arith.constant 13 : i32
        %mul3A_477 = arith.muli %scan3A_469, %mul3A_476 : i32
        %add3A_478 = arith.constant 0 : i32
        %add3A_479 = arith.addi %mul3A_477, %add3A_478 : i32
        %mul3A_480 = arith.constant 128 : i32
        %mul3A_481 = arith.muli %add3A_479, %mul3A_480 : i32
        %dma_start3A_482 = tpu.memref_slice %arg7[%mul3A_481] : memref<13312xf32, #tpu.memory_space<vmem>> -> memref<128xf32, #tpu.memory_space<vmem>>
        %dma_start3A_483 = arith.constant 0 : i32
        %dma_start3A_484 = tpu.memref_slice %arg5[%add3A_475, %dma_start3A_483] : memref<208x128xi32, #tpu.memory_space<vmem>> -> memref<1x128xi32, #tpu.memory_space<vmem>>
        %dma_start3A_485 = tpu.memref_squeeze %dma_start3A_484 : memref<1x128xi32, #tpu.memory_space<vmem>> -> memref<128xi32, #tpu.memory_space<vmem>>
        %dma_start3A_486 = arith.constant 0 : i32
        %dma_start3A_487 = tpu.memref_slice %arg8[%dma_start3A_486] : memref<1000000xf32, #tpu.memory_space<vmem_shared>> -> memref<1000000xf32, #tpu.memory_space<vmem_shared>>
        tpu.enqueue_indirect_dma source(%dma_start3A_487 : memref<1000000xf32, #tpu.memory_space<vmem_shared>>) target(%dma_start3A_482 : memref<128xf32, #tpu.memory_space<vmem>>) offsets(%dma_start3A_485 : memref<128xi32, #tpu.memory_space<vmem>>) semaphore(%arg9 : memref<!tpu.dma_semaphore, #tpu.memory_space<semaphore_mem>>)
        %mul3A_488 = arith.constant 13 : i32
        %mul3A_489 = arith.muli %scan3A_469, %mul3A_488 : i32
        %add3A_490 = arith.constant 104 : i32
        %add3A_491 = arith.addi %add3A_490, %mul3A_489 : i32
        %add3A_492 = arith.constant 1 : i32
        %add3A_493 = arith.addi %add3A_491, %add3A_492 : i32
        %mul3A_494 = arith.constant 13 : i32
        %mul3A_495 = arith.muli %scan3A_469, %mul3A_494 : i32
        %add3A_496 = arith.constant 1 : i32
        %add3A_497 = arith.addi %mul3A_495, %add3A_496 : i32
        %mul3A_498 = arith.constant 128 : i32
        %mul3A_499 = arith.muli %add3A_497, %mul3A_498 : i32
        %dma_start3A_500 = tpu.memref_slice %arg7[%mul3A_499] : memref<13312xf32, #tpu.memory_space<vmem>> -> memref<128xf32, #tpu.memory_space<vmem>>
        %dma_start3A_501 = arith.constant 0 : i32
        %dma_start3A_502 = tpu.memref_slice %arg5[%add3A_493, %dma_start3A_501] : memref<208x128xi32, #tpu.memory_space<vmem>> -> memref<1x128xi32, #tpu.memory_space<vmem>>
        %dma_start3A_503 = tpu.memref_squeeze %dma_start3A_502 : memref<1x128xi32, #tpu.memory_space<vmem>> -> memref<128xi32, #tpu.memory_space<vmem>>
        %dma_start3A_504 = arith.constant 0 : i32
        %dma_start3A_505 = tpu.memref_slice %arg8[%dma_start3A_504] : memref<1000000xf32, #tpu.memory_space<vmem_shared>> -> memref<1000000xf32, #tpu.memory_space<vmem_shared>>
        tpu.enqueue_indirect_dma source(%dma_start3A_505 : memref<1000000xf32, #tpu.memory_space<vmem_shared>>) target(%dma_start3A_500 : memref<128xf32, #tpu.memory_space<vmem>>) offsets(%dma_start3A_503 : memref<128xi32, #tpu.memory_space<vmem>>) semaphore(%arg9 : memref<!tpu.dma_semaphore, #tpu.memory_space<semaphore_mem>>)
        %mul3A_506 = arith.constant 13 : i32
        %mul3A_507 = arith.muli %scan3A_469, %mul3A_506 : i32
        %add3A_508 = arith.constant 104 : i32
        %add3A_509 = arith.addi %add3A_508, %mul3A_507 : i32
        %add3A_510 = arith.constant 2 : i32
        %add3A_511 = arith.addi %add3A_509, %add3A_510 : i32
        %mul3A_512 = arith.constant 13 : i32
        %mul3A_513 = arith.muli %scan3A_469, %mul3A_512 : i32
        %add3A_514 = arith.constant 2 : i32
        %add3A_515 = arith.addi %mul3A_513, %add3A_514 : i32
        %mul3A_516 = arith.constant 128 : i32
        %mul3A_517 = arith.muli %add3A_515, %mul3A_516 : i32
        %dma_start3A_518 = tpu.memref_slice %arg7[%mul3A_517] : memref<13312xf32, #tpu.memory_space<vmem>> -> memref<128xf32, #tpu.memory_space<vmem>>
        %dma_start3A_519 = arith.constant 0 : i32
        %dma_start3A_520 = tpu.memref_slice %arg5[%add3A_511, %dma_start3A_519] : memref<208x128xi32, #tpu.memory_space<vmem>> -> memref<1x128xi32, #tpu.memory_space<vmem>>
        %dma_start3A_521 = tpu.memref_squeeze %dma_start3A_520 : memref<1x128xi32, #tpu.memory_space<vmem>> -> memref<128xi32, #tpu.memory_space<vmem>>
        %dma_start3A_522 = arith.constant 0 : i32
        %dma_start3A_523 = tpu.memref_slice %arg8[%dma_start3A_522] : memref<1000000xf32, #tpu.memory_space<vmem_shared>> -> memref<1000000xf32, #tpu.memory_space<vmem_shared>>
        tpu.enqueue_indirect_dma source(%dma_start3A_523 : memref<1000000xf32, #tpu.memory_space<vmem_shared>>) target(%dma_start3A_518 : memref<128xf32, #tpu.memory_space<vmem>>) offsets(%dma_start3A_521 : memref<128xi32, #tpu.memory_space<vmem>>) semaphore(%arg9 : memref<!tpu.dma_semaphore, #tpu.memory_space<semaphore_mem>>)
        %mul3A_524 = arith.constant 13 : i32
        %mul3A_525 = arith.muli %scan3A_469, %mul3A_524 : i32
        %add3A_526 = arith.constant 104 : i32
        %add3A_527 = arith.addi %add3A_526, %mul3A_525 : i32
        %add3A_528 = arith.constant 3 : i32
        %add3A_529 = arith.addi %add3A_527, %add3A_528 : i32
        %mul3A_530 = arith.constant 13 : i32
        %mul3A_531 = arith.muli %scan3A_469, %mul3A_530 : i32
        %add3A_532 = arith.constant 3 : i32
        %add3A_533 = arith.addi %mul3A_531, %add3A_532 : i32
        %mul3A_534 = arith.constant 128 : i32
        %mul3A_535 = arith.muli %add3A_533, %mul3A_534 : i32
        %dma_start3A_536 = tpu.memref_slice %arg7[%mul3A_535] : memref<13312xf32, #tpu.memory_space<vmem>> -> memref<128xf32, #tpu.memory_space<vmem>>
        %dma_start3A_537 = arith.constant 0 : i32
        %dma_start3A_538 = tpu.memref_slice %arg5[%add3A_529, %dma_start3A_537] : memref<208x128xi32, #tpu.memory_space<vmem>> -> memref<1x128xi32, #tpu.memory_space<vmem>>
        %dma_start3A_539 = tpu.memref_squeeze %dma_start3A_538 : memref<1x128xi32, #tpu.memory_space<vmem>> -> memref<128xi32, #tpu.memory_space<vmem>>
        %dma_start3A_540 = arith.constant 0 : i32
        %dma_start3A_541 = tpu.memref_slice %arg8[%dma_start3A_540] : memref<1000000xf32, #tpu.memory_space<vmem_shared>> -> memref<1000000xf32, #tpu.memory_space<vmem_shared>>
        tpu.enqueue_indirect_dma source(%dma_start3A_541 : memref<1000000xf32, #tpu.memory_space<vmem_shared>>) target(%dma_start3A_536 : memref<128xf32, #tpu.memory_space<vmem>>) offsets(%dma_start3A_539 : memref<128xi32, #tpu.memory_space<vmem>>) semaphore(%arg9 : memref<!tpu.dma_semaphore, #tpu.memory_space<semaphore_mem>>)
        %mul3A_542 = arith.constant 13 : i32
        %mul3A_543 = arith.muli %scan3A_469, %mul3A_542 : i32
        %add3A_544 = arith.constant 104 : i32
        %add3A_545 = arith.addi %add3A_544, %mul3A_543 : i32
        %add3A_546 = arith.constant 4 : i32
        %add3A_547 = arith.addi %add3A_545, %add3A_546 : i32
        %mul3A_548 = arith.constant 13 : i32
        %mul3A_549 = arith.muli %scan3A_469, %mul3A_548 : i32
        %add3A_550 = arith.constant 4 : i32
        %add3A_551 = arith.addi %mul3A_549, %add3A_550 : i32
        %mul3A_552 = arith.constant 128 : i32
        %mul3A_553 = arith.muli %add3A_551, %mul3A_552 : i32
        %dma_start3A_554 = tpu.memref_slice %arg7[%mul3A_553] : memref<13312xf32, #tpu.memory_space<vmem>> -> memref<128xf32, #tpu.memory_space<vmem>>
        %dma_start3A_555 = arith.constant 0 : i32
        %dma_start3A_556 = tpu.memref_slice %arg5[%add3A_547, %dma_start3A_555] : memref<208x128xi32, #tpu.memory_space<vmem>> -> memref<1x128xi32, #tpu.memory_space<vmem>>
        %dma_start3A_557 = tpu.memref_squeeze %dma_start3A_556 : memref<1x128xi32, #tpu.memory_space<vmem>> -> memref<128xi32, #tpu.memory_space<vmem>>
        %dma_start3A_558 = arith.constant 0 : i32
        %dma_start3A_559 = tpu.memref_slice %arg8[%dma_start3A_558] : memref<1000000xf32, #tpu.memory_space<vmem_shared>> -> memref<1000000xf32, #tpu.memory_space<vmem_shared>>
        tpu.enqueue_indirect_dma source(%dma_start3A_559 : memref<1000000xf32, #tpu.memory_space<vmem_shared>>) target(%dma_start3A_554 : memref<128xf32, #tpu.memory_space<vmem>>) offsets(%dma_start3A_557 : memref<128xi32, #tpu.memory_space<vmem>>) semaphore(%arg9 : memref<!tpu.dma_semaphore, #tpu.memory_space<semaphore_mem>>)
        %mul3A_560 = arith.constant 13 : i32
        %mul3A_561 = arith.muli %scan3A_469, %mul3A_560 : i32
        %add3A_562 = arith.constant 104 : i32
        %add3A_563 = arith.addi %add3A_562, %mul3A_561 : i32
        %add3A_564 = arith.constant 5 : i32
        %add3A_565 = arith.addi %add3A_563, %add3A_564 : i32
        %mul3A_566 = arith.constant 13 : i32
        %mul3A_567 = arith.muli %scan3A_469, %mul3A_566 : i32
        %add3A_568 = arith.constant 5 : i32
        %add3A_569 = arith.addi %mul3A_567, %add3A_568 : i32
        %mul3A_570 = arith.constant 128 : i32
        %mul3A_571 = arith.muli %add3A_569, %mul3A_570 : i32
        %dma_start3A_572 = tpu.memref_slice %arg7[%mul3A_571] : memref<13312xf32, #tpu.memory_space<vmem>> -> memref<128xf32, #tpu.memory_space<vmem>>
        %dma_start3A_573 = arith.constant 0 : i32
        %dma_start3A_574 = tpu.memref_slice %arg5[%add3A_565, %dma_start3A_573] : memref<208x128xi32, #tpu.memory_space<vmem>> -> memref<1x128xi32, #tpu.memory_space<vmem>>
        %dma_start3A_575 = tpu.memref_squeeze %dma_start3A_574 : memref<1x128xi32, #tpu.memory_space<vmem>> -> memref<128xi32, #tpu.memory_space<vmem>>
        %dma_start3A_576 = arith.constant 0 : i32
        %dma_start3A_577 = tpu.memref_slice %arg8[%dma_start3A_576] : memref<1000000xf32, #tpu.memory_space<vmem_shared>> -> memref<1000000xf32, #tpu.memory_space<vmem_shared>>
        tpu.enqueue_indirect_dma source(%dma_start3A_577 : memref<1000000xf32, #tpu.memory_space<vmem_shared>>) target(%dma_start3A_572 : memref<128xf32, #tpu.memory_space<vmem>>) offsets(%dma_start3A_575 : memref<128xi32, #tpu.memory_space<vmem>>) semaphore(%arg9 : memref<!tpu.dma_semaphore, #tpu.memory_space<semaphore_mem>>)
        %mul3A_578 = arith.constant 13 : i32
        %mul3A_579 = arith.muli %scan3A_469, %mul3A_578 : i32
        %add3A_580 = arith.constant 104 : i32
        %add3A_581 = arith.addi %add3A_580, %mul3A_579 : i32
        %add3A_582 = arith.constant 6 : i32
        %add3A_583 = arith.addi %add3A_581, %add3A_582 : i32
        %mul3A_584 = arith.constant 13 : i32
        %mul3A_585 = arith.muli %scan3A_469, %mul3A_584 : i32
        %add3A_586 = arith.constant 6 : i32
        %add3A_587 = arith.addi %mul3A_585, %add3A_586 : i32
        %mul3A_588 = arith.constant 128 : i32
        %mul3A_589 = arith.muli %add3A_587, %mul3A_588 : i32
        %dma_start3A_590 = tpu.memref_slice %arg7[%mul3A_589] : memref<13312xf32, #tpu.memory_space<vmem>> -> memref<128xf32, #tpu.memory_space<vmem>>
        %dma_start3A_591 = arith.constant 0 : i32
        %dma_start3A_592 = tpu.memref_slice %arg5[%add3A_583, %dma_start3A_591] : memref<208x128xi32, #tpu.memory_space<vmem>> -> memref<1x128xi32, #tpu.memory_space<vmem>>
        %dma_start3A_593 = tpu.memref_squeeze %dma_start3A_592 : memref<1x128xi32, #tpu.memory_space<vmem>> -> memref<128xi32, #tpu.memory_space<vmem>>
        %dma_start3A_594 = arith.constant 0 : i32
        %dma_start3A_595 = tpu.memref_slice %arg8[%dma_start3A_594] : memref<1000000xf32, #tpu.memory_space<vmem_shared>> -> memref<1000000xf32, #tpu.memory_space<vmem_shared>>
        tpu.enqueue_indirect_dma source(%dma_start3A_595 : memref<1000000xf32, #tpu.memory_space<vmem_shared>>) target(%dma_start3A_590 : memref<128xf32, #tpu.memory_space<vmem>>) offsets(%dma_start3A_593 : memref<128xi32, #tpu.memory_space<vmem>>) semaphore(%arg9 : memref<!tpu.dma_semaphore, #tpu.memory_space<semaphore_mem>>)
        %mul3A_596 = arith.constant 13 : i32
        %mul3A_597 = arith.muli %scan3A_469, %mul3A_596 : i32
        %add3A_598 = arith.constant 104 : i32
        %add3A_599 = arith.addi %add3A_598, %mul3A_597 : i32
        %add3A_600 = arith.constant 7 : i32
        %add3A_601 = arith.addi %add3A_599, %add3A_600 : i32
        %mul3A_602 = arith.constant 13 : i32
        %mul3A_603 = arith.muli %scan3A_469, %mul3A_602 : i32
        %add3A_604 = arith.constant 7 : i32
        %add3A_605 = arith.addi %mul3A_603, %add3A_604 : i32
        %mul3A_606 = arith.constant 128 : i32
        %mul3A_607 = arith.muli %add3A_605, %mul3A_606 : i32
        %dma_start3A_608 = tpu.memref_slice %arg7[%mul3A_607] : memref<13312xf32, #tpu.memory_space<vmem>> -> memref<128xf32, #tpu.memory_space<vmem>>
        %dma_start3A_609 = arith.constant 0 : i32
        %dma_start3A_610 = tpu.memref_slice %arg5[%add3A_601, %dma_start3A_609] : memref<208x128xi32, #tpu.memory_space<vmem>> -> memref<1x128xi32, #tpu.memory_space<vmem>>
        %dma_start3A_611 = tpu.memref_squeeze %dma_start3A_610 : memref<1x128xi32, #tpu.memory_space<vmem>> -> memref<128xi32, #tpu.memory_space<vmem>>
        %dma_start3A_612 = arith.constant 0 : i32
        %dma_start3A_613 = tpu.memref_slice %arg8[%dma_start3A_612] : memref<1000000xf32, #tpu.memory_space<vmem_shared>> -> memref<1000000xf32, #tpu.memory_space<vmem_shared>>
        tpu.enqueue_indirect_dma source(%dma_start3A_613 : memref<1000000xf32, #tpu.memory_space<vmem_shared>>) target(%dma_start3A_608 : memref<128xf32, #tpu.memory_space<vmem>>) offsets(%dma_start3A_611 : memref<128xi32, #tpu.memory_space<vmem>>) semaphore(%arg9 : memref<!tpu.dma_semaphore, #tpu.memory_space<semaphore_mem>>)
        %mul3A_614 = arith.constant 13 : i32
        %mul3A_615 = arith.muli %scan3A_469, %mul3A_614 : i32
        %add3A_616 = arith.constant 104 : i32
        %add3A_617 = arith.addi %add3A_616, %mul3A_615 : i32
        %add3A_618 = arith.constant 8 : i32
        %add3A_619 = arith.addi %add3A_617, %add3A_618 : i32
        %mul3A_620 = arith.constant 13 : i32
        %mul3A_621 = arith.muli %scan3A_469, %mul3A_620 : i32
        %add3A_622 = arith.constant 8 : i32
        %add3A_623 = arith.addi %mul3A_621, %add3A_622 : i32
        %mul3A_624 = arith.constant 128 : i32
        %mul3A_625 = arith.muli %add3A_623, %mul3A_624 : i32
        %dma_start3A_626 = tpu.memref_slice %arg7[%mul3A_625] : memref<13312xf32, #tpu.memory_space<vmem>> -> memref<128xf32, #tpu.memory_space<vmem>>
        %dma_start3A_627 = arith.constant 0 : i32
        %dma_start3A_628 = tpu.memref_slice %arg5[%add3A_619, %dma_start3A_627] : memref<208x128xi32, #tpu.memory_space<vmem>> -> memref<1x128xi32, #tpu.memory_space<vmem>>
        %dma_start3A_629 = tpu.memref_squeeze %dma_start3A_628 : memref<1x128xi32, #tpu.memory_space<vmem>> -> memref<128xi32, #tpu.memory_space<vmem>>
        %dma_start3A_630 = arith.constant 0 : i32
        %dma_start3A_631 = tpu.memref_slice %arg8[%dma_start3A_630] : memref<1000000xf32, #tpu.memory_space<vmem_shared>> -> memref<1000000xf32, #tpu.memory_space<vmem_shared>>
        tpu.enqueue_indirect_dma source(%dma_start3A_631 : memref<1000000xf32, #tpu.memory_space<vmem_shared>>) target(%dma_start3A_626 : memref<128xf32, #tpu.memory_space<vmem>>) offsets(%dma_start3A_629 : memref<128xi32, #tpu.memory_space<vmem>>) semaphore(%arg9 : memref<!tpu.dma_semaphore, #tpu.memory_space<semaphore_mem>>)
        %mul3A_632 = arith.constant 13 : i32
        %mul3A_633 = arith.muli %scan3A_469, %mul3A_632 : i32
        %add3A_634 = arith.constant 104 : i32
        %add3A_635 = arith.addi %add3A_634, %mul3A_633 : i32
        %add3A_636 = arith.constant 9 : i32
        %add3A_637 = arith.addi %add3A_635, %add3A_636 : i32
        %mul3A_638 = arith.constant 13 : i32
        %mul3A_639 = arith.muli %scan3A_469, %mul3A_638 : i32
        %add3A_640 = arith.constant 9 : i32
        %add3A_641 = arith.addi %mul3A_639, %add3A_640 : i32
        %mul3A_642 = arith.constant 128 : i32
        %mul3A_643 = arith.muli %add3A_641, %mul3A_642 : i32
        %dma_start3A_644 = tpu.memref_slice %arg7[%mul3A_643] : memref<13312xf32, #tpu.memory_space<vmem>> -> memref<128xf32, #tpu.memory_space<vmem>>
        %dma_start3A_645 = arith.constant 0 : i32
        %dma_start3A_646 = tpu.memref_slice %arg5[%add3A_637, %dma_start3A_645] : memref<208x128xi32, #tpu.memory_space<vmem>> -> memref<1x128xi32, #tpu.memory_space<vmem>>
        %dma_start3A_647 = tpu.memref_squeeze %dma_start3A_646 : memref<1x128xi32, #tpu.memory_space<vmem>> -> memref<128xi32, #tpu.memory_space<vmem>>
        %dma_start3A_648 = arith.constant 0 : i32
        %dma_start3A_649 = tpu.memref_slice %arg8[%dma_start3A_648] : memref<1000000xf32, #tpu.memory_space<vmem_shared>> -> memref<1000000xf32, #tpu.memory_space<vmem_shared>>
        tpu.enqueue_indirect_dma source(%dma_start3A_649 : memref<1000000xf32, #tpu.memory_space<vmem_shared>>) target(%dma_start3A_644 : memref<128xf32, #tpu.memory_space<vmem>>) offsets(%dma_start3A_647 : memref<128xi32, #tpu.memory_space<vmem>>) semaphore(%arg9 : memref<!tpu.dma_semaphore, #tpu.memory_space<semaphore_mem>>)
        %mul3A_650 = arith.constant 13 : i32
        %mul3A_651 = arith.muli %scan3A_469, %mul3A_650 : i32
        %add3A_652 = arith.constant 104 : i32
        %add3A_653 = arith.addi %add3A_652, %mul3A_651 : i32
        %add3A_654 = arith.constant 10 : i32
        %add3A_655 = arith.addi %add3A_653, %add3A_654 : i32
        %mul3A_656 = arith.constant 13 : i32
        %mul3A_657 = arith.muli %scan3A_469, %mul3A_656 : i32
        %add3A_658 = arith.constant 10 : i32
        %add3A_659 = arith.addi %mul3A_657, %add3A_658 : i32
        %mul3A_660 = arith.constant 128 : i32
        %mul3A_661 = arith.muli %add3A_659, %mul3A_660 : i32
        %dma_start3A_662 = tpu.memref_slice %arg7[%mul3A_661] : memref<13312xf32, #tpu.memory_space<vmem>> -> memref<128xf32, #tpu.memory_space<vmem>>
        %dma_start3A_663 = arith.constant 0 : i32
        %dma_start3A_664 = tpu.memref_slice %arg5[%add3A_655, %dma_start3A_663] : memref<208x128xi32, #tpu.memory_space<vmem>> -> memref<1x128xi32, #tpu.memory_space<vmem>>
        %dma_start3A_665 = tpu.memref_squeeze %dma_start3A_664 : memref<1x128xi32, #tpu.memory_space<vmem>> -> memref<128xi32, #tpu.memory_space<vmem>>
        %dma_start3A_666 = arith.constant 0 : i32
        %dma_start3A_667 = tpu.memref_slice %arg8[%dma_start3A_666] : memref<1000000xf32, #tpu.memory_space<vmem_shared>> -> memref<1000000xf32, #tpu.memory_space<vmem_shared>>
        tpu.enqueue_indirect_dma source(%dma_start3A_667 : memref<1000000xf32, #tpu.memory_space<vmem_shared>>) target(%dma_start3A_662 : memref<128xf32, #tpu.memory_space<vmem>>) offsets(%dma_start3A_665 : memref<128xi32, #tpu.memory_space<vmem>>) semaphore(%arg9 : memref<!tpu.dma_semaphore, #tpu.memory_space<semaphore_mem>>)
        %mul3A_668 = arith.constant 13 : i32
        %mul3A_669 = arith.muli %scan3A_469, %mul3A_668 : i32
        %add3A_670 = arith.constant 104 : i32
        %add3A_671 = arith.addi %add3A_670, %mul3A_669 : i32
        %add3A_672 = arith.constant 11 : i32
        %add3A_673 = arith.addi %add3A_671, %add3A_672 : i32
        %mul3A_674 = arith.constant 13 : i32
        %mul3A_675 = arith.muli %scan3A_469, %mul3A_674 : i32
        %add3A_676 = arith.constant 11 : i32
        %add3A_677 = arith.addi %mul3A_675, %add3A_676 : i32
        %mul3A_678 = arith.constant 128 : i32
        %mul3A_679 = arith.muli %add3A_677, %mul3A_678 : i32
        %dma_start3A_680 = tpu.memref_slice %arg7[%mul3A_679] : memref<13312xf32, #tpu.memory_space<vmem>> -> memref<128xf32, #tpu.memory_space<vmem>>
        %dma_start3A_681 = arith.constant 0 : i32
        %dma_start3A_682 = tpu.memref_slice %arg5[%add3A_673, %dma_start3A_681] : memref<208x128xi32, #tpu.memory_space<vmem>> -> memref<1x128xi32, #tpu.memory_space<vmem>>
        %dma_start3A_683 = tpu.memref_squeeze %dma_start3A_682 : memref<1x128xi32, #tpu.memory_space<vmem>> -> memref<128xi32, #tpu.memory_space<vmem>>
        %dma_start3A_684 = arith.constant 0 : i32
        %dma_start3A_685 = tpu.memref_slice %arg8[%dma_start3A_684] : memref<1000000xf32, #tpu.memory_space<vmem_shared>> -> memref<1000000xf32, #tpu.memory_space<vmem_shared>>
        tpu.enqueue_indirect_dma source(%dma_start3A_685 : memref<1000000xf32, #tpu.memory_space<vmem_shared>>) target(%dma_start3A_680 : memref<128xf32, #tpu.memory_space<vmem>>) offsets(%dma_start3A_683 : memref<128xi32, #tpu.memory_space<vmem>>) semaphore(%arg9 : memref<!tpu.dma_semaphore, #tpu.memory_space<semaphore_mem>>)
        %mul3A_686 = arith.constant 13 : i32
        %mul3A_687 = arith.muli %scan3A_469, %mul3A_686 : i32
        %add3A_688 = arith.constant 104 : i32
        %add3A_689 = arith.addi %add3A_688, %mul3A_687 : i32
        %add3A_690 = arith.constant 12 : i32
        %add3A_691 = arith.addi %add3A_689, %add3A_690 : i32
        %mul3A_692 = arith.constant 13 : i32
        %mul3A_693 = arith.muli %scan3A_469, %mul3A_692 : i32
        %add3A_694 = arith.constant 12 : i32
        %add3A_695 = arith.addi %mul3A_693, %add3A_694 : i32
        %mul3A_696 = arith.constant 128 : i32
        %mul3A_697 = arith.muli %add3A_695, %mul3A_696 : i32
        %dma_start3A_698 = tpu.memref_slice %arg7[%mul3A_697] : memref<13312xf32, #tpu.memory_space<vmem>> -> memref<128xf32, #tpu.memory_space<vmem>>
        %dma_start3A_699 = arith.constant 0 : i32
        %dma_start3A_700 = tpu.memref_slice %arg5[%add3A_691, %dma_start3A_699] : memref<208x128xi32, #tpu.memory_space<vmem>> -> memref<1x128xi32, #tpu.memory_space<vmem>>
        %dma_start3A_701 = tpu.memref_squeeze %dma_start3A_700 : memref<1x128xi32, #tpu.memory_space<vmem>> -> memref<128xi32, #tpu.memory_space<vmem>>
        %dma_start3A_702 = arith.constant 0 : i32
        %dma_start3A_703 = tpu.memref_slice %arg8[%dma_start3A_702] : memref<1000000xf32, #tpu.memory_space<vmem_shared>> -> memref<1000000xf32, #tpu.memory_space<vmem_shared>>
        tpu.enqueue_indirect_dma source(%dma_start3A_703 : memref<1000000xf32, #tpu.memory_space<vmem_shared>>) target(%dma_start3A_698 : memref<128xf32, #tpu.memory_space<vmem>>) offsets(%dma_start3A_701 : memref<128xi32, #tpu.memory_space<vmem>>) semaphore(%arg9 : memref<!tpu.dma_semaphore, #tpu.memory_space<semaphore_mem>>)
        %dma_wait3A_704 = arith.constant 0 : i32
        %dma_wait3A_705 = arith.constant 0 : i32
        %dma_wait3A_706 = tpu.memref_slice %arg7[%dma_wait3A_705] : memref<13312xf32, #tpu.memory_space<vmem>> -> memref<128xf32, #tpu.memory_space<vmem>>
        %dma_wait3A_707 = arith.constant 0 : i32
        %dma_wait3A_708 = tpu.memref_slice %arg5[%dma_wait3A_704, %dma_wait3A_707] : memref<208x128xi32, #tpu.memory_space<vmem>> -> memref<1x128xi32, #tpu.memory_space<vmem>>
        %dma_wait3A_709 = tpu.memref_squeeze %dma_wait3A_708 : memref<1x128xi32, #tpu.memory_space<vmem>> -> memref<128xi32, #tpu.memory_space<vmem>>
        %dma_wait3A_710 = arith.constant 0 : i32
        %dma_wait3A_711 = tpu.memref_slice %arg8[%dma_wait3A_710] : memref<1000000xf32, #tpu.memory_space<vmem_shared>> -> memref<1000000xf32, #tpu.memory_space<vmem_shared>>
        tpu.wait_indirect_dma semaphore(%arg9 : memref<!tpu.dma_semaphore, #tpu.memory_space<semaphore_mem>>) src(%dma_wait3A_711 : memref<1000000xf32, #tpu.memory_space<vmem_shared>>) dst(%dma_wait3A_706 : memref<128xf32, #tpu.memory_space<vmem>>)
        %dma_wait3A_712 = arith.constant 0 : i32
        %dma_wait3A_713 = arith.constant 0 : i32
        %dma_wait3A_714 = tpu.memref_slice %arg7[%dma_wait3A_713] : memref<13312xf32, #tpu.memory_space<vmem>> -> memref<128xf32, #tpu.memory_space<vmem>>
        %dma_wait3A_715 = arith.constant 0 : i32
        %dma_wait3A_716 = tpu.memref_slice %arg5[%dma_wait3A_712, %dma_wait3A_715] : memref<208x128xi32, #tpu.memory_space<vmem>> -> memref<1x128xi32, #tpu.memory_space<vmem>>
        %dma_wait3A_717 = tpu.memref_squeeze %dma_wait3A_716 : memref<1x128xi32, #tpu.memory_space<vmem>> -> memref<128xi32, #tpu.memory_space<vmem>>
        %dma_wait3A_718 = arith.constant 0 : i32
        %dma_wait3A_719 = tpu.memref_slice %arg8[%dma_wait3A_718] : memref<1000000xf32, #tpu.memory_space<vmem_shared>> -> memref<1000000xf32, #tpu.memory_space<vmem_shared>>
        tpu.wait_indirect_dma semaphore(%arg9 : memref<!tpu.dma_semaphore, #tpu.memory_space<semaphore_mem>>) src(%dma_wait3A_719 : memref<1000000xf32, #tpu.memory_space<vmem_shared>>) dst(%dma_wait3A_714 : memref<128xf32, #tpu.memory_space<vmem>>)
        %dma_wait3A_720 = arith.constant 0 : i32
        %dma_wait3A_721 = arith.constant 0 : i32
        %dma_wait3A_722 = tpu.memref_slice %arg7[%dma_wait3A_721] : memref<13312xf32, #tpu.memory_space<vmem>> -> memref<128xf32, #tpu.memory_space<vmem>>
        %dma_wait3A_723 = arith.constant 0 : i32
        %dma_wait3A_724 = tpu.memref_slice %arg5[%dma_wait3A_720, %dma_wait3A_723] : memref<208x128xi32, #tpu.memory_space<vmem>> -> memref<1x128xi32, #tpu.memory_space<vmem>>
        %dma_wait3A_725 = tpu.memref_squeeze %dma_wait3A_724 : memref<1x128xi32, #tpu.memory_space<vmem>> -> memref<128xi32, #tpu.memory_space<vmem>>
        %dma_wait3A_726 = arith.constant 0 : i32
        %dma_wait3A_727 = tpu.memref_slice %arg8[%dma_wait3A_726] : memref<1000000xf32, #tpu.memory_space<vmem_shared>> -> memref<1000000xf32, #tpu.memory_space<vmem_shared>>
        tpu.wait_indirect_dma semaphore(%arg9 : memref<!tpu.dma_semaphore, #tpu.memory_space<semaphore_mem>>) src(%dma_wait3A_727 : memref<1000000xf32, #tpu.memory_space<vmem_shared>>) dst(%dma_wait3A_722 : memref<128xf32, #tpu.memory_space<vmem>>)
        %dma_wait3A_728 = arith.constant 0 : i32
        %dma_wait3A_729 = arith.constant 0 : i32
        %dma_wait3A_730 = tpu.memref_slice %arg7[%dma_wait3A_729] : memref<13312xf32, #tpu.memory_space<vmem>> -> memref<128xf32, #tpu.memory_space<vmem>>
        %dma_wait3A_731 = arith.constant 0 : i32
        %dma_wait3A_732 = tpu.memref_slice %arg5[%dma_wait3A_728, %dma_wait3A_731] : memref<208x128xi32, #tpu.memory_space<vmem>> -> memref<1x128xi32, #tpu.memory_space<vmem>>
        %dma_wait3A_733 = tpu.memref_squeeze %dma_wait3A_732 : memref<1x128xi32, #tpu.memory_space<vmem>> -> memref<128xi32, #tpu.memory_space<vmem>>
        %dma_wait3A_734 = arith.constant 0 : i32
        %dma_wait3A_735 = tpu.memref_slice %arg8[%dma_wait3A_734] : memref<1000000xf32, #tpu.memory_space<vmem_shared>> -> memref<1000000xf32, #tpu.memory_space<vmem_shared>>
        tpu.wait_indirect_dma semaphore(%arg9 : memref<!tpu.dma_semaphore, #tpu.memory_space<semaphore_mem>>) src(%dma_wait3A_735 : memref<1000000xf32, #tpu.memory_space<vmem_shared>>) dst(%dma_wait3A_730 : memref<128xf32, #tpu.memory_space<vmem>>)
        %dma_wait3A_736 = arith.constant 0 : i32
        %dma_wait3A_737 = arith.constant 0 : i32
        %dma_wait3A_738 = tpu.memref_slice %arg7[%dma_wait3A_737] : memref<13312xf32, #tpu.memory_space<vmem>> -> memref<128xf32, #tpu.memory_space<vmem>>
        %dma_wait3A_739 = arith.constant 0 : i32
        %dma_wait3A_740 = tpu.memref_slice %arg5[%dma_wait3A_736, %dma_wait3A_739] : memref<208x128xi32, #tpu.memory_space<vmem>> -> memref<1x128xi32, #tpu.memory_space<vmem>>
        %dma_wait3A_741 = tpu.memref_squeeze %dma_wait3A_740 : memref<1x128xi32, #tpu.memory_space<vmem>> -> memref<128xi32, #tpu.memory_space<vmem>>
        %dma_wait3A_742 = arith.constant 0 : i32
        %dma_wait3A_743 = tpu.memref_slice %arg8[%dma_wait3A_742] : memref<1000000xf32, #tpu.memory_space<vmem_shared>> -> memref<1000000xf32, #tpu.memory_space<vmem_shared>>
        tpu.wait_indirect_dma semaphore(%arg9 : memref<!tpu.dma_semaphore, #tpu.memory_space<semaphore_mem>>) src(%dma_wait3A_743 : memref<1000000xf32, #tpu.memory_space<vmem_shared>>) dst(%dma_wait3A_738 : memref<128xf32, #tpu.memory_space<vmem>>)
        %dma_wait3A_744 = arith.constant 0 : i32
        %dma_wait3A_745 = arith.constant 0 : i32
        %dma_wait3A_746 = tpu.memref_slice %arg7[%dma_wait3A_745] : memref<13312xf32, #tpu.memory_space<vmem>> -> memref<128xf32, #tpu.memory_space<vmem>>
        %dma_wait3A_747 = arith.constant 0 : i32
        %dma_wait3A_748 = tpu.memref_slice %arg5[%dma_wait3A_744, %dma_wait3A_747] : memref<208x128xi32, #tpu.memory_space<vmem>> -> memref<1x128xi32, #tpu.memory_space<vmem>>
        %dma_wait3A_749 = tpu.memref_squeeze %dma_wait3A_748 : memref<1x128xi32, #tpu.memory_space<vmem>> -> memref<128xi32, #tpu.memory_space<vmem>>
        %dma_wait3A_750 = arith.constant 0 : i32
        %dma_wait3A_751 = tpu.memref_slice %arg8[%dma_wait3A_750] : memref<1000000xf32, #tpu.memory_space<vmem_shared>> -> memref<1000000xf32, #tpu.memory_space<vmem_shared>>
        tpu.wait_indirect_dma semaphore(%arg9 : memref<!tpu.dma_semaphore, #tpu.memory_space<semaphore_mem>>) src(%dma_wait3A_751 : memref<1000000xf32, #tpu.memory_space<vmem_shared>>) dst(%dma_wait3A_746 : memref<128xf32, #tpu.memory_space<vmem>>)
        %dma_wait3A_752 = arith.constant 0 : i32
        %dma_wait3A_753 = arith.constant 0 : i32
        %dma_wait3A_754 = tpu.memref_slice %arg7[%dma_wait3A_753] : memref<13312xf32, #tpu.memory_space<vmem>> -> memref<128xf32, #tpu.memory_space<vmem>>
        %dma_wait3A_755 = arith.constant 0 : i32
        %dma_wait3A_756 = tpu.memref_slice %arg5[%dma_wait3A_752, %dma_wait3A_755] : memref<208x128xi32, #tpu.memory_space<vmem>> -> memref<1x128xi32, #tpu.memory_space<vmem>>
        %dma_wait3A_757 = tpu.memref_squeeze %dma_wait3A_756 : memref<1x128xi32, #tpu.memory_space<vmem>> -> memref<128xi32, #tpu.memory_space<vmem>>
        %dma_wait3A_758 = arith.constant 0 : i32
        %dma_wait3A_759 = tpu.memref_slice %arg8[%dma_wait3A_758] : memref<1000000xf32, #tpu.memory_space<vmem_shared>> -> memref<1000000xf32, #tpu.memory_space<vmem_shared>>
        tpu.wait_indirect_dma semaphore(%arg9 : memref<!tpu.dma_semaphore, #tpu.memory_space<semaphore_mem>>) src(%dma_wait3A_759 : memref<1000000xf32, #tpu.memory_space<vmem_shared>>) dst(%dma_wait3A_754 : memref<128xf32, #tpu.memory_space<vmem>>)
        %dma_wait3A_760 = arith.constant 0 : i32
        %dma_wait3A_761 = arith.constant 0 : i32
        %dma_wait3A_762 = tpu.memref_slice %arg7[%dma_wait3A_761] : memref<13312xf32, #tpu.memory_space<vmem>> -> memref<128xf32, #tpu.memory_space<vmem>>
        %dma_wait3A_763 = arith.constant 0 : i32
        %dma_wait3A_764 = tpu.memref_slice %arg5[%dma_wait3A_760, %dma_wait3A_763] : memref<208x128xi32, #tpu.memory_space<vmem>> -> memref<1x128xi32, #tpu.memory_space<vmem>>
        %dma_wait3A_765 = tpu.memref_squeeze %dma_wait3A_764 : memref<1x128xi32, #tpu.memory_space<vmem>> -> memref<128xi32, #tpu.memory_space<vmem>>
        %dma_wait3A_766 = arith.constant 0 : i32
        %dma_wait3A_767 = tpu.memref_slice %arg8[%dma_wait3A_766] : memref<1000000xf32, #tpu.memory_space<vmem_shared>> -> memref<1000000xf32, #tpu.memory_space<vmem_shared>>
        tpu.wait_indirect_dma semaphore(%arg9 : memref<!tpu.dma_semaphore, #tpu.memory_space<semaphore_mem>>) src(%dma_wait3A_767 : memref<1000000xf32, #tpu.memory_space<vmem_shared>>) dst(%dma_wait3A_762 : memref<128xf32, #tpu.memory_space<vmem>>)
        %dma_wait3A_768 = arith.constant 0 : i32
        %dma_wait3A_769 = arith.constant 0 : i32
        %dma_wait3A_770 = tpu.memref_slice %arg7[%dma_wait3A_769] : memref<13312xf32, #tpu.memory_space<vmem>> -> memref<128xf32, #tpu.memory_space<vmem>>
        %dma_wait3A_771 = arith.constant 0 : i32
        %dma_wait3A_772 = tpu.memref_slice %arg5[%dma_wait3A_768, %dma_wait3A_771] : memref<208x128xi32, #tpu.memory_space<vmem>> -> memref<1x128xi32, #tpu.memory_space<vmem>>
        %dma_wait3A_773 = tpu.memref_squeeze %dma_wait3A_772 : memref<1x128xi32, #tpu.memory_space<vmem>> -> memref<128xi32, #tpu.memory_space<vmem>>
        %dma_wait3A_774 = arith.constant 0 : i32
        %dma_wait3A_775 = tpu.memref_slice %arg8[%dma_wait3A_774] : memref<1000000xf32, #tpu.memory_space<vmem_shared>> -> memref<1000000xf32, #tpu.memory_space<vmem_shared>>
        tpu.wait_indirect_dma semaphore(%arg9 : memref<!tpu.dma_semaphore, #tpu.memory_space<semaphore_mem>>) src(%dma_wait3A_775 : memref<1000000xf32, #tpu.memory_space<vmem_shared>>) dst(%dma_wait3A_770 : memref<128xf32, #tpu.memory_space<vmem>>)
        %dma_wait3A_776 = arith.constant 0 : i32
        %dma_wait3A_777 = arith.constant 0 : i32
        %dma_wait3A_778 = tpu.memref_slice %arg7[%dma_wait3A_777] : memref<13312xf32, #tpu.memory_space<vmem>> -> memref<128xf32, #tpu.memory_space<vmem>>
        %dma_wait3A_779 = arith.constant 0 : i32
        %dma_wait3A_780 = tpu.memref_slice %arg5[%dma_wait3A_776, %dma_wait3A_779] : memref<208x128xi32, #tpu.memory_space<vmem>> -> memref<1x128xi32, #tpu.memory_space<vmem>>
        %dma_wait3A_781 = tpu.memref_squeeze %dma_wait3A_780 : memref<1x128xi32, #tpu.memory_space<vmem>> -> memref<128xi32, #tpu.memory_space<vmem>>
        %dma_wait3A_782 = arith.constant 0 : i32
        %dma_wait3A_783 = tpu.memref_slice %arg8[%dma_wait3A_782] : memref<1000000xf32, #tpu.memory_space<vmem_shared>> -> memref<1000000xf32, #tpu.memory_space<vmem_shared>>
        tpu.wait_indirect_dma semaphore(%arg9 : memref<!tpu.dma_semaphore, #tpu.memory_space<semaphore_mem>>) src(%dma_wait3A_783 : memref<1000000xf32, #tpu.memory_space<vmem_shared>>) dst(%dma_wait3A_778 : memref<128xf32, #tpu.memory_space<vmem>>)
        %dma_wait3A_784 = arith.constant 0 : i32
        %dma_wait3A_785 = arith.constant 0 : i32
        %dma_wait3A_786 = tpu.memref_slice %arg7[%dma_wait3A_785] : memref<13312xf32, #tpu.memory_space<vmem>> -> memref<128xf32, #tpu.memory_space<vmem>>
        %dma_wait3A_787 = arith.constant 0 : i32
        %dma_wait3A_788 = tpu.memref_slice %arg5[%dma_wait3A_784, %dma_wait3A_787] : memref<208x128xi32, #tpu.memory_space<vmem>> -> memref<1x128xi32, #tpu.memory_space<vmem>>
        %dma_wait3A_789 = tpu.memref_squeeze %dma_wait3A_788 : memref<1x128xi32, #tpu.memory_space<vmem>> -> memref<128xi32, #tpu.memory_space<vmem>>
        %dma_wait3A_790 = arith.constant 0 : i32
        %dma_wait3A_791 = tpu.memref_slice %arg8[%dma_wait3A_790] : memref<1000000xf32, #tpu.memory_space<vmem_shared>> -> memref<1000000xf32, #tpu.memory_space<vmem_shared>>
        tpu.wait_indirect_dma semaphore(%arg9 : memref<!tpu.dma_semaphore, #tpu.memory_space<semaphore_mem>>) src(%dma_wait3A_791 : memref<1000000xf32, #tpu.memory_space<vmem_shared>>) dst(%dma_wait3A_786 : memref<128xf32, #tpu.memory_space<vmem>>)
        %dma_wait3A_792 = arith.constant 0 : i32
        %dma_wait3A_793 = arith.constant 0 : i32
        %dma_wait3A_794 = tpu.memref_slice %arg7[%dma_wait3A_793] : memref<13312xf32, #tpu.memory_space<vmem>> -> memref<128xf32, #tpu.memory_space<vmem>>
        %dma_wait3A_795 = arith.constant 0 : i32
        %dma_wait3A_796 = tpu.memref_slice %arg5[%dma_wait3A_792, %dma_wait3A_795] : memref<208x128xi32, #tpu.memory_space<vmem>> -> memref<1x128xi32, #tpu.memory_space<vmem>>
        %dma_wait3A_797 = tpu.memref_squeeze %dma_wait3A_796 : memref<1x128xi32, #tpu.memory_space<vmem>> -> memref<128xi32, #tpu.memory_space<vmem>>
        %dma_wait3A_798 = arith.constant 0 : i32
        %dma_wait3A_799 = tpu.memref_slice %arg8[%dma_wait3A_798] : memref<1000000xf32, #tpu.memory_space<vmem_shared>> -> memref<1000000xf32, #tpu.memory_space<vmem_shared>>
        tpu.wait_indirect_dma semaphore(%arg9 : memref<!tpu.dma_semaphore, #tpu.memory_space<semaphore_mem>>) src(%dma_wait3A_799 : memref<1000000xf32, #tpu.memory_space<vmem_shared>>) dst(%dma_wait3A_794 : memref<128xf32, #tpu.memory_space<vmem>>)
        %dma_wait3A_800 = arith.constant 0 : i32
        %dma_wait3A_801 = arith.constant 0 : i32
        %dma_wait3A_802 = tpu.memref_slice %arg7[%dma_wait3A_801] : memref<13312xf32, #tpu.memory_space<vmem>> -> memref<128xf32, #tpu.memory_space<vmem>>
        %dma_wait3A_803 = arith.constant 0 : i32
        %dma_wait3A_804 = tpu.memref_slice %arg5[%dma_wait3A_800, %dma_wait3A_803] : memref<208x128xi32, #tpu.memory_space<vmem>> -> memref<1x128xi32, #tpu.memory_space<vmem>>
        %dma_wait3A_805 = tpu.memref_squeeze %dma_wait3A_804 : memref<1x128xi32, #tpu.memory_space<vmem>> -> memref<128xi32, #tpu.memory_space<vmem>>
        %dma_wait3A_806 = arith.constant 0 : i32
        %dma_wait3A_807 = tpu.memref_slice %arg8[%dma_wait3A_806] : memref<1000000xf32, #tpu.memory_space<vmem_shared>> -> memref<1000000xf32, #tpu.memory_space<vmem_shared>>
        tpu.wait_indirect_dma semaphore(%arg9 : memref<!tpu.dma_semaphore, #tpu.memory_space<semaphore_mem>>) src(%dma_wait3A_807 : memref<1000000xf32, #tpu.memory_space<vmem_shared>>) dst(%dma_wait3A_802 : memref<128xf32, #tpu.memory_space<vmem>>)
      }
      %scan3A_357 = arith.constant 7 : i32
      %dma_wait3A_358 = arith.constant 0 : i32
      %dma_wait3A_359 = arith.constant 0 : i32
      %dma_wait3A_360 = tpu.memref_slice %arg7[%dma_wait3A_359] : memref<13312xf32, #tpu.memory_space<vmem>> -> memref<128xf32, #tpu.memory_space<vmem>>
      %dma_wait3A_361 = arith.constant 0 : i32
      %dma_wait3A_362 = tpu.memref_slice %arg5[%dma_wait3A_358, %dma_wait3A_361] : memref<208x128xi32, #tpu.memory_space<vmem>> -> memref<1x128xi32, #tpu.memory_space<vmem>>
      %dma_wait3A_363 = tpu.memref_squeeze %dma_wait3A_362 : memref<1x128xi32, #tpu.memory_space<vmem>> -> memref<128xi32, #tpu.memory_space<vmem>>
      %dma_wait3A_364 = arith.constant 0 : i32
      %dma_wait3A_365 = tpu.memref_slice %arg8[%dma_wait3A_364] : memref<1000000xf32, #tpu.memory_space<vmem_shared>> -> memref<1000000xf32, #tpu.memory_space<vmem_shared>>
      tpu.wait_indirect_dma semaphore(%arg9 : memref<!tpu.dma_semaphore, #tpu.memory_space<semaphore_mem>>) src(%dma_wait3A_365 : memref<1000000xf32, #tpu.memory_space<vmem_shared>>) dst(%dma_wait3A_360 : memref<128xf32, #tpu.memory_space<vmem>>)
      %dma_wait3A_366 = arith.constant 0 : i32
      %dma_wait3A_367 = arith.constant 0 : i32
      %dma_wait3A_368 = tpu.memref_slice %arg7[%dma_wait3A_367] : memref<13312xf32, #tpu.memory_space<vmem>> -> memref<128xf32, #tpu.memory_space<vmem>>
      %dma_wait3A_369 = arith.constant 0 : i32
      %dma_wait3A_370 = tpu.memref_slice %arg5[%dma_wait3A_366, %dma_wait3A_369] : memref<208x128xi32, #tpu.memory_space<vmem>> -> memref<1x128xi32, #tpu.memory_space<vmem>>
      %dma_wait3A_371 = tpu.memref_squeeze %dma_wait3A_370 : memref<1x128xi32, #tpu.memory_space<vmem>> -> memref<128xi32, #tpu.memory_space<vmem>>
      %dma_wait3A_372 = arith.constant 0 : i32
      %dma_wait3A_373 = tpu.memref_slice %arg8[%dma_wait3A_372] : memref<1000000xf32, #tpu.memory_space<vmem_shared>> -> memref<1000000xf32, #tpu.memory_space<vmem_shared>>
      tpu.wait_indirect_dma semaphore(%arg9 : memref<!tpu.dma_semaphore, #tpu.memory_space<semaphore_mem>>) src(%dma_wait3A_373 : memref<1000000xf32, #tpu.memory_space<vmem_shared>>) dst(%dma_wait3A_368 : memref<128xf32, #tpu.memory_space<vmem>>)
      %dma_wait3A_374 = arith.constant 0 : i32
      %dma_wait3A_375 = arith.constant 0 : i32
      %dma_wait3A_376 = tpu.memref_slice %arg7[%dma_wait3A_375] : memref<13312xf32, #tpu.memory_space<vmem>> -> memref<128xf32, #tpu.memory_space<vmem>>
      %dma_wait3A_377 = arith.constant 0 : i32
      %dma_wait3A_378 = tpu.memref_slice %arg5[%dma_wait3A_374, %dma_wait3A_377] : memref<208x128xi32, #tpu.memory_space<vmem>> -> memref<1x128xi32, #tpu.memory_space<vmem>>
      %dma_wait3A_379 = tpu.memref_squeeze %dma_wait3A_378 : memref<1x128xi32, #tpu.memory_space<vmem>> -> memref<128xi32, #tpu.memory_space<vmem>>
      %dma_wait3A_380 = arith.constant 0 : i32
      %dma_wait3A_381 = tpu.memref_slice %arg8[%dma_wait3A_380] : memref<1000000xf32, #tpu.memory_space<vmem_shared>> -> memref<1000000xf32, #tpu.memory_space<vmem_shared>>
      tpu.wait_indirect_dma semaphore(%arg9 : memref<!tpu.dma_semaphore, #tpu.memory_space<semaphore_mem>>) src(%dma_wait3A_381 : memref<1000000xf32, #tpu.memory_space<vmem_shared>>) dst(%dma_wait3A_376 : memref<128xf32, #tpu.memory_space<vmem>>)
      %dma_wait3A_382 = arith.constant 0 : i32
      %dma_wait3A_383 = arith.constant 0 : i32
      %dma_wait3A_384 = tpu.memref_slice %arg7[%dma_wait3A_383] : memref<13312xf32, #tpu.memory_space<vmem>> -> memref<128xf32, #tpu.memory_space<vmem>>
      %dma_wait3A_385 = arith.constant 0 : i32
      %dma_wait3A_386 = tpu.memref_slice %arg5[%dma_wait3A_382, %dma_wait3A_385] : memref<208x128xi32, #tpu.memory_space<vmem>> -> memref<1x128xi32, #tpu.memory_space<vmem>>
      %dma_wait3A_387 = tpu.memref_squeeze %dma_wait3A_386 : memref<1x128xi32, #tpu.memory_space<vmem>> -> memref<128xi32, #tpu.memory_space<vmem>>
      %dma_wait3A_388 = arith.constant 0 : i32
      %dma_wait3A_389 = tpu.memref_slice %arg8[%dma_wait3A_388] : memref<1000000xf32, #tpu.memory_space<vmem_shared>> -> memref<1000000xf32, #tpu.memory_space<vmem_shared>>
      tpu.wait_indirect_dma semaphore(%arg9 : memref<!tpu.dma_semaphore, #tpu.memory_space<semaphore_mem>>) src(%dma_wait3A_389 : memref<1000000xf32, #tpu.memory_space<vmem_shared>>) dst(%dma_wait3A_384 : memref<128xf32, #tpu.memory_space<vmem>>)
      %dma_wait3A_390 = arith.constant 0 : i32
      %dma_wait3A_391 = arith.constant 0 : i32
      %dma_wait3A_392 = tpu.memref_slice %arg7[%dma_wait3A_391] : memref<13312xf32, #tpu.memory_space<vmem>> -> memref<128xf32, #tpu.memory_space<vmem>>
      %dma_wait3A_393 = arith.constant 0 : i32
      %dma_wait3A_394 = tpu.memref_slice %arg5[%dma_wait3A_390, %dma_wait3A_393] : memref<208x128xi32, #tpu.memory_space<vmem>> -> memref<1x128xi32, #tpu.memory_space<vmem>>
      %dma_wait3A_395 = tpu.memref_squeeze %dma_wait3A_394 : memref<1x128xi32, #tpu.memory_space<vmem>> -> memref<128xi32, #tpu.memory_space<vmem>>
      %dma_wait3A_396 = arith.constant 0 : i32
      %dma_wait3A_397 = tpu.memref_slice %arg8[%dma_wait3A_396] : memref<1000000xf32, #tpu.memory_space<vmem_shared>> -> memref<1000000xf32, #tpu.memory_space<vmem_shared>>
      tpu.wait_indirect_dma semaphore(%arg9 : memref<!tpu.dma_semaphore, #tpu.memory_space<semaphore_mem>>) src(%dma_wait3A_397 : memref<1000000xf32, #tpu.memory_space<vmem_shared>>) dst(%dma_wait3A_392 : memref<128xf32, #tpu.memory_space<vmem>>)
      %dma_wait3A_398 = arith.constant 0 : i32
      %dma_wait3A_399 = arith.constant 0 : i32
      %dma_wait3A_400 = tpu.memref_slice %arg7[%dma_wait3A_399] : memref<13312xf32, #tpu.memory_space<vmem>> -> memref<128xf32, #tpu.memory_space<vmem>>
      %dma_wait3A_401 = arith.constant 0 : i32
      %dma_wait3A_402 = tpu.memref_slice %arg5[%dma_wait3A_398, %dma_wait3A_401] : memref<208x128xi32, #tpu.memory_space<vmem>> -> memref<1x128xi32, #tpu.memory_space<vmem>>
      %dma_wait3A_403 = tpu.memref_squeeze %dma_wait3A_402 : memref<1x128xi32, #tpu.memory_space<vmem>> -> memref<128xi32, #tpu.memory_space<vmem>>
      %dma_wait3A_404 = arith.constant 0 : i32
      %dma_wait3A_405 = tpu.memref_slice %arg8[%dma_wait3A_404] : memref<1000000xf32, #tpu.memory_space<vmem_shared>> -> memref<1000000xf32, #tpu.memory_space<vmem_shared>>
      tpu.wait_indirect_dma semaphore(%arg9 : memref<!tpu.dma_semaphore, #tpu.memory_space<semaphore_mem>>) src(%dma_wait3A_405 : memref<1000000xf32, #tpu.memory_space<vmem_shared>>) dst(%dma_wait3A_400 : memref<128xf32, #tpu.memory_space<vmem>>)
      %dma_wait3A_406 = arith.constant 0 : i32
      %dma_wait3A_407 = arith.constant 0 : i32
      %dma_wait3A_408 = tpu.memref_slice %arg7[%dma_wait3A_407] : memref<13312xf32, #tpu.memory_space<vmem>> -> memref<128xf32, #tpu.memory_space<vmem>>
      %dma_wait3A_409 = arith.constant 0 : i32
      %dma_wait3A_410 = tpu.memref_slice %arg5[%dma_wait3A_406, %dma_wait3A_409] : memref<208x128xi32, #tpu.memory_space<vmem>> -> memref<1x128xi32, #tpu.memory_space<vmem>>
      %dma_wait3A_411 = tpu.memref_squeeze %dma_wait3A_410 : memref<1x128xi32, #tpu.memory_space<vmem>> -> memref<128xi32, #tpu.memory_space<vmem>>
      %dma_wait3A_412 = arith.constant 0 : i32
      %dma_wait3A_413 = tpu.memref_slice %arg8[%dma_wait3A_412] : memref<1000000xf32, #tpu.memory_space<vmem_shared>> -> memref<1000000xf32, #tpu.memory_space<vmem_shared>>
      tpu.wait_indirect_dma semaphore(%arg9 : memref<!tpu.dma_semaphore, #tpu.memory_space<semaphore_mem>>) src(%dma_wait3A_413 : memref<1000000xf32, #tpu.memory_space<vmem_shared>>) dst(%dma_wait3A_408 : memref<128xf32, #tpu.memory_space<vmem>>)
      %dma_wait3A_414 = arith.constant 0 : i32
      %dma_wait3A_415 = arith.constant 0 : i32
      %dma_wait3A_416 = tpu.memref_slice %arg7[%dma_wait3A_415] : memref<13312xf32, #tpu.memory_space<vmem>> -> memref<128xf32, #tpu.memory_space<vmem>>
      %dma_wait3A_417 = arith.constant 0 : i32
      %dma_wait3A_418 = tpu.memref_slice %arg5[%dma_wait3A_414, %dma_wait3A_417] : memref<208x128xi32, #tpu.memory_space<vmem>> -> memref<1x128xi32, #tpu.memory_space<vmem>>
      %dma_wait3A_419 = tpu.memref_squeeze %dma_wait3A_418 : memref<1x128xi32, #tpu.memory_space<vmem>> -> memref<128xi32, #tpu.memory_space<vmem>>
      %dma_wait3A_420 = arith.constant 0 : i32
      %dma_wait3A_421 = tpu.memref_slice %arg8[%dma_wait3A_420] : memref<1000000xf32, #tpu.memory_space<vmem_shared>> -> memref<1000000xf32, #tpu.memory_space<vmem_shared>>
      tpu.wait_indirect_dma semaphore(%arg9 : memref<!tpu.dma_semaphore, #tpu.memory_space<semaphore_mem>>) src(%dma_wait3A_421 : memref<1000000xf32, #tpu.memory_space<vmem_shared>>) dst(%dma_wait3A_416 : memref<128xf32, #tpu.memory_space<vmem>>)
      %dma_wait3A_422 = arith.constant 0 : i32
      %dma_wait3A_423 = arith.constant 0 : i32
      %dma_wait3A_424 = tpu.memref_slice %arg7[%dma_wait3A_423] : memref<13312xf32, #tpu.memory_space<vmem>> -> memref<128xf32, #tpu.memory_space<vmem>>
      %dma_wait3A_425 = arith.constant 0 : i32
      %dma_wait3A_426 = tpu.memref_slice %arg5[%dma_wait3A_422, %dma_wait3A_425] : memref<208x128xi32, #tpu.memory_space<vmem>> -> memref<1x128xi32, #tpu.memory_space<vmem>>
      %dma_wait3A_427 = tpu.memref_squeeze %dma_wait3A_426 : memref<1x128xi32, #tpu.memory_space<vmem>> -> memref<128xi32, #tpu.memory_space<vmem>>
      %dma_wait3A_428 = arith.constant 0 : i32
      %dma_wait3A_429 = tpu.memref_slice %arg8[%dma_wait3A_428] : memref<1000000xf32, #tpu.memory_space<vmem_shared>> -> memref<1000000xf32, #tpu.memory_space<vmem_shared>>
      tpu.wait_indirect_dma semaphore(%arg9 : memref<!tpu.dma_semaphore, #tpu.memory_space<semaphore_mem>>) src(%dma_wait3A_429 : memref<1000000xf32, #tpu.memory_space<vmem_shared>>) dst(%dma_wait3A_424 : memref<128xf32, #tpu.memory_space<vmem>>)
      %dma_wait3A_430 = arith.constant 0 : i32
      %dma_wait3A_431 = arith.constant 0 : i32
      %dma_wait3A_432 = tpu.memref_slice %arg7[%dma_wait3A_431] : memref<13312xf32, #tpu.memory_space<vmem>> -> memref<128xf32, #tpu.memory_space<vmem>>
      %dma_wait3A_433 = arith.constant 0 : i32
      %dma_wait3A_434 = tpu.memref_slice %arg5[%dma_wait3A_430, %dma_wait3A_433] : memref<208x128xi32, #tpu.memory_space<vmem>> -> memref<1x128xi32, #tpu.memory_space<vmem>>
      %dma_wait3A_435 = tpu.memref_squeeze %dma_wait3A_434 : memref<1x128xi32, #tpu.memory_space<vmem>> -> memref<128xi32, #tpu.memory_space<vmem>>
      %dma_wait3A_436 = arith.constant 0 : i32
      %dma_wait3A_437 = tpu.memref_slice %arg8[%dma_wait3A_436] : memref<1000000xf32, #tpu.memory_space<vmem_shared>> -> memref<1000000xf32, #tpu.memory_space<vmem_shared>>
      tpu.wait_indirect_dma semaphore(%arg9 : memref<!tpu.dma_semaphore, #tpu.memory_space<semaphore_mem>>) src(%dma_wait3A_437 : memref<1000000xf32, #tpu.memory_space<vmem_shared>>) dst(%dma_wait3A_432 : memref<128xf32, #tpu.memory_space<vmem>>)
      %dma_wait3A_438 = arith.constant 0 : i32
      %dma_wait3A_439 = arith.constant 0 : i32
      %dma_wait3A_440 = tpu.memref_slice %arg7[%dma_wait3A_439] : memref<13312xf32, #tpu.memory_space<vmem>> -> memref<128xf32, #tpu.memory_space<vmem>>
      %dma_wait3A_441 = arith.constant 0 : i32
      %dma_wait3A_442 = tpu.memref_slice %arg5[%dma_wait3A_438, %dma_wait3A_441] : memref<208x128xi32, #tpu.memory_space<vmem>> -> memref<1x128xi32, #tpu.memory_space<vmem>>
      %dma_wait3A_443 = tpu.memref_squeeze %dma_wait3A_442 : memref<1x128xi32, #tpu.memory_space<vmem>> -> memref<128xi32, #tpu.memory_space<vmem>>
      %dma_wait3A_444 = arith.constant 0 : i32
      %dma_wait3A_445 = tpu.memref_slice %arg8[%dma_wait3A_444] : memref<1000000xf32, #tpu.memory_space<vmem_shared>> -> memref<1000000xf32, #tpu.memory_space<vmem_shared>>
      tpu.wait_indirect_dma semaphore(%arg9 : memref<!tpu.dma_semaphore, #tpu.memory_space<semaphore_mem>>) src(%dma_wait3A_445 : memref<1000000xf32, #tpu.memory_space<vmem_shared>>) dst(%dma_wait3A_440 : memref<128xf32, #tpu.memory_space<vmem>>)
      %dma_wait3A_446 = arith.constant 0 : i32
      %dma_wait3A_447 = arith.constant 0 : i32
      %dma_wait3A_448 = tpu.memref_slice %arg7[%dma_wait3A_447] : memref<13312xf32, #tpu.memory_space<vmem>> -> memref<128xf32, #tpu.memory_space<vmem>>
      %dma_wait3A_449 = arith.constant 0 : i32
      %dma_wait3A_450 = tpu.memref_slice %arg5[%dma_wait3A_446, %dma_wait3A_449] : memref<208x128xi32, #tpu.memory_space<vmem>> -> memref<1x128xi32, #tpu.memory_space<vmem>>
      %dma_wait3A_451 = tpu.memref_squeeze %dma_wait3A_450 : memref<1x128xi32, #tpu.memory_space<vmem>> -> memref<128xi32, #tpu.memory_space<vmem>>
      %dma_wait3A_452 = arith.constant 0 : i32
      %dma_wait3A_453 = tpu.memref_slice %arg8[%dma_wait3A_452] : memref<1000000xf32, #tpu.memory_space<vmem_shared>> -> memref<1000000xf32, #tpu.memory_space<vmem_shared>>
      tpu.wait_indirect_dma semaphore(%arg9 : memref<!tpu.dma_semaphore, #tpu.memory_space<semaphore_mem>>) src(%dma_wait3A_453 : memref<1000000xf32, #tpu.memory_space<vmem_shared>>) dst(%dma_wait3A_448 : memref<128xf32, #tpu.memory_space<vmem>>)
      %dma_wait3A_454 = arith.constant 0 : i32
      %dma_wait3A_455 = arith.constant 0 : i32
      %dma_wait3A_456 = tpu.memref_slice %arg7[%dma_wait3A_455] : memref<13312xf32, #tpu.memory_space<vmem>> -> memref<128xf32, #tpu.memory_space<vmem>>
      %dma_wait3A_457 = arith.constant 0 : i32
      %dma_wait3A_458 = tpu.memref_slice %arg5[%dma_wait3A_454, %dma_wait3A_457] : memref<208x128xi32, #tpu.memory_space<vmem>> -> memref<1x128xi32, #tpu.memory_space<vmem>>
      %dma_wait3A_459 = tpu.memref_squeeze %dma_wait3A_458 : memref<1x128xi32, #tpu.memory_space<vmem>> -> memref<128xi32, #tpu.memory_space<vmem>>
      %dma_wait3A_460 = arith.constant 0 : i32
      %dma_wait3A_461 = tpu.memref_slice %arg8[%dma_wait3A_460] : memref<1000000xf32, #tpu.memory_space<vmem_shared>> -> memref<1000000xf32, #tpu.memory_space<vmem_shared>>
      tpu.wait_indirect_dma semaphore(%arg9 : memref<!tpu.dma_semaphore, #tpu.memory_space<semaphore_mem>>) src(%dma_wait3A_461 : memref<1000000xf32, #tpu.memory_space<vmem_shared>>) dst(%dma_wait3A_456 : memref<128xf32, #tpu.memory_space<vmem>>)
      %add3A_462 = arith.constant 13312 : i32
      %add3A_463 = arith.addi %mul3A_0, %add3A_462 : i32
      %dma_start3A_464 = tpu.memref_slice %arg4[%add3A, %add3A_463] : memref<32x425984xf32, #tpu.memory_space<hbm>> -> memref<1x13312xf32, #tpu.memory_space<hbm>>
      %dma_start3A_465 = tpu.memref_squeeze %dma_start3A_464 : memref<1x13312xf32, #tpu.memory_space<hbm>> -> memref<13312xf32, #tpu.memory_space<hbm>>
      %dma_start3A_466 = tpu.memref_slice %arg4[%add3A, %add3A_463] : memref<32x425984xf32, #tpu.memory_space<hbm>> -> memref<1x13312xf32, #tpu.memory_space<hbm>>
      %dma_start3A_467 = tpu.memref_squeeze %dma_start3A_466 : memref<1x13312xf32, #tpu.memory_space<hbm>> -> memref<13312xf32, #tpu.memory_space<hbm>>
      tpu.enqueue_dma source(%arg7 : memref<13312xf32, #tpu.memory_space<vmem>>) target(%dma_start3A_467 : memref<13312xf32, #tpu.memory_space<hbm>>) target_semaphore(%arg11 : memref<!tpu.dma_semaphore, #tpu.memory_space<semaphore_mem>>)
      %barrier3A_468 = arith.constant 0 : index
      tpu.barrier barrier_id(%barrier3A_468)
    }
    %scan3A_5 = arith.constant 16 : i32
    %dma_wait3A = arith.constant 0 : i32
    %dma_wait3A_6 = tpu.memref_slice %arg4[%dma_wait3A, %mul3A_0] : memref<32x425984xf32, #tpu.memory_space<hbm>> -> memref<1x13312xf32, #tpu.memory_space<hbm>>
    %dma_wait3A_7 = tpu.memref_squeeze %dma_wait3A_6 : memref<1x13312xf32, #tpu.memory_space<hbm>> -> memref<13312xf32, #tpu.memory_space<hbm>>
    %dma_wait3A_8 = tpu.memref_slice %arg4[%dma_wait3A, %mul3A_0] : memref<32x425984xf32, #tpu.memory_space<hbm>> -> memref<1x13312xf32, #tpu.memory_space<hbm>>
    %dma_wait3A_9 = tpu.memref_squeeze %dma_wait3A_8 : memref<1x13312xf32, #tpu.memory_space<hbm>> -> memref<13312xf32, #tpu.memory_space<hbm>>
    tpu.wait_dma2 semaphore(%arg10 : memref<!tpu.dma_semaphore, #tpu.memory_space<semaphore_mem>>) src(%arg6 : memref<13312xf32, #tpu.memory_space<vmem>>) dst(%dma_wait3A_9 : memref<13312xf32, #tpu.memory_space<hbm>>)
    %dma_wait3A_10 = arith.constant 0 : i32
    %dma_wait3A_11 = tpu.memref_slice %arg4[%dma_wait3A_10, %mul3A_0] : memref<32x425984xf32, #tpu.memory_space<hbm>> -> memref<1x13312xf32, #tpu.memory_space<hbm>>
    %dma_wait3A_12 = tpu.memref_squeeze %dma_wait3A_11 : memref<1x13312xf32, #tpu.memory_space<hbm>> -> memref<13312xf32, #tpu.memory_space<hbm>>
    %dma_wait3A_13 = tpu.memref_slice %arg4[%dma_wait3A_10, %mul3A_0] : memref<32x425984xf32, #tpu.memory_space<hbm>> -> memref<1x13312xf32, #tpu.memory_space<hbm>>
    %dma_wait3A_14 = tpu.memref_squeeze %dma_wait3A_13 : memref<1x13312xf32, #tpu.memory_space<hbm>> -> memref<13312xf32, #tpu.memory_space<hbm>>
    tpu.wait_dma2 semaphore(%arg11 : memref<!tpu.dma_semaphore, #tpu.memory_space<semaphore_mem>>) src(%arg7 : memref<13312xf32, #tpu.memory_space<vmem>>) dst(%dma_wait3A_14 : memref<13312xf32, #tpu.memory_space<hbm>>)
    return
  }
}

module attributes {stable_mosaic.version = 14 : i64} {
  func.func @_tc_project(%arg0: i32, %arg1: memref<32x16384xf32, #tpu.memory_space<vmem>>, %arg2: memref<32x64xf32, #tpu.memory_space<vmem>>, %arg3: memref<64x128xf32, #tpu.memory_space<vmem>>, %arg4: memref<1x64x16384xf32, #tpu.memory_space<vmem>>) attributes {dimension_semantics = [#tpu.dimension_semantics<arbitrary>], iteration_bounds = array<i64: 26>, scalar_prefetch = 0 : i64, scratch_operands = 0 : i64, tpu.core_type = #tpu.core_type<tc>, window_params = [{transform_indices = @transform_0, window_bounds = array<i64: 32, 16384>}, {pipeline_mode = #tpu.pipeline_mode<synchronous>, transform_indices = @transform_1, window_bounds = array<i64: 32, 64>}, {pipeline_mode = #tpu.pipeline_mode<synchronous>, transform_indices = @transform_2, window_bounds = array<i64: 64, 128>}, {transform_indices = @transform_3, window_bounds = array<i64: 1, 64, 16384>}]} {
    %get3A = arith.constant 0 : index
    %get3A_0 = arith.constant 0 : index
    %get3A_1 = vector.load %arg2[%get3A, %get3A_0] : memref<32x64xf32, #tpu.memory_space<vmem>>, vector<32x64xf32>
    %get3A_2 = arith.constant 0 : index
    %get3A_3 = arith.constant 0 : index
    %get3A_4 = vector.load %arg1[%get3A_2, %get3A_3] : memref<32x16384xf32, #tpu.memory_space<vmem>>, vector<32x16384xf32>
    %dot_general3A = arith.constant dense<0.000000e+00> : vector<64x16384xf32>
    %dot_general3A_5 = tpu.matmul %get3A_1, %get3A_4, %dot_general3A {dimension_numbers = #tpu.dot_dimension_numbers<[0], [0], [1], [1], [0, 1, 1, 1], [], []>, transpose_lhs_hint = false} : vector<32x64xf32>, vector<32x16384xf32>, vector<64x16384xf32> -> vector<64x16384xf32>
    %get3A_6 = arith.constant 0 : index
    %get3A_7 = arith.constant 0 : index
    %get3A_8 = vector.load %arg3[%get3A_6, %get3A_7] : memref<64x128xf32, #tpu.memory_space<vmem>>, vector<64x128xf32>
    %slice3A = vector.extract_strided_slice %get3A_8 {offsets = [0, 0], sizes = [64, 1], strides = [1, 1]} : vector<64x128xf32> to vector<64x1xf32>
    %add3A = vector.broadcast %slice3A : vector<64x1xf32> to vector<64x16384xf32>
    %add3A_9 = arith.addf %dot_general3A_5, %add3A : vector<64x16384xf32>
    %broadcast_in_dim3A = vector.shape_cast %add3A_9 : vector<64x16384xf32> to vector<1x64x16384xf32>
    %swap3A = arith.constant 0 : index
    %swap3A_10 = arith.constant 0 : index
    %swap3A_11 = arith.constant 0 : index
    %swap3A_12 = vector.load %arg4[%swap3A, %swap3A_10, %swap3A_11] : memref<1x64x16384xf32, #tpu.memory_space<vmem>>, vector<1x64x16384xf32>
    tpu.vector_store %arg4[%swap3A, %swap3A_10, %swap3A_11], %broadcast_in_dim3A {strides = array<i32>} : memref<1x64x16384xf32, #tpu.memory_space<vmem>>, vector<1x64x16384xf32>,
    return
  }
  func.func @transform_0(%arg0: i32) -> (i32, i32) {
    %c0_i32 = arith.constant 0 : i32
    %c0_i32_0 = arith.constant 0 : i32
    return %c0_i32, %arg0 : i32, i32
  }
  func.func @transform_1(%arg0: i32) -> (i32, i32) {
    %c0_i32 = arith.constant 0 : i32
    %c0_i32_0 = arith.constant 0 : i32
    %c0_i32_1 = arith.constant 0 : i32
    return %c0_i32, %c0_i32_0 : i32, i32
  }
  func.func @transform_2(%arg0: i32) -> (i32, i32) {
    %c0_i32 = arith.constant 0 : i32
    %c0_i32_0 = arith.constant 0 : i32
    %c0_i32_1 = arith.constant 0 : i32
    return %c0_i32, %c0_i32_0 : i32, i32
  }
  func.func @transform_3(%arg0: i32) -> (i32, i32, i32) {
    %jit3A = arith.constant 1 : i32
    %div3A = arith.divsi %arg0, %jit3A : i32
    %sign3A = arith.constant 0 : i32
    %sign3A_0 = arith.cmpi sgt, %arg0, %sign3A : i32
    %sign3A_1 = arith.extui %sign3A_0 : i1 to i32
    %sign3A_2 = arith.constant 0 : i32
    %sign3A_3 = arith.cmpi slt, %arg0, %sign3A_2 : i32
    %sign3A_4 = arith.extui %sign3A_3 : i1 to i32
    %sign3A_5 = arith.subi %sign3A_1, %sign3A_4 : i32
    %sign3A_6 = arith.constant 0 : i32
    %sign3A_7 = arith.cmpi sgt, %jit3A, %sign3A_6 : i32
    %sign3A_8 = arith.extui %sign3A_7 : i1 to i32
    %sign3A_9 = arith.constant 0 : i32
    %sign3A_10 = arith.cmpi slt, %jit3A, %sign3A_9 : i32
    %sign3A_11 = arith.extui %sign3A_10 : i1 to i32
    %sign3A_12 = arith.subi %sign3A_8, %sign3A_11 : i32
    %ne3A = arith.cmpi ne, %sign3A_5, %sign3A_12 : i32
    %rem3A = arith.remsi %arg0, %jit3A : i32
    %ne3A_13 = arith.constant 0 : i32
    %ne3A_14 = arith.cmpi ne, %rem3A, %ne3A_13 : i32
    %and3A = arith.andi %ne3A, %ne3A_14 : i1
    %sub3A = arith.constant 1 : i32
    %sub3A_15 = arith.subi %div3A, %sub3A : i32
    %select_n3A = arith.select %and3A, %sub3A_15, %div3A : i32
    %jit3A_16 = arith.constant 1 : i32
    %eq3A = arith.constant 0 : i32
    %eq3A_17 = arith.cmpi eq, %jit3A_16, %eq3A : i32
    %jit3A_18 = arith.constant 1 : i32
    %select_n3A_19 = arith.select %eq3A_17, %jit3A_18, %jit3A_16 : i32
    %rem3A_20 = arith.remsi %arg0, %select_n3A_19 : i32
    %ne3A_21 = arith.constant 0 : i32
    %ne3A_22 = arith.cmpi ne, %rem3A_20, %ne3A_21 : i32
    %lt3A = arith.constant 0 : i32
    %lt3A_23 = arith.cmpi slt, %rem3A_20, %lt3A : i32
    %lt3A_24 = arith.constant 0 : i32
    %lt3A_25 = arith.cmpi slt, %select_n3A_19, %lt3A_24 : i32
    %ne3A_26 = arith.xori %lt3A_23, %lt3A_25 : i1
    %and3A_27 = arith.andi %ne3A_26, %ne3A_22 : i1
    %add3A = arith.addi %rem3A_20, %select_n3A_19 : i32
    %select_n3A_28 = arith.select %and3A_27, %add3A, %rem3A_20 : i32
    %c0_i32 = arith.constant 0 : i32
    %c0_i32_29 = arith.constant 0 : i32
    return %select_n3A, %c0_i32, %select_n3A_28 : i32, i32, i32
  }
}

</mosaic_0001>

<sc_bundles>
// kernel: kernel.4.cloned.1.call-start
scs
__scs_entry_jumppad:
0x0: {  	(pc) =	sbr.rel $0x88, $3  }
0x1: {  	(tag) =	ssettag $0x0;
	lr =	simm.s32 $0x1  }
0x2: {  	[smem:$0x3F9D] =	sst lr;
	_ =	strace $0xD0000000  }
0x3: {  	_ = 	snop  }
0x4: {  	_ = 	snop  }
0x5: {  	_ = 	snop  }
0x6: {  	_ = 	snop  }
0x7: {  	_ = 	snop  }
__scs_overlays_trampoline_lowered:
0x8: {  	[smem:$0x3FAC] =	sst s0  }
0x9: {  	[smem:$0x3FAD] =	sst s1  }
0xa: {  	[smem:$0x3FAE] =	sst s2  }
0xb: {  	[smem:$0x3FAF] =	sst s3  }
0xc: {  	[smem:$0x3FB0] =	sst s4  }
0xd: {  	[smem:$0x3FB1] =	sst s5  }
0xe: {  	[smem:$0x3FB2] =	sst s6  }
0xf: {  	[smem:$0x3FB3] =	sst s7  }
0x10: {  	[smem:$0x3FB4] =	sst s8  }
0x11: {  	[smem:$0x3FB5] =	sst s9;
	s0 =	simm.s32 @!p0 $0x0  }
0x12: {  	s1 =	sld [smem:$0x3F9B];
	s0 =	simm.s32 @p0 $0x1  }
0x13: {  	[smem:$0x3FB6] =	sst s0;
	s0 =	simm.s32 @!p1 $0x0  }
0x14: {  	s2 =	sld [smem:$0x3F9A];
	s0 =	simm.s32 @p1 $0x1  }
0x15: {  	[smem:$0x3FB7] =	sst s0;
	s0 =	simm.s32 @!p2 $0x0  }
0x16: {  	s3 =	sld [smem:$0x3FDB];
	s0 =	simm.s32 @p2 $0x1  }
0x17: {  	s4 =	simm.s32 $0x1BF5;
	[smem:$0x3FB9] =	sst s0  }
0x18: {  	s0 =	sld [smem:$0x3F9C];
	_ =	swait.ge [sflag:s4], $0x0  }
0x19: {  	s7 =	sld [smem:$0x3F9D]  }
0x1a: {  	s8 =	sadd.s32 $0xFFFFE003, lr  }
0x1b: {  	s9 =	sadd.s32 $0xFFFFFEF7, lr;
	s5 =	simm.s32 $0xFFFFFFFF;
	p2 =	slt.u32 s8, $0xFFFFF086  }
0x1c: {  	p1 =	slt.u32 s9, $0xF7A;
	s5 =	simm.s32 @!p2 $0x0  }
0x1d: {  	s5 =	simm.s32 @p1 $0x1;
	p0 =	seq.s32 s7, s2  }
0x1e: {  	s7 =	smul.u32 @!p0 $0xF7A, s2;
	p2 =	seq.s32 @!p0 s5, $0x0  }
0x1f: {  	s9 =	smul.u32 $0xF7A, s1;
	s8 =	simm.s32 @!p0 $0x1BF5;
	p2 =	por !p2, p0  }
0x20: {  	[sflag:s8] =	ssyncset.s32 @!p0 $0xFFFFF086;
	s6 =	sadd.s32 @!p0 s3, s7;
	s7 =	simm.s32 @!p0 $0x108  }
0x21: {  	s3 =	sadd.s32 s3, s9;
	s6 =	sadd.s32 @!p0 $0x88, s6;
	s7 =	simm.s32 @p2 $0x1082  }
0x22: {  	[simem:s7], [sflag:s8] =	dma.local @!p0 [hbm:s6], $0xF7A  }
0x23: {  	s9 =	sor.u32 $0xD0000000, s2;
	s6 =	simm.s32 $0x108;
	_ =	swait.ge @!p0 [sflag:s8], $0x0  }
0x24: {  	s3 =	sadd.s32 $0x88, s3;
	s6 =	simm.s32 @!p1 $0x1082;
	[sflag:s4] =	ssyncset.s32 $0xFFFFF086  }
0x25: {  	[simem:s6], [sflag:s4] =	dma.local [hbm:s3], $0xF7A  }
0x26: {  	[smem:$0x3F9D] =	sst s1;
	(tag) =	ssettag s2;
	_ =	strace s9  }
0x27: {  	s1 =	sld [smem:$0x3FAD]  }
0x28: {  	s2 =	sld [smem:$0x3FAE]  }
0x29: {  	s4 =	sld [smem:$0x3FB0]  }
0x2a: {  	p0 =	seq.s32 s5, $0x0;
	s5 =	sld [smem:$0x3FB1]  }
0x2b: {  	s6 =	sld [smem:$0x3FB2]  }
0x2c: {  	s7 =	sld [smem:$0x3FB3]  }
0x2d: {  	s3 =	simm.s32 $0x108;
	s8 =	sld [smem:$0x3FB4]  }
0x2e: {  	s3 =	simm.s32 @!p0 $0x1082;
	s9 =	sld [smem:$0x3FB5]  }
0x2f: {  	lr =	sadd.s32 s0, s3;
	s0 =	sld [smem:$0x3FAC]  }
0x30: {  	s3 =	sld [smem:$0x3FAF]  }
0x31: {  	[smem:$0x3FB8] =	sst s10  }
0x32: {  	s10 =	sld [smem:$0x3FB6];
	_ =	sdelay $0x3  }
0x33: {  	p0 =	seq.s32 s10, $0x1;
	s10 =	sld [smem:$0x3FB8];
	_ =	sdelay $0x3  }
0x34: {  	[smem:$0x3FB8] =	sst s10  }
0x35: {  	s10 =	sld [smem:$0x3FB7];
	_ =	sdelay $0x3  }
0x36: {  	p1 =	seq.s32 s10, $0x1;
	s10 =	sld [smem:$0x3FB8];
	_ =	sdelay $0x3  }
0x37: {  	[smem:$0x3FB8] =	sst s10  }
0x38: {  	s10 =	sld [smem:$0x3FB9]  }
0x39: {  	_ = 	snop;
	(pc) =	sbr.ind lr, $3  }
0x3a: {  	_ = 	snop  }
0x3b: {  	_ = 	snop  }
0x3c: {  	p2 =	seq.s32 s10, $0x1;
	s10 =	sld [smem:$0x3FB8]  }
0x3d: {  	_ =	shalt  }
0x3e: {  	_ =	shalt  }
0x3f: {  	_ =	shalt  }
0x40: {  	_ =	shalt  }
0x41: {  	_ =	shalt  }
0x42: {  	_ =	shalt  }
0x43: {  	_ =	shalt  }
0x44: {  	_ =	shalt  }
0x45: {  	_ =	shalt  }
0x46: {  	_ =	shalt  }
0x47: {  	_ =	shalt  }
0x48: {  	_ =	shalt  }
0x49: {  	_ =	shalt  }
0x4a: {  	_ =	shalt  }
0x4b: {  	_ =	shalt  }
0x4c: {  	_ =	shalt  }
0x4d: {  	_ =	shalt  }
0x4e: {  	_ =	shalt  }
0x4f: {  	_ =	shalt  }
0x50: {  	_ =	shalt  }
0x51: {  	_ =	shalt  }
0x52: {  	_ =	shalt  }
0x53: {  	_ =	shalt  }
0x54: {  	_ =	shalt  }
0x55: {  	_ =	shalt  }
0x56: {  	_ =	shalt  }
0x57: {  	_ =	shalt  }
0x58: {  	_ =	shalt  }
0x59: {  	_ =	shalt  }
0x5a: {  	_ =	shalt  }
0x5b: {  	_ =	shalt  }
0x5c: {  	_ =	shalt  }
0x5d: {  	_ =	shalt  }
0x5e: {  	_ =	shalt  }
0x5f: {  	_ =	shalt  }
0x60: {  	_ =	shalt  }
0x61: {  	_ =	shalt  }
0x62: {  	_ =	shalt  }
0x63: {  	_ =	shalt  }
0x64: {  	_ =	shalt  }
0x65: {  	_ =	shalt  }
0x66: {  	_ =	shalt  }
0x67: {  	_ =	shalt  }
0x68: {  	_ =	shalt  }
0x69: {  	_ =	shalt  }
0x6a: {  	_ =	shalt  }
0x6b: {  	_ =	shalt  }
0x6c: {  	_ =	shalt  }
0x6d: {  	_ =	shalt  }
0x6e: {  	_ =	shalt  }
0x6f: {  	_ =	shalt  }
0x70: {  	_ =	shalt  }
0x71: {  	_ =	shalt  }
0x72: {  	_ =	shalt  }
0x73: {  	_ =	shalt  }
0x74: {  	_ =	shalt  }
0x75: {  	_ =	shalt  }
0x76: {  	_ =	shalt  }
0x77: {  	_ =	shalt  }
0x78: {  	_ =	shalt  }
0x79: {  	_ =	shalt  }
0x7a: {  	_ =	shalt  }
0x7b: {  	_ =	shalt  }
0x7c: {  	_ =	shalt  }
0x7d: {  	_ =	shalt  }
0x7e: {  	_ =	shalt  }
0x7f: {  	_ =	shalt  }
0x80: {  	_ =	shalt  }
0x81: {  	_ =	shalt  }
0x82: {  	_ =	shalt  }
0x83: {  	_ =	shalt  }
0x84: {  	_ =	shalt  }
0x85: {  	_ =	shalt  }
0x86: {  	_ =	shalt  }
0x87: {  	_ =	shalt  }
.Lfunc_end0:
.L_simem_size_0:
called_computation_lowered:
.L_overlay_start_0:
0x88: {  	s2 =	sld [smem:$0x3FD9]  }
0x89: {  	s3 =	sld [smem:$0x3FFE];
	_ =	sdelay $0x1  }
0x8a: {  	s1 =	srdreg.scid  }
0x8b: {  	s0 =	sand.u32 $0x1, s1  }
0x8c: {  	s17 =	sshll.u32 s0, $0xA;
	s2 =	sadd.s32 s3, s2  }
0x8d: {  	s2 =	sadd.s32 s2, s17  }
0x8e: {  	[smem:$0x3FC4] =	sst s2  }
0x8f: {  	_ = 	snop  }
0x90: {  	s2 =	sld [smem:$0x3FC8]  }
0x91: {  	s18 =	sld [smem:$0x3FD0];
	(tm) =	ssettm $0x1  }
0x92: {  	s4 =	sld [smem:$0x3FFB];
	_ =	sdelay $0x3  }
0x93: {  	_ =	strace s4  }
0x94: {  	s4 =	sld [smem:$0x3FFC];
	_ =	sdelay $0x3  }
0x95: {  	_ =	strace s4  }
0x96: {  	s4 =	sld [smem:$0x3FFD];
	_ =	sdelay $0x3  }
0x97: {  	_ =	strace s4  }
0x98: {  	_ =	strace $0x8FFFFFFF  }
0x99: {  	s19 =	sld [smem:$0x3FDB];
	_ =	sdelay $0x1  }
0x9a: {  	s5 =	simm.s32 $_scs_section_size  }
0x9b: {  	s6 =	simm.s32 $_size__tile_overlayer_lowered;
	s7 =	simm.s32 $_tile_overlayer_lowered  }
0x9c: {  	s22 =	simm.s32 $0x1BFF;
	s21 =	sshll.u32 s7, $0x1;
	s4 =	sadd.s32 s5, s19  }
0x9d: {  	s8 =	simm.s32 $0x0;
	s20 =	sshll.u32 s6, $0x1;
	s6 =	sadd.s32 s21, s4  }
0x9e: {  	[timem:s8], [sflag:s22] =	dma.local [hbm:s6], s20  }
0x9f: {  	_ =	swait.ge [sflag:s22], s20  }
0xa0: {  	s5 =	ssub.s32 $0x0, s20;
	[sflag:s22] =	ssyncset.done $0x0  }
0xa1: {  	[sflag:s22] =	ssyncadd.s32 s5;
	_ =	sdelay $0x1  }
0xa2: {  	s23 =	simm.s32 $0x1B8B  }
0xa3: {  	_ =	swait.ge [sflag:s23], $0x1  }
0xa4: {  	[sflag:s23] =	ssyncset.done $0x0  }
0xa5: {  	s25 =	simm.s32 $0x1B8E;
	s24 =	sld [smem:$0x3FFE];
	[sflag:s23] =	ssyncadd.s32 $0xFFFFFFFF  }
0xa6: {  	s26 =	simm.s32 $execute0_lowered;
	[smem:$0x3FD2] =	sst s25  }
0xa7: {  	s6 =	sshll.u32 s26, $0x1;
	_ =	strace $0x80000046;
	[dreg:$0x1] =	wrdreg $0xFFFFFFFF  }
0xa8: {  	s28 =	simm.s32 $_size_execute0_lowered;
	s4 =	sadd.s32 s4, s6;
	[dreg:$0x0] =	wrdreg $0x0  }
0xa9: {  	s6 =	sshll.u32 s28, $0x1;
	[dreg:$0x2] =	wrdreg s4  }
0xaa: {  	[dreg:$0x3] =	wrdreg s6  }
0xab: {  	[dreg:$0x4] =	wrdreg $0xC0  }
0xac: {  	_ =	task [dreg:s8], $0x5FFFF  }
0xad: {  	[dreg:$0x1] =	wrdreg $0xFFFFFFFF  }
0xae: {  	[dreg:$0x0] =	wrdreg $0x60  }
0xaf: {  	[dreg:$0x2] =	wrdreg s18  }
0xb0: {  	[dreg:$0x3] =	wrdreg s2  }
0xb1: {  	[dreg:$0x4] =	wrdreg s24  }
0xb2: {  	[dreg:$0x5] =	wrdreg $0xD0000  }
0xb3: {  	[dreg:$0x6] =	wrdreg $0x9  }
0xb4: {  	_ =	task.clear_ibuf [dreg:s8], $0x7FFFF;
	_ =	strace $0x90000046  }
0xb5: {  	s29 =	simm.s32 $0x9;
	_ =	strace $0x80000048  }
0xb6: {  	_ =	swait.ge [sflag:s29], $0x1  }
0xb7: {  	[sflag:s29] =	ssyncadd.s32 $0xFFFFFFFF  }
0xb8: {  	_ =	strace $0x90000048  }
0xb9: {  	_ =	sfence  }
0xba: {  	s30 =	sld [smem:$0x0];
	_ =	sdelay $0x2  }
0xbb: {  	s31 =	sshll.u32 s1, $0xD;
	s1 =	sshrl.u32 s1, $0x2  }
0xbc: {  	s3 =	sand.u32 $0x4000, s31;
	s1 =	sadd.s32 s1, s30  }
0xbd: {  	s0 =	sor.u32 s3, s0;
	s1 =	sshll.u32 s1, $0x11  }
0xbe: {  	s0 =	sor.u32 s1, s0  }
0xbf: {  	s0 =	sadd.s32 $0x8F2B, s0  }
0xc0: {  	[sflag:s0] =	ssyncadd.remote.s32 $0x1  }
0xc1: {  	_ =	sfence.sel $0xFFFF  }
0xc2: {  	[dreg:$0x0] =	wrdreg $0xFFFFFFFF;
	(pc) =	sbr.abs _section_cstart, $3  }
0xc3: {  	[dreg:$0x1] =	wrdreg $0xFFFFFFFF  }
0xc4: {  	_ =	task.clear_ibuf [dreg:s8], $0x2FFFF;
	_ =	strace $0x9FFFFFFF  }
0xc5: {  	(tm) =	ssettm $0x7FFFFFFF  }
tec
execute0_lowered:
.L_overlay_start_1:
0x0: {  	(tag) =	ssettag $0x1  }
0x1: {  	s0 =	rddreg [dreg:$0x0]  }
0x2: {  	s1 =	rddreg [dreg:$0x2]  }
0x3: {  	s2 =	rddreg [dreg:$0x3];
	s4 =	simm.s32 $0x0  }
0x4: {  	s3 =	srdreg.scid;
	s6 =	stileid.u32;
	s12 =	simm.s32 $0x80  }
0x5: {  	s13 =	simm.s32 $0x6800;
	s28 =	simm.s32 $0x400;
	s14 =	simm.s32 $0x1  }
0x6: {  	s16 =	simm.s32 $0x9C00;
	s9 =	simm.s32 $0x3880;
	s10 =	simm.s32 $0xA080  }
0x7: {  	s15 =	simm.s32 $0xA100;
	s17 =	simm.s32 $0x3980;
	s18 =	simm.s32 $0xA180  }
0x8: {  	s19 =	simm.s32 $0x3A00;
	s20 =	simm.s32 $0xA200;
	s23 =	simm.s32 $0x0  }
0x9: {  	[smem:$0x7FF] =	sst s4;
	s3 =	sand.u32 $0x1, s3;
	s8 =	smul.u32 $0xD00, s6  }
0xa: {  	s4 =	sadd.s32 $0x800, s1;
	s5 =	smul.u32 $0x34000, s6;
	p0 =	sne.s32 s6, $0x0  }
0xb: {  	s6 =	simm.s32 $0xA000;
	_ =	strace $0x80000047;
	s7 =	ssub.s32 $0x2, s3  }
0xc: {  	s11 =	sshrl.u32 @!p0 s2, $0x3;
	s30 =	sshrl.u32 s7, $0x1;
	s0 =	sadd.s32 s0, s8  }
0xd: {  	s8 =	sadd.s32 $0x1A000, s5;
	s1 =	ssub.s32 s7, s30;
	[dreg:$0x5] =	wrdreg s0  }
0xe: {  	s7 =	sshll.u32 s3, $0x4;
	s0 =	simm.s32 $0x9F80;
	s31 =	smax.u32 s1, $0x1  }
0xf: {  	s3 =	simm.s32 $0x3800;
	s1 =	simm.s32 $0x3900;
	[dreg:$0x6] =	wrdreg s31  }
.LBB2_1:
0x10: {  	[dreg:$0x7] =	wrdreg s23  }
0x11: {  	s21 =	simm.s32 $0x0;
	s22 =	rddreg [dreg:$0x5];
	s31 =	simm.s32 $0x4  }
0x12: {  	[tilespmem:s21], [sflag:$0x4] =	stream.linear.gather [hbm4b:s22+s21], $0x6800, $0x38;
	[tilespmem:$0x1C428] =	vst v63  }
0x13: {  	_ =	swait.ge [sflag:s31], $0x6800  }
0x14: {  	[sflag:s31] =	ssyncset.done $0x0  }
0x15: {  	s21 =	simm.s32 $0x0;
	[sflag:s31] =	ssyncadd.s32 $0xFFFF9800  }
.LBB2_2:
0x16: {  	s22 =	sadd.s32 s7, s21  }
0x17: {  	s23 =	sshrl.u32 @!p0 s22, $0x3  }
0x18: {  	s24 =	sshll.u32 @!p0 s21, $0x7;
	s23 =	smul.u32 @!p0 $0x7A1400, s23  }
0x19: {  	s24 =	sand.u32 @!p0 $0x380, s24  }
0x1a: {  	s25 =	simm.s32 @!p0 $0x10;
	s23 =	sor.u32 @!p0 s24, s23  }
0x1b: {  	s26 =	simm.s32 @!p0 $0x80;
	s24 =	rddreg [dreg:$0x1];
	s23 =	sshrl.u32 @!p0 s23, $0x3  }
0x1c: {  	s29 =	simm.s32 @!p0 $0x1C04;
	s23 =	sadd.s32 @!p0 s24, s23;
	s24 =	simm.s32 @!p0 $0x1  }
0x1d: {  	[spmem:s11@s25], [sflag:s29] =	dma.strided @!p0 [hbm:s23@s26], $0x1E850, s24, $0x10   }
0x1e: {  	s23 =	simm.s32 @!p0 $0x4  }
0x1f: {  	_ =	swait.ge @!p0 [sflag:s23], $0x1E850  }
0x20: {  	[sflag:s23] =	ssyncset.done @!p0 $0x0  }
0x21: {  	p1 =	seq.s32 s21, $0x0;
	[sflag:s23] =	ssyncadd.s32 @!p0 $0xFFFE17B0  }
0x22: {  	s23 =	simm.s32 @!p1 $0x2;
	[bflag:$0x0] =	sbarrier.arrive $0xFFFF  }
0x23: {  	_ =	swait.ge @!p1 [sflag:s23], $0x3400  }
0x24: {  	[sflag:s23] =	ssyncset.done @!p1 $0x0  }
0x25: {  	s30 =	simm.s32 $0x0;
	[sflag:s23] =	ssyncadd.s32 @!p1 $0xFFFFCC00  }
0x26: {  	[tilespmem:s13], [sflag:$0x1] =	stream.indirect.gather [spmem:s2], $0x1, s30, s12, $0xb8;
	[tilespmem:$0x1C428] =	vst v63  }
0x27: {  	s31 =	simm.s32 $0x6880  }
0x28: {  	[tilespmem:s31], [sflag:$0x1] =	stream.indirect.gather [spmem:s2], $0x1, s12, s12, $0xb8;
	[tilespmem:$0x1C428] =	vst v63  }
0x29: {  	s24 =	simm.s32 $0x100;
	s25 =	simm.s32 $0x6900  }
0x2a: {  	[tilespmem:s25], [sflag:$0x1] =	stream.indirect.gather [spmem:s2], $0x1, s24, s12, $0xb8;
	[tilespmem:$0x1C428] =	vst v63  }
0x2b: {  	s26 =	simm.s32 $0x180;
	s29 =	simm.s32 $0x6980  }
0x2c: {  	[tilespmem:s29], [sflag:$0x1] =	stream.indirect.gather [spmem:s2], $0x1, s26, s12, $0xb8;
	[tilespmem:$0x1C428] =	vst v63  }
0x2d: {  	s30 =	simm.s32 $0x200;
	s31 =	simm.s32 $0x6A00  }
0x2e: {  	[tilespmem:s31], [sflag:$0x1] =	stream.indirect.gather [spmem:s2], $0x1, s30, s12, $0xb8;
	[tilespmem:$0x1C428] =	vst v63  }
0x2f: {  	s24 =	simm.s32 $0x280;
	s25 =	simm.s32 $0x6A80  }
0x30: {  	[tilespmem:s25], [sflag:$0x1] =	stream.indirect.gather [spmem:s2], $0x1, s24, s12, $0xb8;
	[tilespmem:$0x1C428] =	vst v63  }
0x31: {  	s26 =	simm.s32 $0x300;
	s29 =	simm.s32 $0x6B00  }
0x32: {  	[tilespmem:s29], [sflag:$0x1] =	stream.indirect.gather [spmem:s2], $0x1, s26, s12, $0xb8;
	[tilespmem:$0x1C428] =	vst v63  }
0x33: {  	s30 =	simm.s32 $0x380;
	s31 =	simm.s32 $0x6B80  }
0x34: {  	[tilespmem:s31], [sflag:$0x1] =	stream.indirect.gather [spmem:s2], $0x1, s30, s12, $0xb8;
	[tilespmem:$0x1C428] =	vst v63  }
0x35: {  	s25 =	simm.s32 $0x6C00  }
0x36: {  	[tilespmem:s25], [sflag:$0x1] =	stream.indirect.gather [spmem:s2], $0x1, s28, s12, $0xb8;
	[tilespmem:$0x1C428] =	vst v63  }
0x37: {  	s26 =	simm.s32 $0x480;
	s29 =	simm.s32 $0x6C80  }
0x38: {  	[tilespmem:s29], [sflag:$0x1] =	stream.indirect.gather [spmem:s2], $0x1, s26, s12, $0xb8;
	[tilespmem:$0x1C428] =	vst v63  }
0x39: {  	s30 =	simm.s32 $0x500;
	s31 =	simm.s32 $0x6D00  }
0x3a: {  	[tilespmem:s31], [sflag:$0x1] =	stream.indirect.gather [spmem:s2], $0x1, s30, s12, $0xb8;
	[tilespmem:$0x1C428] =	vst v63  }
0x3b: {  	s24 =	simm.s32 $0x580;
	s25 =	simm.s32 $0x6D80  }
0x3c: {  	[tilespmem:s25], [sflag:$0x1] =	stream.indirect.gather [spmem:s2], $0x1, s24, s12, $0xb8;
	[tilespmem:$0x1C428] =	vst v63  }
0x3d: {  	s26 =	simm.s32 $0x600;
	s29 =	simm.s32 $0x6E00  }
0x3e: {  	[tilespmem:s29], [sflag:$0x1] =	stream.indirect.gather [spmem:s2], $0x1, s26, s12, $0xb8;
	[tilespmem:$0x1C428] =	vst v63  }
0x3f: {  	s30 =	simm.s32 $0x6E80;
	s31 =	simm.s32 $0x680  }
0x40: {  	[tilespmem:s30], [sflag:$0x1] =	stream.indirect.gather [spmem:s2], $0x1, s31, s12, $0xb8;
	[tilespmem:$0x1C428] =	vst v63  }
0x41: {  	s24 =	simm.s32 $0x6F00;
	s25 =	simm.s32 $0x700  }
0x42: {  	[tilespmem:s24], [sflag:$0x1] =	stream.indirect.gather [spmem:s2], $0x1, s25, s12, $0xb8;
	[tilespmem:$0x1C428] =	vst v63  }
0x43: {  	s26 =	simm.s32 $0x6F80;
	s29 =	simm.s32 $0x780  }
0x44: {  	[tilespmem:s26], [sflag:$0x1] =	stream.indirect.gather [spmem:s2], $0x1, s29, s12, $0xb8;
	[tilespmem:$0x1C428] =	vst v63  }
0x45: {  	s30 =	simm.s32 $0x7000;
	s31 =	simm.s32 $0x800  }
0x46: {  	[tilespmem:s30], [sflag:$0x1] =	stream.indirect.gather [spmem:s2], $0x1, s31, s12, $0xb8;
	[tilespmem:$0x1C428] =	vst v63  }
0x47: {  	s24 =	simm.s32 $0x7080;
	s25 =	simm.s32 $0x880  }
0x48: {  	[tilespmem:s24], [sflag:$0x1] =	stream.indirect.gather [spmem:s2], $0x1, s25, s12, $0xb8;
	[tilespmem:$0x1C428] =	vst v63  }
0x49: {  	s26 =	simm.s32 $0x7100;
	s29 =	simm.s32 $0x900  }
0x4a: {  	[tilespmem:s26], [sflag:$0x1] =	stream.indirect.gather [spmem:s2], $0x1, s29, s12, $0xb8;
	[tilespmem:$0x1C428] =	vst v63  }
0x4b: {  	s30 =	simm.s32 $0x7180;
	s31 =	simm.s32 $0x980  }
0x4c: {  	[tilespmem:s30], [sflag:$0x1] =	stream.indirect.gather [spmem:s2], $0x1, s31, s12, $0xb8;
	[tilespmem:$0x1C428] =	vst v63  }
0x4d: {  	s24 =	simm.s32 $0x7200;
	s25 =	simm.s32 $0xA00  }
0x4e: {  	[tilespmem:s24], [sflag:$0x1] =	stream.indirect.gather [spmem:s2], $0x1, s25, s12, $0xb8;
	[tilespmem:$0x1C428] =	vst v63  }
0x4f: {  	s26 =	simm.s32 $0x7280;
	s29 =	simm.s32 $0xA80  }
0x50: {  	[tilespmem:s26], [sflag:$0x1] =	stream.indirect.gather [spmem:s2], $0x1, s29, s12, $0xb8;
	[tilespmem:$0x1C428] =	vst v63  }
0x51: {  	s30 =	simm.s32 $0x7300;
	s31 =	simm.s32 $0xB00  }
0x52: {  	[tilespmem:s30], [sflag:$0x1] =	stream.indirect.gather [spmem:s2], $0x1, s31, s12, $0xb8;
	[tilespmem:$0x1C428] =	vst v63  }
0x53: {  	s24 =	simm.s32 $0x7380;
	s25 =	simm.s32 $0xB80  }
0x54: {  	[tilespmem:s24], [sflag:$0x1] =	stream.indirect.gather [spmem:s2], $0x1, s25, s12, $0xb8;
	[tilespmem:$0x1C428] =	vst v63  }
0x55: {  	s26 =	simm.s32 $0x7400;
	s29 =	simm.s32 $0xC00  }
0x56: {  	[tilespmem:s26], [sflag:$0x1] =	stream.indirect.gather [spmem:s2], $0x1, s29, s12, $0xb8;
	[tilespmem:$0x1C428] =	vst v63  }
0x57: {  	s30 =	simm.s32 $0x7480;
	s31 =	simm.s32 $0xC80  }
0x58: {  	[tilespmem:s30], [sflag:$0x1] =	stream.indirect.gather [spmem:s2], $0x1, s31, s12, $0xb8;
	[tilespmem:$0x1C428] =	vst v63  }
0x59: {  	_ =	swait.ge [sflag:s14], $0x80  }
0x5a: {  	[sflag:s14] =	ssyncset.done $0x0  }
0x5b: {  	[sflag:s14] =	ssyncadd.s32 $0xFFFFFF80  }
0x5c: {  	_ =	swait.ge [sflag:s14], $0x80  }
0x5d: {  	[sflag:s14] =	ssyncset.done $0x0  }
0x5e: {  	[sflag:s14] =	ssyncadd.s32 $0xFFFFFF80  }
0x5f: {  	_ =	swait.ge [sflag:s14], $0x80  }
0x60: {  	[sflag:s14] =	ssyncset.done $0x0  }
0x61: {  	[sflag:s14] =	ssyncadd.s32 $0xFFFFFF80  }
0x62: {  	_ =	swait.ge [sflag:s14], $0x80  }
0x63: {  	[sflag:s14] =	ssyncset.done $0x0  }
0x64: {  	[sflag:s14] =	ssyncadd.s32 $0xFFFFFF80  }
0x65: {  	_ =	swait.ge [sflag:s14], $0x80  }
0x66: {  	[sflag:s14] =	ssyncset.done $0x0  }
0x67: {  	[sflag:s14] =	ssyncadd.s32 $0xFFFFFF80  }
0x68: {  	_ =	swait.ge [sflag:s14], $0x80  }
0x69: {  	[sflag:s14] =	ssyncset.done $0x0  }
0x6a: {  	[sflag:s14] =	ssyncadd.s32 $0xFFFFFF80  }
0x6b: {  	_ =	swait.ge [sflag:s14], $0x80  }
0x6c: {  	[sflag:s14] =	ssyncset.done $0x0  }
0x6d: {  	[sflag:s14] =	ssyncadd.s32 $0xFFFFFF80  }
0x6e: {  	_ =	swait.ge [sflag:s14], $0x80  }
0x6f: {  	[sflag:s14] =	ssyncset.done $0x0  }
0x70: {  	[sflag:s14] =	ssyncadd.s32 $0xFFFFFF80  }
0x71: {  	_ =	swait.ge [sflag:s14], $0x80  }
0x72: {  	[sflag:s14] =	ssyncset.done $0x0  }
0x73: {  	[sflag:s14] =	ssyncadd.s32 $0xFFFFFF80  }
0x74: {  	_ =	swait.ge [sflag:s14], $0x80  }
0x75: {  	[sflag:s14] =	ssyncset.done $0x0  }
0x76: {  	[sflag:s14] =	ssyncadd.s32 $0xFFFFFF80  }
0x77: {  	_ =	swait.ge [sflag:s14], $0x80  }
0x78: {  	[sflag:s14] =	ssyncset.done $0x0  }
0x79: {  	[sflag:s14] =	ssyncadd.s32 $0xFFFFFF80  }
0x7a: {  	_ =	swait.ge [sflag:s14], $0x80  }
0x7b: {  	[sflag:s14] =	ssyncset.done $0x0  }
0x7c: {  	[sflag:s14] =	ssyncadd.s32 $0xFFFFFF80  }
0x7d: {  	_ =	swait.ge [sflag:s14], $0x80  }
0x7e: {  	s25 =	simm.s32 $0x680;
	s26 =	simm.s32 $0x3400;
	[sflag:s14] =	ssyncset.done $0x0  }
.LBB2_3:
0x7f: {  	s24 =	sadd.s32 $0x6E80, s25  }
0x80: {  	s29 =	sadd.s32 $0x680, s25;
	[sflag:s14] =	ssyncadd.s32 $0xFFFFFF80;
	s23 =	smov.u32 s26  }
0x81: {  	[tilespmem:s24], [sflag:$0x1] =	stream.indirect.gather [spmem:s2], $0x1, s29, s12, $0xb8;
	[tilespmem:$0x1C428] =	vst v63  }
0x82: {  	s30 =	sadd.s32 $0x700, s25;
	s24 =	sadd.s32 $0x1A00, s26;
	s29 =	sadd.s32 $0x6F00, s25  }
0x83: {  	[tilespmem:s29], [sflag:$0x1] =	stream.indirect.gather [spmem:s2], $0x1, s30, s12, $0xb8;
	[tilespmem:$0x1C428] =	vst v63  }
0x84: {  	p2 =	sne.s32 s26, $0x9C00;
	s26 =	sadd.s32 $0x6F80, s25;
	s29 =	sadd.s32 $0x780, s25  }
0x85: {  	[tilespmem:s26], [sflag:$0x1] =	stream.indirect.gather [spmem:s2], $0x1, s29, s12, $0xb8;
	[tilespmem:$0x1C428] =	vst v63  }
0x86: {  	s26 =	sadd.s32 $0x7000, s25;
	s29 =	sadd.s32 $0x800, s25  }
0x87: {  	[tilespmem:s26], [sflag:$0x1] =	stream.indirect.gather [spmem:s2], $0x1, s29, s12, $0xb8;
	[tilespmem:$0x1C428] =	vst v63  }
0x88: {  	s26 =	sadd.s32 $0x7080, s25;
	s29 =	sadd.s32 $0x880, s25  }
0x89: {  	[tilespmem:s26], [sflag:$0x1] =	stream.indirect.gather [spmem:s2], $0x1, s29, s12, $0xb8;
	[tilespmem:$0x1C428] =	vst v63  }
0x8a: {  	s26 =	sadd.s32 $0x7100, s25;
	s29 =	sadd.s32 $0x900, s25  }
0x8b: {  	[tilespmem:s26], [sflag:$0x1] =	stream.indirect.gather [spmem:s2], $0x1, s29, s12, $0xb8;
	[tilespmem:$0x1C428] =	vst v63  }
0x8c: {  	s26 =	sadd.s32 $0x7180, s25;
	s29 =	sadd.s32 $0x980, s25  }
0x8d: {  	[tilespmem:s26], [sflag:$0x1] =	stream.indirect.gather [spmem:s2], $0x1, s29, s12, $0xb8;
	[tilespmem:$0x1C428] =	vst v63  }
0x8e: {  	s26 =	sadd.s32 $0x7200, s25;
	s29 =	sadd.s32 $0xA00, s25  }
0x8f: {  	[tilespmem:s26], [sflag:$0x1] =	stream.indirect.gather [spmem:s2], $0x1, s29, s12, $0xb8;
	[tilespmem:$0x1C428] =	vst v63  }
0x90: {  	s26 =	sadd.s32 $0x7280, s25;
	s29 =	sadd.s32 $0xA80, s25  }
0x91: {  	[tilespmem:s26], [sflag:$0x1] =	stream.indirect.gather [spmem:s2], $0x1, s29, s12, $0xb8;
	[tilespmem:$0x1C428] =	vst v63  }
0x92: {  	s26 =	sadd.s32 $0x7300, s25;
	s29 =	sadd.s32 $0xB00, s25  }
0x93: {  	[tilespmem:s26], [sflag:$0x1] =	stream.indirect.gather [spmem:s2], $0x1, s29, s12, $0xb8;
	[tilespmem:$0x1C428] =	vst v63  }
0x94: {  	s26 =	sadd.s32 $0x7380, s25;
	s29 =	sadd.s32 $0xB80, s25  }
0x95: {  	[tilespmem:s26], [sflag:$0x1] =	stream.indirect.gather [spmem:s2], $0x1, s29, s12, $0xb8;
	[tilespmem:$0x1C428] =	vst v63  }
0x96: {  	s26 =	sadd.s32 $0x7400, s25;
	s29 =	sadd.s32 $0xC00, s25  }
0x97: {  	[tilespmem:s26], [sflag:$0x1] =	stream.indirect.gather [spmem:s2], $0x1, s29, s12, $0xb8;
	[tilespmem:$0x1C428] =	vst v63  }
0x98: {  	s26 =	sadd.s32 $0x7480, s25;
	s25 =	sadd.s32 $0xC80, s25  }
0x99: {  	[tilespmem:s26], [sflag:$0x1] =	stream.indirect.gather [spmem:s2], $0x1, s25, s12, $0xb8;
	[tilespmem:$0x1C428] =	vst v63  }
0x9a: {  	_ =	swait.ge [sflag:s14], $0x80  }
0x9b: {  	[sflag:s14] =	ssyncset.done $0x0  }
0x9c: {  	[sflag:s14] =	ssyncadd.s32 $0xFFFFFF80  }
0x9d: {  	_ =	swait.ge [sflag:s14], $0x80  }
0x9e: {  	[sflag:s14] =	ssyncset.done $0x0  }
0x9f: {  	[sflag:s14] =	ssyncadd.s32 $0xFFFFFF80  }
0xa0: {  	_ =	swait.ge [sflag:s14], $0x80  }
0xa1: {  	[sflag:s14] =	ssyncset.done $0x0  }
0xa2: {  	[sflag:s14] =	ssyncadd.s32 $0xFFFFFF80  }
0xa3: {  	_ =	swait.ge [sflag:s14], $0x80  }
0xa4: {  	[sflag:s14] =	ssyncset.done $0x0  }
0xa5: {  	[sflag:s14] =	ssyncadd.s32 $0xFFFFFF80  }
0xa6: {  	_ =	swait.ge [sflag:s14], $0x80  }
0xa7: {  	[sflag:s14] =	ssyncset.done $0x0  }
0xa8: {  	[sflag:s14] =	ssyncadd.s32 $0xFFFFFF80  }
0xa9: {  	_ =	swait.ge [sflag:s14], $0x80  }
0xaa: {  	[sflag:s14] =	ssyncset.done $0x0  }
0xab: {  	[sflag:s14] =	ssyncadd.s32 $0xFFFFFF80  }
0xac: {  	_ =	swait.ge [sflag:s14], $0x80  }
0xad: {  	[sflag:s14] =	ssyncset.done $0x0  }
0xae: {  	[sflag:s14] =	ssyncadd.s32 $0xFFFFFF80  }
0xaf: {  	_ =	swait.ge [sflag:s14], $0x80  }
0xb0: {  	[sflag:s14] =	ssyncset.done $0x0  }
0xb1: {  	[sflag:s14] =	ssyncadd.s32 $0xFFFFFF80  }
0xb2: {  	_ =	swait.ge [sflag:s14], $0x80  }
0xb3: {  	[sflag:s14] =	ssyncset.done $0x0  }
0xb4: {  	[sflag:s14] =	ssyncadd.s32 $0xFFFFFF80  }
0xb5: {  	_ =	swait.ge [sflag:s14], $0x80  }
0xb6: {  	[sflag:s14] =	ssyncset.done $0x0  }
0xb7: {  	[sflag:s14] =	ssyncadd.s32 $0xFFFFFF80  }
0xb8: {  	_ =	swait.ge [sflag:s14], $0x80  }
0xb9: {  	[sflag:s14] =	ssyncset.done $0x0  }
0xba: {  	[sflag:s14] =	ssyncadd.s32 $0xFFFFFF80  }
.Ltmp0:
0xbb: {  	_ =	swait.ge [sflag:s14], $0x80;
	(pc) =	sbr.rel @p2 .LBB2_3-.Ltmp0, $4  }
0xbc: {  	[sflag:s14] =	ssyncset.done $0x0  }
0xbd: {  	[sflag:s14] =	ssyncadd.s32 $0xFFFFFF80  }
0xbe: {  	_ =	swait.ge [sflag:s14], $0x80  }
0xbf: {  	s25 =	sshra.s32 s23, $0x2;
	s26 =	smov.u32 s24;
	[sflag:s14] =	ssyncset.done $0x0  }
0xc0: {  	s23 =	sadd.s32 $0x6E80, s25;
	s24 =	sadd.s32 $0x680, s25;
	[sflag:s14] =	ssyncadd.s32 $0xFFFFFF80  }
0xc1: {  	[tilespmem:s23], [sflag:$0x1] =	stream.indirect.gather [spmem:s2], $0x1, s24, s12, $0xb8;
	[tilespmem:$0x1C428] =	vst v63  }
0xc2: {  	s26 =	sadd.s32 $0x6F00, s25;
	s29 =	sadd.s32 $0x700, s25  }
0xc3: {  	[tilespmem:s26], [sflag:$0x1] =	stream.indirect.gather [spmem:s2], $0x1, s29, s12, $0xb8;
	[tilespmem:$0x1C428] =	vst v63  }
0xc4: {  	s30 =	sadd.s32 $0x6F80, s25;
	s31 =	sadd.s32 $0x780, s25  }
0xc5: {  	[tilespmem:s30], [sflag:$0x1] =	stream.indirect.gather [spmem:s2], $0x1, s31, s12, $0xb8;
	[tilespmem:$0x1C428] =	vst v63  }
0xc6: {  	s26 =	sadd.s32 $0x7000, s25;
	s29 =	sadd.s32 $0x800, s25  }
0xc7: {  	[tilespmem:s26], [sflag:$0x1] =	stream.indirect.gather [spmem:s2], $0x1, s29, s12, $0xb8;
	[tilespmem:$0x1C428] =	vst v63  }
0xc8: {  	s30 =	sadd.s32 $0x7080, s25;
	s31 =	sadd.s32 $0x880, s25  }
0xc9: {  	[tilespmem:s30], [sflag:$0x1] =	stream.indirect.gather [spmem:s2], $0x1, s31, s12, $0xb8;
	[tilespmem:$0x1C428] =	vst v63  }
0xca: {  	s26 =	sadd.s32 $0x7100, s25;
	s29 =	sadd.s32 $0x900, s25  }
0xcb: {  	[tilespmem:s26], [sflag:$0x1] =	stream.indirect.gather [spmem:s2], $0x1, s29, s12, $0xb8;
	[tilespmem:$0x1C428] =	vst v63  }
0xcc: {  	s30 =	sadd.s32 $0x7180, s25;
	s31 =	sadd.s32 $0x980, s25  }
0xcd: {  	[tilespmem:s30], [sflag:$0x1] =	stream.indirect.gather [spmem:s2], $0x1, s31, s12, $0xb8;
	[tilespmem:$0x1C428] =	vst v63  }
0xce: {  	s26 =	sadd.s32 $0x7200, s25;
	s29 =	sadd.s32 $0xA00, s25  }
0xcf: {  	[tilespmem:s26], [sflag:$0x1] =	stream.indirect.gather [spmem:s2], $0x1, s29, s12, $0xb8;
	[tilespmem:$0x1C428] =	vst v63  }
0xd0: {  	s30 =	sadd.s32 $0x7280, s25;
	s31 =	sadd.s32 $0xA80, s25  }
0xd1: {  	[tilespmem:s30], [sflag:$0x1] =	stream.indirect.gather [spmem:s2], $0x1, s31, s12, $0xb8;
	[tilespmem:$0x1C428] =	vst v63  }
0xd2: {  	s26 =	sadd.s32 $0x7300, s25;
	s29 =	sadd.s32 $0xB00, s25  }
0xd3: {  	[tilespmem:s26], [sflag:$0x1] =	stream.indirect.gather [spmem:s2], $0x1, s29, s12, $0xb8;
	[tilespmem:$0x1C428] =	vst v63  }
0xd4: {  	s30 =	sadd.s32 $0x7380, s25;
	s31 =	sadd.s32 $0xB80, s25  }
0xd5: {  	[tilespmem:s30], [sflag:$0x1] =	stream.indirect.gather [spmem:s2], $0x1, s31, s12, $0xb8;
	[tilespmem:$0x1C428] =	vst v63  }
0xd6: {  	s26 =	sadd.s32 $0x7400, s25;
	s29 =	sadd.s32 $0xC00, s25  }
0xd7: {  	[tilespmem:s26], [sflag:$0x1] =	stream.indirect.gather [spmem:s2], $0x1, s29, s12, $0xb8;
	[tilespmem:$0x1C428] =	vst v63  }
0xd8: {  	s30 =	sadd.s32 $0x7480, s25;
	s31 =	sadd.s32 $0xC80, s25  }
0xd9: {  	[tilespmem:s30], [sflag:$0x1] =	stream.indirect.gather [spmem:s2], $0x1, s31, s12, $0xb8;
	[tilespmem:$0x1C428] =	vst v63  }
0xda: {  	_ =	swait.ge [sflag:s14], $0x80  }
0xdb: {  	[sflag:s14] =	ssyncset.done $0x0  }
0xdc: {  	[sflag:s14] =	ssyncadd.s32 $0xFFFFFF80  }
0xdd: {  	_ =	swait.ge [sflag:s14], $0x80  }
0xde: {  	[sflag:s14] =	ssyncset.done $0x0  }
0xdf: {  	[sflag:s14] =	ssyncadd.s32 $0xFFFFFF80  }
0xe0: {  	_ =	swait.ge [sflag:s14], $0x80  }
0xe1: {  	[sflag:s14] =	ssyncset.done $0x0  }
0xe2: {  	[sflag:s14] =	ssyncadd.s32 $0xFFFFFF80  }
0xe3: {  	_ =	swait.ge [sflag:s14], $0x80  }
0xe4: {  	[sflag:s14] =	ssyncset.done $0x0  }
0xe5: {  	[sflag:s14] =	ssyncadd.s32 $0xFFFFFF80  }
0xe6: {  	_ =	swait.ge [sflag:s14], $0x80  }
0xe7: {  	[sflag:s14] =	ssyncset.done $0x0  }
0xe8: {  	[sflag:s14] =	ssyncadd.s32 $0xFFFFFF80  }
0xe9: {  	_ =	swait.ge [sflag:s14], $0x80  }
0xea: {  	[sflag:s14] =	ssyncset.done $0x0  }
0xeb: {  	[sflag:s14] =	ssyncadd.s32 $0xFFFFFF80  }
0xec: {  	_ =	swait.ge [sflag:s14], $0x80  }
0xed: {  	[sflag:s14] =	ssyncset.done $0x0  }
0xee: {  	[sflag:s14] =	ssyncadd.s32 $0xFFFFFF80  }
0xef: {  	_ =	swait.ge [sflag:s14], $0x80  }
0xf0: {  	[sflag:s14] =	ssyncset.done $0x0  }
0xf1: {  	[sflag:s14] =	ssyncadd.s32 $0xFFFFFF80  }
0xf2: {  	_ =	swait.ge [sflag:s14], $0x80  }
0xf3: {  	[sflag:s14] =	ssyncset.done $0x0  }
0xf4: {  	[sflag:s14] =	ssyncadd.s32 $0xFFFFFF80  }
0xf5: {  	_ =	swait.ge [sflag:s14], $0x80  }
0xf6: {  	[sflag:s14] =	ssyncset.done $0x0  }
0xf7: {  	[sflag:s14] =	ssyncadd.s32 $0xFFFFFF80  }
0xf8: {  	_ =	swait.ge [sflag:s14], $0x80  }
0xf9: {  	[sflag:s14] =	ssyncset.done $0x0  }
0xfa: {  	[sflag:s14] =	ssyncadd.s32 $0xFFFFFF80  }
0xfb: {  	_ =	swait.ge [sflag:s14], $0x80  }
0xfc: {  	[sflag:s14] =	ssyncset.done $0x0  }
0xfd: {  	[sflag:s14] =	ssyncadd.s32 $0xFFFFFF80  }
0xfe: {  	_ =	swait.ge [sflag:s14], $0x80  }
0xff: {  	[sflag:s14] =	ssyncset.done $0x0  }
0x100: {  	[sflag:s14] =	ssyncadd.s32 $0xFFFFFF80  }
0x101: {  	_ =	swait.ge [sflag:s14], $0x80  }
0x102: {  	[sflag:s14] =	ssyncset.done $0x0  }
0x103: {  	[sflag:s14] =	ssyncadd.s32 $0xFFFFFF80  }
0x104: {  	_ =	swait.ge [sflag:s14], $0x80  }
0x105: {  	[sflag:s14] =	ssyncset.done $0x0  }
0x106: {  	[sflag:s14] =	ssyncadd.s32 $0xFFFFFF80  }
0x107: {  	_ =	swait.ge [sflag:s14], $0x80  }
0x108: {  	[sflag:s14] =	ssyncset.done $0x0  }
0x109: {  	[sflag:s14] =	ssyncadd.s32 $0xFFFFFF80  }
0x10a: {  	_ =	swait.ge [sflag:s14], $0x80  }
0x10b: {  	[sflag:s14] =	ssyncset.done $0x0  }
0x10c: {  	[sflag:s14] =	ssyncadd.s32 $0xFFFFFF80  }
0x10d: {  	_ =	swait.ge [sflag:s14], $0x80  }
0x10e: {  	[sflag:s14] =	ssyncset.done $0x0  }
0x10f: {  	[sflag:s14] =	ssyncadd.s32 $0xFFFFFF80  }
0x110: {  	_ =	swait.ge [sflag:s14], $0x80  }
0x111: {  	[sflag:s14] =	ssyncset.done $0x0  }
0x112: {  	[sflag:s14] =	ssyncadd.s32 $0xFFFFFF80  }
0x113: {  	_ =	swait.ge [sflag:s14], $0x80  }
0x114: {  	[sflag:s14] =	ssyncset.done $0x0  }
0x115: {  	[sflag:s14] =	ssyncadd.s32 $0xFFFFFF80  }
0x116: {  	_ =	swait.ge [sflag:s14], $0x80  }
0x117: {  	[sflag:s14] =	ssyncset.done $0x0  }
0x118: {  	[sflag:s14] =	ssyncadd.s32 $0xFFFFFF80  }
0x119: {  	_ =	swait.ge [sflag:s14], $0x80  }
0x11a: {  	[sflag:s14] =	ssyncset.done $0x0  }
0x11b: {  	[sflag:s14] =	ssyncadd.s32 $0xFFFFFF80  }
0x11c: {  	_ =	swait.ge [sflag:s14], $0x80  }
0x11d: {  	[sflag:s14] =	ssyncset.done $0x0  }
0x11e: {  	[sflag:s14] =	ssyncadd.s32 $0xFFFFFF80  }
0x11f: {  	_ =	swait.ge [sflag:s14], $0x80  }
0x120: {  	[sflag:s14] =	ssyncset.done $0x0  }
0x121: {  	s22 =	sshrl.u32 s22, $0x3;
	[sflag:s14] =	ssyncadd.s32 $0xFFFFFF80  }
0x122: {  	s22 =	smul.u32 $0x340000, s22;
	_ =	swait.ge [sflag:s14], $0x80  }
0x123: {  	s25 =	sshll.u32 s21, $0x7;
	[sflag:s14] =	ssyncset.done $0x0  }
0x124: {  	s23 =	sand.u32 $0x380, s25;
	s26 =	sadd.s32 s5, s22;
	[sflag:s14] =	ssyncadd.s32 $0xFFFFFF80  }
0x125: {  	s24 =	sor.u32 s23, s26;
	_ =	swait.ge [sflag:s14], $0x80  }
0x126: {  	s24 =	sshrl.u32 s24, $0x3;
	[sflag:s14] =	ssyncset.done $0x0  }
0x127: {  	s24 =	sadd.s32 s4, s24;
	[sflag:s14] =	ssyncadd.s32 $0xFFFFFF80  }
0x128: {  	[hbm4b:s24+s12] =	stream.strided.scatter [tilespmem:s13], [sflag:$0x2], $0x3400, s28, s12, $0x38;
	[tilespmem:$0x1C428] =	vst v63  }
0x129: {  	s24 =	simm.s32 @!p1 $0x3  }
0x12a: {  	_ =	swait.ge @!p1 [sflag:s24], $0x3400  }
0x12b: {  	[sflag:s24] =	ssyncset.done @!p1 $0x0  }
0x12c: {  	s29 =	simm.s32 $0x3400;
	[sflag:s24] =	ssyncadd.s32 @!p1 $0xFFFFCC00  }
0x12d: {  	[tilespmem:s16], [sflag:$0x1] =	stream.indirect.gather [spmem:s2], $0x1, s29, s12, $0xb8;
	[tilespmem:$0x1C428] =	vst v63  }
0x12e: {  	s30 =	simm.s32 $0x3480;
	s31 =	simm.s32 $0x9C80  }
0x12f: {  	[tilespmem:s31], [sflag:$0x1] =	stream.indirect.gather [spmem:s2], $0x1, s30, s12, $0xb8;
	[tilespmem:$0x1C428] =	vst v63  }
0x130: {  	s26 =	simm.s32 $0x3500;
	s29 =	simm.s32 $0x9D00  }
0x131: {  	[tilespmem:s29], [sflag:$0x1] =	stream.indirect.gather [spmem:s2], $0x1, s26, s12, $0xb8;
	[tilespmem:$0x1C428] =	vst v63  }
0x132: {  	s30 =	simm.s32 $0x3580;
	s31 =	simm.s32 $0x9D80  }
0x133: {  	[tilespmem:s31], [sflag:$0x1] =	stream.indirect.gather [spmem:s2], $0x1, s30, s12, $0xb8;
	[tilespmem:$0x1C428] =	vst v63  }
0x134: {  	s26 =	simm.s32 $0x3600;
	s29 =	simm.s32 $0x9E00  }
0x135: {  	[tilespmem:s29], [sflag:$0x1] =	stream.indirect.gather [spmem:s2], $0x1, s26, s12, $0xb8;
	[tilespmem:$0x1C428] =	vst v63  }
0x136: {  	s30 =	simm.s32 $0x3680;
	s31 =	simm.s32 $0x9E80  }
0x137: {  	[tilespmem:s31], [sflag:$0x1] =	stream.indirect.gather [spmem:s2], $0x1, s30, s12, $0xb8;
	[tilespmem:$0x1C428] =	vst v63  }
0x138: {  	s25 =	simm.s32 $0x3700;
	s26 =	simm.s32 $0x9F00  }
0x139: {  	[tilespmem:s26], [sflag:$0x1] =	stream.indirect.gather [spmem:s2], $0x1, s25, s12, $0xb8;
	[tilespmem:$0x1C428] =	vst v63  }
0x13a: {  	s29 =	simm.s32 $0x3780  }
0x13b: {  	[tilespmem:s0], [sflag:$0x1] =	stream.indirect.gather [spmem:s2], $0x1, s29, s12, $0xb8;
	[tilespmem:$0x1C428] =	vst v63  }
0x13c: {  	_ = 	snop  }
0x13d: {  	[tilespmem:s6], [sflag:$0x1] =	stream.indirect.gather [spmem:s2], $0x1, s3, s12, $0xb8;
	[tilespmem:$0x1C428] =	vst v63  }
0x13e: {  	_ = 	snop  }
0x13f: {  	[tilespmem:s10], [sflag:$0x1] =	stream.indirect.gather [spmem:s2], $0x1, s9, s12, $0xb8;
	[tilespmem:$0x1C428] =	vst v63  }
0x140: {  	_ = 	snop  }
0x141: {  	[tilespmem:s15], [sflag:$0x1] =	stream.indirect.gather [spmem:s2], $0x1, s1, s12, $0xb8;
	[tilespmem:$0x1C428] =	vst v63  }
0x142: {  	_ = 	snop  }
0x143: {  	[tilespmem:s18], [sflag:$0x1] =	stream.indirect.gather [spmem:s2], $0x1, s17, s12, $0xb8;
	[tilespmem:$0x1C428] =	vst v63  }
0x144: {  	_ = 	snop  }
0x145: {  	[tilespmem:s20], [sflag:$0x1] =	stream.indirect.gather [spmem:s2], $0x1, s19, s12, $0xb8;
	[tilespmem:$0x1C428] =	vst v63  }
0x146: {  	s30 =	simm.s32 $0xA280;
	s31 =	simm.s32 $0x3A80  }
0x147: {  	[tilespmem:s30], [sflag:$0x1] =	stream.indirect.gather [spmem:s2], $0x1, s31, s12, $0xb8;
	[tilespmem:$0x1C428] =	vst v63  }
0x148: {  	s26 =	simm.s32 $0xA300;
	s29 =	simm.s32 $0x3B00  }
0x149: {  	[tilespmem:s26], [sflag:$0x1] =	stream.indirect.gather [spmem:s2], $0x1, s29, s12, $0xb8;
	[tilespmem:$0x1C428] =	vst v63  }
0x14a: {  	s30 =	simm.s32 $0xA380;
	s31 =	simm.s32 $0x3B80  }
0x14b: {  	[tilespmem:s30], [sflag:$0x1] =	stream.indirect.gather [spmem:s2], $0x1, s31, s12, $0xb8;
	[tilespmem:$0x1C428] =	vst v63  }
0x14c: {  	s26 =	simm.s32 $0xA400;
	s29 =	simm.s32 $0x3C00  }
0x14d: {  	[tilespmem:s26], [sflag:$0x1] =	stream.indirect.gather [spmem:s2], $0x1, s29, s12, $0xb8;
	[tilespmem:$0x1C428] =	vst v63  }
0x14e: {  	s30 =	simm.s32 $0xA480;
	s31 =	simm.s32 $0x3C80  }
0x14f: {  	[tilespmem:s30], [sflag:$0x1] =	stream.indirect.gather [spmem:s2], $0x1, s31, s12, $0xb8;
	[tilespmem:$0x1C428] =	vst v63  }
0x150: {  	s26 =	simm.s32 $0xA500;
	s29 =	simm.s32 $0x3D00  }
0x151: {  	[tilespmem:s26], [sflag:$0x1] =	stream.indirect.gather [spmem:s2], $0x1, s29, s12, $0xb8;
	[tilespmem:$0x1C428] =	vst v63  }
0x152: {  	s30 =	simm.s32 $0xA580;
	s31 =	simm.s32 $0x3D80  }
0x153: {  	[tilespmem:s30], [sflag:$0x1] =	stream.indirect.gather [spmem:s2], $0x1, s31, s12, $0xb8;
	[tilespmem:$0x1C428] =	vst v63  }
0x154: {  	s26 =	simm.s32 $0xA600;
	s29 =	simm.s32 $0x3E00  }
0x155: {  	[tilespmem:s26], [sflag:$0x1] =	stream.indirect.gather [spmem:s2], $0x1, s29, s12, $0xb8;
	[tilespmem:$0x1C428] =	vst v63  }
0x156: {  	s30 =	simm.s32 $0xA680;
	s31 =	simm.s32 $0x3E80  }
0x157: {  	[tilespmem:s30], [sflag:$0x1] =	stream.indirect.gather [spmem:s2], $0x1, s31, s12, $0xb8;
	[tilespmem:$0x1C428] =	vst v63  }
0x158: {  	s26 =	simm.s32 $0xA700;
	s29 =	simm.s32 $0x3F00  }
0x159: {  	[tilespmem:s26], [sflag:$0x1] =	stream.indirect.gather [spmem:s2], $0x1, s29, s12, $0xb8;
	[tilespmem:$0x1C428] =	vst v63  }
0x15a: {  	s30 =	simm.s32 $0xA780;
	s31 =	simm.s32 $0x3F80  }
0x15b: {  	[tilespmem:s30], [sflag:$0x1] =	stream.indirect.gather [spmem:s2], $0x1, s31, s12, $0xb8;
	[tilespmem:$0x1C428] =	vst v63  }
0x15c: {  	s26 =	simm.s32 $0xA800;
	s29 =	simm.s32 $0x4000  }
0x15d: {  	[tilespmem:s26], [sflag:$0x1] =	stream.indirect.gather [spmem:s2], $0x1, s29, s12, $0xb8;
	[tilespmem:$0x1C428] =	vst v63  }
0x15e: {  	s30 =	simm.s32 $0xA880;
	s31 =	simm.s32 $0x4080  }
0x15f: {  	[tilespmem:s30], [sflag:$0x1] =	stream.indirect.gather [spmem:s2], $0x1, s31, s12, $0xb8;
	[tilespmem:$0x1C428] =	vst v63  }
0x160: {  	_ =	swait.ge [sflag:s14], $0x80  }
0x161: {  	[sflag:s14] =	ssyncset.done $0x0  }
0x162: {  	[sflag:s14] =	ssyncadd.s32 $0xFFFFFF80  }
0x163: {  	_ =	swait.ge [sflag:s14], $0x80  }
0x164: {  	[sflag:s14] =	ssyncset.done $0x0  }
0x165: {  	[sflag:s14] =	ssyncadd.s32 $0xFFFFFF80  }
0x166: {  	_ =	swait.ge [sflag:s14], $0x80  }
0x167: {  	[sflag:s14] =	ssyncset.done $0x0  }
0x168: {  	[sflag:s14] =	ssyncadd.s32 $0xFFFFFF80  }
0x169: {  	_ =	swait.ge [sflag:s14], $0x80  }
0x16a: {  	[sflag:s14] =	ssyncset.done $0x0  }
0x16b: {  	[sflag:s14] =	ssyncadd.s32 $0xFFFFFF80  }
0x16c: {  	_ =	swait.ge [sflag:s14], $0x80  }
0x16d: {  	[sflag:s14] =	ssyncset.done $0x0  }
0x16e: {  	[sflag:s14] =	ssyncadd.s32 $0xFFFFFF80  }
0x16f: {  	_ =	swait.ge [sflag:s14], $0x80  }
0x170: {  	[sflag:s14] =	ssyncset.done $0x0  }
0x171: {  	[sflag:s14] =	ssyncadd.s32 $0xFFFFFF80  }
0x172: {  	_ =	swait.ge [sflag:s14], $0x80  }
0x173: {  	[sflag:s14] =	ssyncset.done $0x0  }
0x174: {  	[sflag:s14] =	ssyncadd.s32 $0xFFFFFF80  }
0x175: {  	_ =	swait.ge [sflag:s14], $0x80  }
0x176: {  	[sflag:s14] =	ssyncset.done $0x0  }
0x177: {  	[sflag:s14] =	ssyncadd.s32 $0xFFFFFF80  }
0x178: {  	_ =	swait.ge [sflag:s14], $0x80  }
0x179: {  	[sflag:s14] =	ssyncset.done $0x0  }
0x17a: {  	[sflag:s14] =	ssyncadd.s32 $0xFFFFFF80  }
0x17b: {  	_ =	swait.ge [sflag:s14], $0x80  }
0x17c: {  	[sflag:s14] =	ssyncset.done $0x0  }
0x17d: {  	[sflag:s14] =	ssyncadd.s32 $0xFFFFFF80  }
0x17e: {  	_ =	swait.ge [sflag:s14], $0x80  }
0x17f: {  	[sflag:s14] =	ssyncset.done $0x0  }
0x180: {  	[sflag:s14] =	ssyncadd.s32 $0xFFFFFF80  }
0x181: {  	_ =	swait.ge [sflag:s14], $0x80  }
0x182: {  	[sflag:s14] =	ssyncset.done $0x0  }
0x183: {  	[sflag:s14] =	ssyncadd.s32 $0xFFFFFF80  }
0x184: {  	_ =	swait.ge [sflag:s14], $0x80  }
0x185: {  	s25 =	simm.s32 $0x3400;
	s26 =	simm.s32 $0x680;
	[sflag:s14] =	ssyncset.done $0x0  }
.LBB2_5:
0x186: {  	s29 =	sadd.s32 $0xA280, s26  }
0x187: {  	s30 =	sadd.s32 $0x3A80, s26;
	[sflag:s14] =	ssyncadd.s32 $0xFFFFFF80;
	s24 =	smov.u32 s25  }
0x188: {  	[tilespmem:s29], [sflag:$0x1] =	stream.indirect.gather [spmem:s2], $0x1, s30, s12, $0xb8;
	[tilespmem:$0x1C428] =	vst v63  }
0x189: {  	s31 =	sadd.s32 $0x3B00, s26;
	s29 =	sadd.s32 $0x1A00, s25;
	s30 =	sadd.s32 $0xA300, s26  }
0x18a: {  	[tilespmem:s30], [sflag:$0x1] =	stream.indirect.gather [spmem:s2], $0x1, s31, s12, $0xb8;
	[tilespmem:$0x1C428] =	vst v63  }
0x18b: {  	p1 =	sne.s32 s25, $0x9C00;
	s25 =	sadd.s32 $0xA380, s26;
	s30 =	sadd.s32 $0x3B80, s26  }
0x18c: {  	[tilespmem:s25], [sflag:$0x1] =	stream.indirect.gather [spmem:s2], $0x1, s30, s12, $0xb8;
	[tilespmem:$0x1C428] =	vst v63  }
0x18d: {  	s25 =	sadd.s32 $0xA400, s26;
	s30 =	sadd.s32 $0x3C00, s26  }
0x18e: {  	[tilespmem:s25], [sflag:$0x1] =	stream.indirect.gather [spmem:s2], $0x1, s30, s12, $0xb8;
	[tilespmem:$0x1C428] =	vst v63  }
0x18f: {  	s25 =	sadd.s32 $0xA480, s26;
	s30 =	sadd.s32 $0x3C80, s26  }
0x190: {  	[tilespmem:s25], [sflag:$0x1] =	stream.indirect.gather [spmem:s2], $0x1, s30, s12, $0xb8;
	[tilespmem:$0x1C428] =	vst v63  }
0x191: {  	s25 =	sadd.s32 $0xA500, s26;
	s30 =	sadd.s32 $0x3D00, s26  }
0x192: {  	[tilespmem:s25], [sflag:$0x1] =	stream.indirect.gather [spmem:s2], $0x1, s30, s12, $0xb8;
	[tilespmem:$0x1C428] =	vst v63  }
0x193: {  	s25 =	sadd.s32 $0xA580, s26;
	s30 =	sadd.s32 $0x3D80, s26  }
0x194: {  	[tilespmem:s25], [sflag:$0x1] =	stream.indirect.gather [spmem:s2], $0x1, s30, s12, $0xb8;
	[tilespmem:$0x1C428] =	vst v63  }
0x195: {  	s25 =	sadd.s32 $0xA600, s26;
	s30 =	sadd.s32 $0x3E00, s26  }
0x196: {  	[tilespmem:s25], [sflag:$0x1] =	stream.indirect.gather [spmem:s2], $0x1, s30, s12, $0xb8;
	[tilespmem:$0x1C428] =	vst v63  }
0x197: {  	s25 =	sadd.s32 $0xA680, s26;
	s30 =	sadd.s32 $0x3E80, s26  }
0x198: {  	[tilespmem:s25], [sflag:$0x1] =	stream.indirect.gather [spmem:s2], $0x1, s30, s12, $0xb8;
	[tilespmem:$0x1C428] =	vst v63  }
0x199: {  	s25 =	sadd.s32 $0xA700, s26;
	s30 =	sadd.s32 $0x3F00, s26  }
0x19a: {  	[tilespmem:s25], [sflag:$0x1] =	stream.indirect.gather [spmem:s2], $0x1, s30, s12, $0xb8;
	[tilespmem:$0x1C428] =	vst v63  }
0x19b: {  	s25 =	sadd.s32 $0xA780, s26;
	s30 =	sadd.s32 $0x3F80, s26  }
0x19c: {  	[tilespmem:s25], [sflag:$0x1] =	stream.indirect.gather [spmem:s2], $0x1, s30, s12, $0xb8;
	[tilespmem:$0x1C428] =	vst v63  }
0x19d: {  	s25 =	sadd.s32 $0xA800, s26;
	s30 =	sadd.s32 $0x4000, s26  }
0x19e: {  	[tilespmem:s25], [sflag:$0x1] =	stream.indirect.gather [spmem:s2], $0x1, s30, s12, $0xb8;
	[tilespmem:$0x1C428] =	vst v63  }
0x19f: {  	s25 =	sadd.s32 $0xA880, s26;
	s26 =	sadd.s32 $0x4080, s26  }
0x1a0: {  	[tilespmem:s25], [sflag:$0x1] =	stream.indirect.gather [spmem:s2], $0x1, s26, s12, $0xb8;
	[tilespmem:$0x1C428] =	vst v63  }
0x1a1: {  	_ =	swait.ge [sflag:s14], $0x80  }
0x1a2: {  	[sflag:s14] =	ssyncset.done $0x0  }
0x1a3: {  	[sflag:s14] =	ssyncadd.s32 $0xFFFFFF80  }
0x1a4: {  	_ =	swait.ge [sflag:s14], $0x80  }
0x1a5: {  	[sflag:s14] =	ssyncset.done $0x0  }
0x1a6: {  	[sflag:s14] =	ssyncadd.s32 $0xFFFFFF80  }
0x1a7: {  	_ =	swait.ge [sflag:s14], $0x80  }
0x1a8: {  	[sflag:s14] =	ssyncset.done $0x0  }
0x1a9: {  	[sflag:s14] =	ssyncadd.s32 $0xFFFFFF80  }
0x1aa: {  	_ =	swait.ge [sflag:s14], $0x80  }
0x1ab: {  	[sflag:s14] =	ssyncset.done $0x0  }
0x1ac: {  	[sflag:s14] =	ssyncadd.s32 $0xFFFFFF80  }
0x1ad: {  	_ =	swait.ge [sflag:s14], $0x80  }
0x1ae: {  	[sflag:s14] =	ssyncset.done $0x0  }
0x1af: {  	[sflag:s14] =	ssyncadd.s32 $0xFFFFFF80  }
0x1b0: {  	_ =	swait.ge [sflag:s14], $0x80  }
0x1b1: {  	[sflag:s14] =	ssyncset.done $0x0  }
0x1b2: {  	[sflag:s14] =	ssyncadd.s32 $0xFFFFFF80  }
0x1b3: {  	_ =	swait.ge [sflag:s14], $0x80  }
0x1b4: {  	[sflag:s14] =	ssyncset.done $0x0  }
0x1b5: {  	[sflag:s14] =	ssyncadd.s32 $0xFFFFFF80  }
0x1b6: {  	_ =	swait.ge [sflag:s14], $0x80  }
0x1b7: {  	[sflag:s14] =	ssyncset.done $0x0  }
0x1b8: {  	[sflag:s14] =	ssyncadd.s32 $0xFFFFFF80  }
0x1b9: {  	_ =	swait.ge [sflag:s14], $0x80  }
0x1ba: {  	[sflag:s14] =	ssyncset.done $0x0  }
0x1bb: {  	[sflag:s14] =	ssyncadd.s32 $0xFFFFFF80  }
0x1bc: {  	_ =	swait.ge [sflag:s14], $0x80  }
0x1bd: {  	[sflag:s14] =	ssyncset.done $0x0  }
0x1be: {  	[sflag:s14] =	ssyncadd.s32 $0xFFFFFF80  }
0x1bf: {  	_ =	swait.ge [sflag:s14], $0x80  }
0x1c0: {  	[sflag:s14] =	ssyncset.done $0x0  }
0x1c1: {  	[sflag:s14] =	ssyncadd.s32 $0xFFFFFF80  }
.Ltmp1:
0x1c2: {  	_ =	swait.ge [sflag:s14], $0x80;
	(pc) =	sbr.rel @p1 .LBB2_5-.Ltmp1, $4  }
0x1c3: {  	[sflag:s14] =	ssyncset.done $0x0  }
0x1c4: {  	[sflag:s14] =	ssyncadd.s32 $0xFFFFFF80  }
0x1c5: {  	_ =	swait.ge [sflag:s14], $0x80  }
0x1c6: {  	s26 =	sshra.s32 s24, $0x2;
	s25 =	smov.u32 s29;
	[sflag:s14] =	ssyncset.done $0x0  }
0x1c7: {  	s24 =	sadd.s32 $0xA280, s26;
	s25 =	sadd.s32 $0x3A80, s26;
	[sflag:s14] =	ssyncadd.s32 $0xFFFFFF80  }
0x1c8: {  	[tilespmem:s24], [sflag:$0x1] =	stream.indirect.gather [spmem:s2], $0x1, s25, s12, $0xb8;
	[tilespmem:$0x1C428] =	vst v63  }
0x1c9: {  	s29 =	sadd.s32 $0x3B00, s26;
	s25 =	sadd.s32 $0xA300, s26  }
0x1ca: {  	[tilespmem:s25], [sflag:$0x1] =	stream.indirect.gather [spmem:s2], $0x1, s29, s12, $0xb8;
	[tilespmem:$0x1C428] =	vst v63  }
0x1cb: {  	s30 =	sadd.s32 $0xA380, s26;
	s31 =	sadd.s32 $0x3B80, s26  }
0x1cc: {  	[tilespmem:s30], [sflag:$0x1] =	stream.indirect.gather [spmem:s2], $0x1, s31, s12, $0xb8;
	[tilespmem:$0x1C428] =	vst v63  }
0x1cd: {  	s25 =	sadd.s32 $0xA400, s26;
	s29 =	sadd.s32 $0x3C00, s26  }
0x1ce: {  	[tilespmem:s25], [sflag:$0x1] =	stream.indirect.gather [spmem:s2], $0x1, s29, s12, $0xb8;
	[tilespmem:$0x1C428] =	vst v63  }
0x1cf: {  	s30 =	sadd.s32 $0xA480, s26;
	s31 =	sadd.s32 $0x3C80, s26  }
0x1d0: {  	[tilespmem:s30], [sflag:$0x1] =	stream.indirect.gather [spmem:s2], $0x1, s31, s12, $0xb8;
	[tilespmem:$0x1C428] =	vst v63  }
0x1d1: {  	s25 =	sadd.s32 $0xA500, s26;
	s29 =	sadd.s32 $0x3D00, s26  }
0x1d2: {  	[tilespmem:s25], [sflag:$0x1] =	stream.indirect.gather [spmem:s2], $0x1, s29, s12, $0xb8;
	[tilespmem:$0x1C428] =	vst v63  }
0x1d3: {  	s30 =	sadd.s32 $0xA580, s26;
	s31 =	sadd.s32 $0x3D80, s26  }
0x1d4: {  	[tilespmem:s30], [sflag:$0x1] =	stream.indirect.gather [spmem:s2], $0x1, s31, s12, $0xb8;
	[tilespmem:$0x1C428] =	vst v63  }
0x1d5: {  	s25 =	sadd.s32 $0xA600, s26;
	s29 =	sadd.s32 $0x3E00, s26  }
0x1d6: {  	[tilespmem:s25], [sflag:$0x1] =	stream.indirect.gather [spmem:s2], $0x1, s29, s12, $0xb8;
	[tilespmem:$0x1C428] =	vst v63  }
0x1d7: {  	s30 =	sadd.s32 $0xA680, s26;
	s31 =	sadd.s32 $0x3E80, s26  }
0x1d8: {  	[tilespmem:s30], [sflag:$0x1] =	stream.indirect.gather [spmem:s2], $0x1, s31, s12, $0xb8;
	[tilespmem:$0x1C428] =	vst v63  }
0x1d9: {  	s25 =	sadd.s32 $0xA700, s26;
	s29 =	sadd.s32 $0x3F00, s26  }
0x1da: {  	[tilespmem:s25], [sflag:$0x1] =	stream.indirect.gather [spmem:s2], $0x1, s29, s12, $0xb8;
	[tilespmem:$0x1C428] =	vst v63  }
0x1db: {  	s30 =	sadd.s32 $0xA780, s26;
	s31 =	sadd.s32 $0x3F80, s26  }
0x1dc: {  	[tilespmem:s30], [sflag:$0x1] =	stream.indirect.gather [spmem:s2], $0x1, s31, s12, $0xb8;
	[tilespmem:$0x1C428] =	vst v63  }
0x1dd: {  	s25 =	sadd.s32 $0xA800, s26;
	s29 =	sadd.s32 $0x4000, s26  }
0x1de: {  	[tilespmem:s25], [sflag:$0x1] =	stream.indirect.gather [spmem:s2], $0x1, s29, s12, $0xb8;
	[tilespmem:$0x1C428] =	vst v63  }
0x1df: {  	s30 =	sadd.s32 $0xA880, s26;
	s31 =	sadd.s32 $0x4080, s26  }
0x1e0: {  	[tilespmem:s30], [sflag:$0x1] =	stream.indirect.gather [spmem:s2], $0x1, s31, s12, $0xb8;
	[tilespmem:$0x1C428] =	vst v63  }
0x1e1: {  	_ =	swait.ge [sflag:s14], $0x80  }
0x1e2: {  	[sflag:s14] =	ssyncset.done $0x0  }
0x1e3: {  	[sflag:s14] =	ssyncadd.s32 $0xFFFFFF80  }
0x1e4: {  	_ =	swait.ge [sflag:s14], $0x80  }
0x1e5: {  	[sflag:s14] =	ssyncset.done $0x0  }
0x1e6: {  	[sflag:s14] =	ssyncadd.s32 $0xFFFFFF80  }
0x1e7: {  	_ =	swait.ge [sflag:s14], $0x80  }
0x1e8: {  	[sflag:s14] =	ssyncset.done $0x0  }
0x1e9: {  	[sflag:s14] =	ssyncadd.s32 $0xFFFFFF80  }
0x1ea: {  	_ =	swait.ge [sflag:s14], $0x80  }
0x1eb: {  	[sflag:s14] =	ssyncset.done $0x0  }
0x1ec: {  	[sflag:s14] =	ssyncadd.s32 $0xFFFFFF80  }
0x1ed: {  	_ =	swait.ge [sflag:s14], $0x80  }
0x1ee: {  	[sflag:s14] =	ssyncset.done $0x0  }
0x1ef: {  	[sflag:s14] =	ssyncadd.s32 $0xFFFFFF80  }
0x1f0: {  	_ =	swait.ge [sflag:s14], $0x80  }
0x1f1: {  	[sflag:s14] =	ssyncset.done $0x0  }
0x1f2: {  	[sflag:s14] =	ssyncadd.s32 $0xFFFFFF80  }
0x1f3: {  	_ =	swait.ge [sflag:s14], $0x80  }
0x1f4: {  	[sflag:s14] =	ssyncset.done $0x0  }
0x1f5: {  	[sflag:s14] =	ssyncadd.s32 $0xFFFFFF80  }
0x1f6: {  	_ =	swait.ge [sflag:s14], $0x80  }
0x1f7: {  	[sflag:s14] =	ssyncset.done $0x0  }
0x1f8: {  	[sflag:s14] =	ssyncadd.s32 $0xFFFFFF80  }
0x1f9: {  	_ =	swait.ge [sflag:s14], $0x80  }
0x1fa: {  	[sflag:s14] =	ssyncset.done $0x0  }
0x1fb: {  	[sflag:s14] =	ssyncadd.s32 $0xFFFFFF80  }
0x1fc: {  	_ =	swait.ge [sflag:s14], $0x80  }
0x1fd: {  	[sflag:s14] =	ssyncset.done $0x0  }
0x1fe: {  	[sflag:s14] =	ssyncadd.s32 $0xFFFFFF80  }
0x1ff: {  	_ =	swait.ge [sflag:s14], $0x80  }
0x200: {  	[sflag:s14] =	ssyncset.done $0x0  }
0x201: {  	[sflag:s14] =	ssyncadd.s32 $0xFFFFFF80  }
0x202: {  	_ =	swait.ge [sflag:s14], $0x80  }
0x203: {  	[sflag:s14] =	ssyncset.done $0x0  }
0x204: {  	[sflag:s14] =	ssyncadd.s32 $0xFFFFFF80  }
0x205: {  	_ =	swait.ge [sflag:s14], $0x80  }
0x206: {  	[sflag:s14] =	ssyncset.done $0x0  }
0x207: {  	[sflag:s14] =	ssyncadd.s32 $0xFFFFFF80  }
0x208: {  	_ =	swait.ge [sflag:s14], $0x80  }
0x209: {  	[sflag:s14] =	ssyncset.done $0x0  }
0x20a: {  	[sflag:s14] =	ssyncadd.s32 $0xFFFFFF80  }
0x20b: {  	_ =	swait.ge [sflag:s14], $0x80  }
0x20c: {  	[sflag:s14] =	ssyncset.done $0x0  }
0x20d: {  	[sflag:s14] =	ssyncadd.s32 $0xFFFFFF80  }
0x20e: {  	_ =	swait.ge [sflag:s14], $0x80  }
0x20f: {  	[sflag:s14] =	ssyncset.done $0x0  }
0x210: {  	[sflag:s14] =	ssyncadd.s32 $0xFFFFFF80  }
0x211: {  	_ =	swait.ge [sflag:s14], $0x80  }
0x212: {  	[sflag:s14] =	ssyncset.done $0x0  }
0x213: {  	[sflag:s14] =	ssyncadd.s32 $0xFFFFFF80  }
0x214: {  	_ =	swait.ge [sflag:s14], $0x80  }
0x215: {  	[sflag:s14] =	ssyncset.done $0x0  }
0x216: {  	[sflag:s14] =	ssyncadd.s32 $0xFFFFFF80  }
0x217: {  	_ =	swait.ge [sflag:s14], $0x80  }
0x218: {  	[sflag:s14] =	ssyncset.done $0x0  }
0x219: {  	[sflag:s14] =	ssyncadd.s32 $0xFFFFFF80  }
0x21a: {  	_ =	swait.ge [sflag:s14], $0x80  }
0x21b: {  	[sflag:s14] =	ssyncset.done $0x0  }
0x21c: {  	[sflag:s14] =	ssyncadd.s32 $0xFFFFFF80  }
0x21d: {  	_ =	swait.ge [sflag:s14], $0x80  }
0x21e: {  	[sflag:s14] =	ssyncset.done $0x0  }
0x21f: {  	[sflag:s14] =	ssyncadd.s32 $0xFFFFFF80  }
0x220: {  	_ =	swait.ge [sflag:s14], $0x80  }
0x221: {  	[sflag:s14] =	ssyncset.done $0x0  }
0x222: {  	[sflag:s14] =	ssyncadd.s32 $0xFFFFFF80  }
0x223: {  	_ =	swait.ge [sflag:s14], $0x80  }
0x224: {  	[sflag:s14] =	ssyncset.done $0x0  }
0x225: {  	[sflag:s14] =	ssyncadd.s32 $0xFFFFFF80  }
0x226: {  	_ =	swait.ge [sflag:s14], $0x80  }
0x227: {  	[sflag:s14] =	ssyncset.done $0x0  }
0x228: {  	[sflag:s14] =	ssyncadd.s32 $0xFFFFFF80  }
0x229: {  	_ =	swait.ge [sflag:s14], $0x80  }
0x22a: {  	[sflag:s14] =	ssyncset.done $0x0  }
0x22b: {  	s22 =	sadd.s32 s8, s22;
	s21 =	sadd.s32 $0x1, s21;
	[sflag:s14] =	ssyncadd.s32 $0xFFFFFF80  }
0x22c: {  	s22 =	sor.u32 s23, s22;
	p1 =	sne.s32 s21, $0x10;
	_ =	swait.ge [sflag:s14], $0x80  }
.Ltmp2:
0x22d: {  	s22 =	sshrl.u32 s22, $0x3;
	[sflag:s14] =	ssyncset.done $0x0;
	(pc) =	sbr.rel @p1 .LBB2_2-.Ltmp2, $3  }
0x22e: {  	s22 =	sadd.s32 s4, s22;
	[sflag:s14] =	ssyncadd.s32 $0xFFFFFF80  }
0x22f: {  	[hbm4b:s22+s12] =	stream.strided.scatter [tilespmem:s16], [sflag:$0x3], $0x3400, s28, s12, $0x38;
	[tilespmem:$0x1C428] =	vst v63  }
0x230: {  	[bflag:$0x0] =	sbarrier.arrive $0xFFFF;
	_ =	sdelay $0x1  }
0x231: {  	s21 =	simm.s32 $0x2  }
0x232: {  	_ =	swait.ge [sflag:s21], $0x3400  }
0x233: {  	[sflag:s21] =	ssyncset.done $0x0  }
0x234: {  	s22 =	simm.s32 $0x3;
	[sflag:s21] =	ssyncadd.s32 $0xFFFFCC00  }
0x235: {  	_ =	swait.ge [sflag:s22], $0x3400  }
0x236: {  	s23 =	rddreg [dreg:$0x7]  }
0x237: {  	s31 =	rddreg [dreg:$0x6];
	s23 =	sadd.s32 $0x1, s23  }
0x238: {  	p1 =	sne.s32 s23, s31  }
.Ltmp3:
0x239: {  	_ = 	snop;
	(pc) =	sbr.rel @p1 .LBB2_1-.Ltmp3, $3  }
0x23a: {  	_ =	sdelay $0x1  }
0x23b: {  	[sflag:s22] =	ssyncset.done $0x0  }
0x23c: {  	[sflag:s22] =	ssyncadd.s32 $0xFFFFCC00  }
0x23d: {  	_ =	sfence.sel $0x180000  }
0x23e: {  	[bflag:$0x0] =	sbarrier.arrive $0xFFFF  }
0x23f: {  	_ =	strace $0x90000047  }
0x240: {  	[bflag:$0x2] =	sbarrier.arrive $0xFFFF  }
0x241: {  	s0 =	rddreg [dreg:$0x4]  }
0x242: {  	s0 =	sadd.s32 @!p0 $0x100000, s0  }
0x243: {  	[sflag:s0] =	ssyncadd.tile.s32 @!p0 $0x1;
	_ =	shalt  }
.Lfunc_end2:
_tile_overlayer_lowered:
.L_overlay_start_2:
0x244: {  	(tag) =	ssettag $0x2  }
0x245: {  	s0 =	rddreg [dreg:$0x0];
	s2 =	stileid.u32  }
0x246: {  	s1 =	rddreg [dreg:$0x1];
	p0 =	sne.s32 s2, $0x0  }
0x247: {  	s3 =	rddreg [dreg:$0x2];
	[bflag:$0x3] =	sbarrier.arrive $0xFFFF;
	s2 =	simm.s32 @!p0 $0x1C04  }
0x248: {  	[timem:s3], [sflag:s2] =	dma.local @!p0 [hbm:s0], s1  }
0x249: {  	s0 =	simm.s32 @!p0 $0x4  }
0x24a: {  	_ =	swait.ge @!p0 [sflag:s0], s1  }
0x24b: {  	s1 =	ssub.s32 @!p0 $0x0, s1;
	[sflag:s0] =	ssyncset.done @!p0 $0x0  }
0x24c: {  	[sflag:s0] =	ssyncadd.s32 @!p0 s1  }
0x24d: {  	[bflag:$0x3] =	sbarrier.arrive $0xFFFF  }
0x24e: {  	_ =	shalt  }

</sc_bundles>
